<compile_context>
chip_gen: v7x
topology: tpu7x:2x2x1
jax: 0.10.2.dev20260603
libtpu: 0.0.44.dev20260713+nightly
codegen_flags: <defaults>
</compile_context>

<pallas_src>
import jax
import jax.numpy as jnp
from jax import lax
from jax.experimental import pallas as pl
from jax.experimental.pallas import tpu as pltpu
from jax.experimental.pallas import tpu_sc as plsc

B, C, H, W = 64, 3, 512, 512
L = 16
NC, NS = 2, 16
NWORK = NC * NS
ROWS_PER_W = B // NWORK
NBUF = 3
HB = 32
CPP = H // HB
CPR = C * CPP
NCHUNK = ROWS_PER_W * CPR
NGROUP = NCHUNK // NBUF


def _sc_body(in_hbm, p_hbm, m_hbm, out_hbm, pm_v, *scratch):
    bufs_in = scratch[:NBUF]
    bufs_out = scratch[NBUF:2 * NBUF]
    sem_in = scratch[2 * NBUF:3 * NBUF]
    sem_out = scratch[3 * NBUF:4 * NBUF]
    sem_pm = scratch[4 * NBUF]

    wid = lax.axis_index("s") * NC + lax.axis_index("c")
    b0 = wid * ROWS_PER_W

    pltpu.async_copy(p_hbm.at[pl.ds(wid * (ROWS_PER_W * L), ROWS_PER_W * L)],
                     pm_v.at[pl.ds(0, ROWS_PER_W * L)], sem_pm)
    pltpu.async_copy(m_hbm.at[pl.ds(wid * (ROWS_PER_W * L), ROWS_PER_W * L)],
                     pm_v.at[pl.ds(ROWS_PER_W * L, ROWS_PER_W * L)], sem_pm)

    def chunk_coords(k):
        r = k // CPR
        rem = k - r * CPR
        c = rem // CPP
        h0 = (rem - c * CPP) * HB
        return b0 + r, r, c, h0

    for b in range(NBUF):
        pltpu.async_copy(in_hbm.at[b0, 0, pl.ds(b * HB, HB), :],
                         bufs_in[b], sem_in[b])

    pltpu.make_async_copy(p_hbm.at[pl.ds(0, ROWS_PER_W * L)],
                          pm_v.at[pl.ds(0, ROWS_PER_W * L)], sem_pm).wait()
    pltpu.make_async_copy(p_hbm.at[pl.ds(0, ROWS_PER_W * L)],
                          pm_v.at[pl.ds(0, ROWS_PER_W * L)], sem_pm).wait()

    addends = []
    for r in range(ROWS_PER_W):
        pvec = pm_v[pl.ds(r * L, L)]
        mvec = pm_v[pl.ds(ROWS_PER_W * L + r * L, L)]
        addends.append(jnp.where(pvec != 0.0, mvec, 0.0))

    def group(g, _):
        for b in range(NBUF):
            k = g * NBUF + b
            bi, r, c, h0 = chunk_coords(k)

            pltpu.make_async_copy(in_hbm.at[bi, c, pl.ds(h0, HB), :],
                                  bufs_in[b], sem_in[b]).wait()

            @pl.when(g >= 1)
            def _():
                pltpu.make_async_copy(
                    bufs_out[b], out_hbm.at[b0, 0, pl.ds(0, HB), :],
                    sem_out[b]).wait()

            addend = jnp.where(r == 0, addends[0], addends[1])

            @plsc.parallel_loop(0, HB)
            def _(i):
                for j in range(W // L):
                    sl = pl.ds(j * L, L)
                    bufs_out[b][i, sl] = bufs_in[b][i, sl] + addend

            pltpu.async_copy(bufs_out[b], out_hbm.at[bi, c, pl.ds(h0, HB), :],
                             sem_out[b])

            @pl.when(g < NGROUP - 1)
            def _():
                bn, _, cn, hn = chunk_coords(k + NBUF)
                pltpu.async_copy(in_hbm.at[bn, cn, pl.ds(hn, HB), :],
                                 bufs_in[b], sem_in[b])
        return 0

    lax.fori_loop(0, NGROUP, group, 0)

    for b in range(NBUF):
        pltpu.make_async_copy(bufs_out[b], out_hbm.at[b0, 0, pl.ds(0, HB), :],
                              sem_out[b]).wait()


_sc_kernel = pl.kernel(
    _sc_body,
    out_type=jax.ShapeDtypeStruct((B, C, H, W), jnp.float32),
    mesh=plsc.VectorSubcoreMesh(core_axis_name="c", subcore_axis_name="s",
                                num_cores=NC, num_subcores=NS),
    scratch_types=(
        [pltpu.VMEM((2 * ROWS_PER_W * L,), jnp.float32)]
        + [pltpu.VMEM((HB, W), jnp.float32) for _ in range(2 * NBUF)]
        + [pltpu.SemaphoreType.DMA for _ in range(2 * NBUF + 1)]
    ),
    compiler_params=pltpu.CompilerParams(use_tc_tiling_on_sc=True),
)


def kernel(input, probs, magnitudes):
    p_b = jnp.broadcast_to(probs.astype(jnp.float32)[:, None], (B, L)).reshape(B * L)
    m_b = jnp.broadcast_to(magnitudes[:, None], (B, L)).reshape(B * L)
    return _sc_kernel(input, p_b, m_b)

# --- scband reference (transcript-rebuilt; emitter-appended) ---
"""Pipeline reference for scband-augment-operation-55456617726274 (READ-ONLY COPY).

The authoritative reference and input builder live on the scoring server;
editing this copy changes nothing except your own understanding.
"""

import jax, jax.numpy as jnp
import numpy as np

B, C, H, W = 64, 3, 512, 512


def setup_inputs(seed: int = 0) -> dict:
    key = jax.random.key(seed)
    k1, k2, k3 = jax.random.split(key, 3)
    inp = jax.random.normal(k1, (B, C, H, W), dtype=jnp.float32)
    # per-sample Bernoulli apply mask (what generate_parameters would sample from DynamicBernoulli(p))
    probs = jax.random.randint(k2, (B,), 0, 2).astype(jnp.bool_)
    # per-sample magnitude sampled from DynamicUniform(0.0, 1.0) sampler
    magnitudes = jax.random.uniform(k3, (B,), dtype=jnp.float32)
    return {"input": inp, "probs": probs, "magnitudes": magnitudes}


def _forward_transform(inp, magnitudes):
    # Concrete instantiation of the abstract forwad_transform: additive (brightness-style)
    # augmentation parameterized by the sampled per-sample magnitude.
    return inp + magnitudes.reshape(-1, 1, 1, 1)


def reference(input, probs, magnitudes):
    # AugmentOperation.forward with externally supplied params=Parameters(probs, [magnitudes]).
    # Torch code:
    #   if (probs == 0).all(): return input
    #   if (probs == 1).all(): return forwad_transform(input, params)
    #   inp = input[probs]; out = forwad_transform(inp, params); input[probs] = out; return input
    # The masked gather -> transform -> masked scatter-overwrite is expressed as a
    # select over the batch dim, which is mathematically identical for all three branches.
    probs = probs.astype(jnp.bool_)
    transformed = _forward_transform(input, magnitudes)
    out = jnp.where(probs.reshape(-1, 1, 1, 1), transformed, input)
    return out

if __name__ == "__main__":
    import jax
    _d = setup_inputs()
    print(jax.jit(kernel)(*tuple(_d.values())))

</pallas_src>

<mosaic_0001>
#map = affine_map<(d0, d1) -> (0, 0, 0, 0)>
#map1 = affine_map<(d0, d1) -> (0)>
module attributes {stable_mosaic.version = 14 : i64} {
  func.func @_sc_body(%arg0: i32, %arg1: i32, %arg2: memref<64x3x512x512xf32, #tpu.memory_space<hbm>>, %arg3: memref<1024xf32, #tpu.memory_space<hbm>>, %arg4: memref<1024xf32, #tpu.memory_space<hbm>>, %arg5: memref<64x3x512x512xf32, #tpu.memory_space<hbm>>, %arg6: memref<64xf32, #tpu.memory_space<vmem>>, %arg7: memref<32x512xf32, #tpu.memory_space<vmem>>, %arg8: memref<32x512xf32, #tpu.memory_space<vmem>>, %arg9: memref<32x512xf32, #tpu.memory_space<vmem>>, %arg10: memref<32x512xf32, #tpu.memory_space<vmem>>, %arg11: memref<32x512xf32, #tpu.memory_space<vmem>>, %arg12: memref<32x512xf32, #tpu.memory_space<vmem>>, %arg13: memref<!tpu.dma_semaphore, #tpu.memory_space<semaphore_mem>>, %arg14: memref<!tpu.dma_semaphore, #tpu.memory_space<semaphore_mem>>, %arg15: memref<!tpu.dma_semaphore, #tpu.memory_space<semaphore_mem>>, %arg16: memref<!tpu.dma_semaphore, #tpu.memory_space<semaphore_mem>>, %arg17: memref<!tpu.dma_semaphore, #tpu.memory_space<semaphore_mem>>, %arg18: memref<!tpu.dma_semaphore, #tpu.memory_space<semaphore_mem>>, %arg19: memref<!tpu.dma_semaphore, #tpu.memory_space<semaphore_mem>>) attributes {dimension_semantics = [#tpu.dimension_semantics<core_parallel>, #tpu.dimension_semantics<subcore_parallel>], iteration_bounds = array<i64: 2, 16>, scalar_prefetch = 0 : i64, scratch_operands = 14 : i64, tpu.core_type = #tpu.core_type<sc_vector_subcore>, window_params = [{transform_indices = #map}, {transform_indices = #map1}, {transform_indices = #map1}, {transform_indices = #map}]} {
    %mul3A = arith.constant 2 : i32
    %mul3A_0 = arith.muli %arg1, %mul3A : i32
    %add3A = arith.addi %mul3A_0, %arg0 : i32
    %mul3A_1 = arith.constant 2 : i32
    %mul3A_2 = arith.muli %add3A, %mul3A_1 : i32
    %mul3A_3 = arith.constant 32 : i32
    %mul3A_4 = arith.muli %add3A, %mul3A_3 : i32
    %dma_start3A = arith.constant 0 : i32
    %dma_start3A_5 = tpu.memref_slice %arg6[%dma_start3A] : memref<64xf32, #tpu.memory_space<vmem>> -> memref<32xf32, #tpu.memory_space<vmem>>
    %dma_start3A_6 = tpu.memref_slice %arg3[%mul3A_4] : memref<1024xf32, #tpu.memory_space<hbm>> -> memref<32xf32, #tpu.memory_space<hbm>>
    %dma_start3A_7 = arith.constant 0 : i32
    %dma_start3A_8 = tpu.memref_slice %arg6[%dma_start3A_7] : memref<64xf32, #tpu.memory_space<vmem>> -> memref<32xf32, #tpu.memory_space<vmem>>
    %dma_start3A_9 = tpu.memref_slice %arg3[%mul3A_4] : memref<1024xf32, #tpu.memory_space<hbm>> -> memref<32xf32, #tpu.memory_space<hbm>>
    tpu.enqueue_dma source(%dma_start3A_9 : memref<32xf32, #tpu.memory_space<hbm>>) target(%dma_start3A_8 : memref<32xf32, #tpu.memory_space<vmem>>) target_semaphore(%arg19 : memref<!tpu.dma_semaphore, #tpu.memory_space<semaphore_mem>>)
    %mul3A_10 = arith.constant 32 : i32
    %mul3A_11 = arith.muli %add3A, %mul3A_10 : i32
    %dma_start3A_12 = arith.constant 32 : i32
    %dma_start3A_13 = tpu.memref_slice %arg6[%dma_start3A_12] : memref<64xf32, #tpu.memory_space<vmem>> -> memref<32xf32, #tpu.memory_space<vmem>>
    %dma_start3A_14 = tpu.memref_slice %arg4[%mul3A_11] : memref<1024xf32, #tpu.memory_space<hbm>> -> memref<32xf32, #tpu.memory_space<hbm>>
    %dma_start3A_15 = arith.constant 32 : i32
    %dma_start3A_16 = tpu.memref_slice %arg6[%dma_start3A_15] : memref<64xf32, #tpu.memory_space<vmem>> -> memref<32xf32, #tpu.memory_space<vmem>>
    %dma_start3A_17 = tpu.memref_slice %arg4[%mul3A_11] : memref<1024xf32, #tpu.memory_space<hbm>> -> memref<32xf32, #tpu.memory_space<hbm>>
    tpu.enqueue_dma source(%dma_start3A_17 : memref<32xf32, #tpu.memory_space<hbm>>) target(%dma_start3A_16 : memref<32xf32, #tpu.memory_space<vmem>>) target_semaphore(%arg19 : memref<!tpu.dma_semaphore, #tpu.memory_space<semaphore_mem>>)
    %dma_start3A_18 = arith.constant 0 : i32
    %dma_start3A_19 = arith.constant 0 : i32
    %dma_start3A_20 = arith.constant 0 : i32
    %dma_start3A_21 = tpu.memref_slice %arg2[%mul3A_2, %dma_start3A_18, %dma_start3A_19, %dma_start3A_20] : memref<64x3x512x512xf32, #tpu.memory_space<hbm>> -> memref<1x1x32x512xf32, #tpu.memory_space<hbm>>
    %dma_start3A_22 = tpu.memref_squeeze %dma_start3A_21 : memref<1x1x32x512xf32, #tpu.memory_space<hbm>> -> memref<32x512xf32, #tpu.memory_space<hbm>>
    %dma_start3A_23 = arith.constant 0 : i32
    %dma_start3A_24 = arith.constant 0 : i32
    %dma_start3A_25 = tpu.memref_slice %arg2[%mul3A_2, %dma_start3A_18, %dma_start3A_23, %dma_start3A_24] : memref<64x3x512x512xf32, #tpu.memory_space<hbm>> -> memref<1x1x32x512xf32, #tpu.memory_space<hbm>>
    %dma_start3A_26 = tpu.memref_squeeze %dma_start3A_25 : memref<1x1x32x512xf32, #tpu.memory_space<hbm>> -> memref<32x512xf32, #tpu.memory_space<hbm>>
    tpu.enqueue_dma source(%dma_start3A_26 : memref<32x512xf32, #tpu.memory_space<hbm>>) target(%arg7 : memref<32x512xf32, #tpu.memory_space<vmem>>) target_semaphore(%arg13 : memref<!tpu.dma_semaphore, #tpu.memory_space<semaphore_mem>>)
    %dma_start3A_27 = arith.constant 0 : i32
    %dma_start3A_28 = arith.constant 32 : i32
    %dma_start3A_29 = arith.constant 0 : i32
    %dma_start3A_30 = tpu.memref_slice %arg2[%mul3A_2, %dma_start3A_27, %dma_start3A_28, %dma_start3A_29] : memref<64x3x512x512xf32, #tpu.memory_space<hbm>> -> memref<1x1x32x512xf32, #tpu.memory_space<hbm>>
    %dma_start3A_31 = tpu.memref_squeeze %dma_start3A_30 : memref<1x1x32x512xf32, #tpu.memory_space<hbm>> -> memref<32x512xf32, #tpu.memory_space<hbm>>
    %dma_start3A_32 = arith.constant 32 : i32
    %dma_start3A_33 = arith.constant 0 : i32
    %dma_start3A_34 = tpu.memref_slice %arg2[%mul3A_2, %dma_start3A_27, %dma_start3A_32, %dma_start3A_33] : memref<64x3x512x512xf32, #tpu.memory_space<hbm>> -> memref<1x1x32x512xf32, #tpu.memory_space<hbm>>
    %dma_start3A_35 = tpu.memref_squeeze %dma_start3A_34 : memref<1x1x32x512xf32, #tpu.memory_space<hbm>> -> memref<32x512xf32, #tpu.memory_space<hbm>>
    tpu.enqueue_dma source(%dma_start3A_35 : memref<32x512xf32, #tpu.memory_space<hbm>>) target(%arg8 : memref<32x512xf32, #tpu.memory_space<vmem>>) target_semaphore(%arg14 : memref<!tpu.dma_semaphore, #tpu.memory_space<semaphore_mem>>)
    %dma_start3A_36 = arith.constant 0 : i32
    %dma_start3A_37 = arith.constant 64 : i32
    %dma_start3A_38 = arith.constant 0 : i32
    %dma_start3A_39 = tpu.memref_slice %arg2[%mul3A_2, %dma_start3A_36, %dma_start3A_37, %dma_start3A_38] : memref<64x3x512x512xf32, #tpu.memory_space<hbm>> -> memref<1x1x32x512xf32, #tpu.memory_space<hbm>>
    %dma_start3A_40 = tpu.memref_squeeze %dma_start3A_39 : memref<1x1x32x512xf32, #tpu.memory_space<hbm>> -> memref<32x512xf32, #tpu.memory_space<hbm>>
    %dma_start3A_41 = arith.constant 64 : i32
    %dma_start3A_42 = arith.constant 0 : i32
    %dma_start3A_43 = tpu.memref_slice %arg2[%mul3A_2, %dma_start3A_36, %dma_start3A_41, %dma_start3A_42] : memref<64x3x512x512xf32, #tpu.memory_space<hbm>> -> memref<1x1x32x512xf32, #tpu.memory_space<hbm>>
    %dma_start3A_44 = tpu.memref_squeeze %dma_start3A_43 : memref<1x1x32x512xf32, #tpu.memory_space<hbm>> -> memref<32x512xf32, #tpu.memory_space<hbm>>
    tpu.enqueue_dma source(%dma_start3A_44 : memref<32x512xf32, #tpu.memory_space<hbm>>) target(%arg9 : memref<32x512xf32, #tpu.memory_space<vmem>>) target_semaphore(%arg15 : memref<!tpu.dma_semaphore, #tpu.memory_space<semaphore_mem>>)
    %dma_wait3A = arith.constant 0 : i32
    %dma_wait3A_45 = tpu.memref_slice %arg6[%dma_wait3A] : memref<64xf32, #tpu.memory_space<vmem>> -> memref<32xf32, #tpu.memory_space<vmem>>
    %dma_wait3A_46 = arith.constant 0 : i32
    %dma_wait3A_47 = tpu.memref_slice %arg3[%dma_wait3A_46] : memref<1024xf32, #tpu.memory_space<hbm>> -> memref<32xf32, #tpu.memory_space<hbm>>
    %dma_wait3A_48 = arith.constant 0 : i32
    %dma_wait3A_49 = tpu.memref_slice %arg6[%dma_wait3A_48] : memref<64xf32, #tpu.memory_space<vmem>> -> memref<32xf32, #tpu.memory_space<vmem>>
    %dma_wait3A_50 = arith.constant 0 : i32
    %dma_wait3A_51 = tpu.memref_slice %arg3[%dma_wait3A_50] : memref<1024xf32, #tpu.memory_space<hbm>> -> memref<32xf32, #tpu.memory_space<hbm>>
    tpu.wait_dma2 semaphore(%arg19 : memref<!tpu.dma_semaphore, #tpu.memory_space<semaphore_mem>>) src(%dma_wait3A_51 : memref<32xf32, #tpu.memory_space<hbm>>) dst(%dma_wait3A_49 : memref<32xf32, #tpu.memory_space<vmem>>)
    %dma_wait3A_52 = arith.constant 0 : i32
    %dma_wait3A_53 = tpu.memref_slice %arg6[%dma_wait3A_52] : memref<64xf32, #tpu.memory_space<vmem>> -> memref<32xf32, #tpu.memory_space<vmem>>
    %dma_wait3A_54 = arith.constant 0 : i32
    %dma_wait3A_55 = tpu.memref_slice %arg3[%dma_wait3A_54] : memref<1024xf32, #tpu.memory_space<hbm>> -> memref<32xf32, #tpu.memory_space<hbm>>
    %dma_wait3A_56 = arith.constant 0 : i32
    %dma_wait3A_57 = tpu.memref_slice %arg6[%dma_wait3A_56] : memref<64xf32, #tpu.memory_space<vmem>> -> memref<32xf32, #tpu.memory_space<vmem>>
    %dma_wait3A_58 = arith.constant 0 : i32
    %dma_wait3A_59 = tpu.memref_slice %arg3[%dma_wait3A_58] : memref<1024xf32, #tpu.memory_space<hbm>> -> memref<32xf32, #tpu.memory_space<hbm>>
    tpu.wait_dma2 semaphore(%arg19 : memref<!tpu.dma_semaphore, #tpu.memory_space<semaphore_mem>>) src(%dma_wait3A_59 : memref<32xf32, #tpu.memory_space<hbm>>) dst(%dma_wait3A_57 : memref<32xf32, #tpu.memory_space<vmem>>)
    %get3A = arith.constant 0 : index
    %get3A_60 = tpu.vector_load %arg6[%get3A] {strides = array<i32>} : memref<64xf32, #tpu.memory_space<vmem>>, vector<16xf32>,
    %get3A_61 = vector.shape_cast %get3A_60 : vector<16xf32> to vector<16xf32>
    %get3A_62 = arith.constant 32 : index
    %get3A_63 = tpu.vector_load %arg6[%get3A_62] {strides = array<i32>} : memref<64xf32, #tpu.memory_space<vmem>>, vector<16xf32>,
    %get3A_64 = vector.shape_cast %get3A_63 : vector<16xf32> to vector<16xf32>
    %ne3A = arith.constant 0.000000e+00 : f32
    %ne3A_65 = vector.broadcast %ne3A : f32 to vector<16xf32>
    %ne3A_66 = arith.cmpf one, %get3A_61, %ne3A_65 : vector<16xf32>
    %jit3A = arith.constant 0.000000e+00 : f32
    %broadcast_in_dim3A = vector.broadcast %jit3A : f32 to vector<16xf32>
    %select_n3A = arith.select %ne3A_66, %get3A_64, %broadcast_in_dim3A : vector<16xi1>, vector<16xf32>
    %get3A_67 = arith.constant 16 : index
    %get3A_68 = tpu.vector_load %arg6[%get3A_67] {strides = array<i32>} : memref<64xf32, #tpu.memory_space<vmem>>, vector<16xf32>,
    %get3A_69 = vector.shape_cast %get3A_68 : vector<16xf32> to vector<16xf32>
    %get3A_70 = arith.constant 48 : index
    %get3A_71 = tpu.vector_load %arg6[%get3A_70] {strides = array<i32>} : memref<64xf32, #tpu.memory_space<vmem>>, vector<16xf32>,
    %get3A_72 = vector.shape_cast %get3A_71 : vector<16xf32> to vector<16xf32>
    %ne3A_73 = arith.constant 0.000000e+00 : f32
    %ne3A_74 = vector.broadcast %ne3A_73 : f32 to vector<16xf32>
    %ne3A_75 = arith.cmpf one, %get3A_69, %ne3A_74 : vector<16xf32>
    %jit3A_76 = arith.constant 0.000000e+00 : f32
    %broadcast_in_dim3A_77 = vector.broadcast %jit3A_76 : f32 to vector<16xf32>
    %select_n3A_78 = arith.select %ne3A_75, %get3A_72, %broadcast_in_dim3A_77 : vector<16xi1>, vector<16xf32>
    %scan3A = arith.constant 0 : i32
    %scan3A_79 = arith.constant 0 : i32
    %scan3A_80 = arith.constant 32 : i32
    %scan3A_81 = arith.addi %scan3A_79, %scan3A_80 : i32
    %scan3A_82 = arith.constant 1 : i32
    %scan3A_83 = scf.for %scan3A_112 = %scan3A_79 to %scan3A_81 step %scan3A_82 iter_args(%scan3A_113 = %scan3A) -> (i32)  : i32 {
      %mul3A_114 = arith.constant 3 : i32
      %mul3A_115 = arith.muli %scan3A_112, %mul3A_114 : i32
      %add3A_116 = arith.constant 0 : i32
      %add3A_117 = arith.addi %mul3A_115, %add3A_116 : i32
      %jit3A_118 = arith.constant 48 : i32
      %div3A = arith.divsi %add3A_117, %jit3A_118 : i32
      %sign3A = arith.constant 0 : i32
      %sign3A_119 = arith.cmpi sgt, %add3A_117, %sign3A : i32
      %sign3A_120 = arith.extui %sign3A_119 : i1 to i32
      %sign3A_121 = arith.constant 0 : i32
      %sign3A_122 = arith.cmpi slt, %add3A_117, %sign3A_121 : i32
      %sign3A_123 = arith.extui %sign3A_122 : i1 to i32
      %sign3A_124 = arith.subi %sign3A_120, %sign3A_123 : i32
      %sign3A_125 = arith.constant 0 : i32
      %sign3A_126 = arith.cmpi sgt, %jit3A_118, %sign3A_125 : i32
      %sign3A_127 = arith.extui %sign3A_126 : i1 to i32
      %sign3A_128 = arith.constant 0 : i32
      %sign3A_129 = arith.cmpi slt, %jit3A_118, %sign3A_128 : i32
      %sign3A_130 = arith.extui %sign3A_129 : i1 to i32
      %sign3A_131 = arith.subi %sign3A_127, %sign3A_130 : i32
      %ne3A_132 = arith.cmpi ne, %sign3A_124, %sign3A_131 : i32
      %rem3A = arith.remsi %add3A_117, %jit3A_118 : i32
      %ne3A_133 = arith.constant 0 : i32
      %ne3A_134 = arith.cmpi ne, %rem3A, %ne3A_133 : i32
      %and3A = arith.andi %ne3A_132, %ne3A_134 : i1
      %sub3A = arith.constant 1 : i32
      %sub3A_135 = arith.subi %div3A, %sub3A : i32
      %select_n3A_136 = arith.select %and3A, %sub3A_135, %div3A : i32
      %mul3A_137 = arith.constant 48 : i32
      %mul3A_138 = arith.muli %select_n3A_136, %mul3A_137 : i32
      %sub3A_139 = arith.subi %add3A_117, %mul3A_138 : i32
      %jit3A_140 = arith.constant 16 : i32
      %div3A_141 = arith.divsi %sub3A_139, %jit3A_140 : i32
      %sign3A_142 = arith.constant 0 : i32
      %sign3A_143 = arith.cmpi sgt, %sub3A_139, %sign3A_142 : i32
      %sign3A_144 = arith.extui %sign3A_143 : i1 to i32
      %sign3A_145 = arith.constant 0 : i32
      %sign3A_146 = arith.cmpi slt, %sub3A_139, %sign3A_145 : i32
      %sign3A_147 = arith.extui %sign3A_146 : i1 to i32
      %sign3A_148 = arith.subi %sign3A_144, %sign3A_147 : i32
      %sign3A_149 = arith.constant 0 : i32
      %sign3A_150 = arith.cmpi sgt, %jit3A_140, %sign3A_149 : i32
      %sign3A_151 = arith.extui %sign3A_150 : i1 to i32
      %sign3A_152 = arith.constant 0 : i32
      %sign3A_153 = arith.cmpi slt, %jit3A_140, %sign3A_152 : i32
      %sign3A_154 = arith.extui %sign3A_153 : i1 to i32
      %sign3A_155 = arith.subi %sign3A_151, %sign3A_154 : i32
      %ne3A_156 = arith.cmpi ne, %sign3A_148, %sign3A_155 : i32
      %rem3A_157 = arith.remsi %sub3A_139, %jit3A_140 : i32
      %ne3A_158 = arith.constant 0 : i32
      %ne3A_159 = arith.cmpi ne, %rem3A_157, %ne3A_158 : i32
      %and3A_160 = arith.andi %ne3A_156, %ne3A_159 : i1
      %sub3A_161 = arith.constant 1 : i32
      %sub3A_162 = arith.subi %div3A_141, %sub3A_161 : i32
      %select_n3A_163 = arith.select %and3A_160, %sub3A_162, %div3A_141 : i32
      %mul3A_164 = arith.constant 16 : i32
      %mul3A_165 = arith.muli %select_n3A_163, %mul3A_164 : i32
      %sub3A_166 = arith.subi %sub3A_139, %mul3A_165 : i32
      %mul3A_167 = arith.constant 32 : i32
      %mul3A_168 = arith.muli %sub3A_166, %mul3A_167 : i32
      %add3A_169 = arith.addi %mul3A_2, %select_n3A_136 : i32
      %dma_wait3A_170 = arith.constant 0 : i32
      %dma_wait3A_171 = tpu.memref_slice %arg2[%add3A_169, %select_n3A_163, %mul3A_168, %dma_wait3A_170] : memref<64x3x512x512xf32, #tpu.memory_space<hbm>> -> memref<1x1x32x512xf32, #tpu.memory_space<hbm>>
      %dma_wait3A_172 = tpu.memref_squeeze %dma_wait3A_171 : memref<1x1x32x512xf32, #tpu.memory_space<hbm>> -> memref<32x512xf32, #tpu.memory_space<hbm>>
      %dma_wait3A_173 = arith.constant 0 : i32
      %dma_wait3A_174 = tpu.memref_slice %arg2[%add3A_169, %select_n3A_163, %mul3A_168, %dma_wait3A_173] : memref<64x3x512x512xf32, #tpu.memory_space<hbm>> -> memref<1x1x32x512xf32, #tpu.memory_space<hbm>>
      %dma_wait3A_175 = tpu.memref_squeeze %dma_wait3A_174 : memref<1x1x32x512xf32, #tpu.memory_space<hbm>> -> memref<32x512xf32, #tpu.memory_space<hbm>>
      tpu.wait_dma2 semaphore(%arg13 : memref<!tpu.dma_semaphore, #tpu.memory_space<semaphore_mem>>) src(%dma_wait3A_175 : memref<32x512xf32, #tpu.memory_space<hbm>>) dst(%arg7 : memref<32x512xf32, #tpu.memory_space<vmem>>)
      %ge3A = arith.constant 1 : i32
      %ge3A_176 = arith.cmpi sge, %scan3A_112, %ge3A : i32
      %convert_element_type3A = arith.extui %ge3A_176 : i1 to i32
      %cond3A = arith.constant 0 : i32
      %cond3A_177 = arith.cmpi ne, %convert_element_type3A, %cond3A : i32
      scf.if %cond3A_177 {
        %dma_wait3A_371 = arith.constant 0 : i32
        %dma_wait3A_372 = arith.constant 0 : i32
        %dma_wait3A_373 = arith.constant 0 : i32
        %dma_wait3A_374 = tpu.memref_slice %arg5[%mul3A_2, %dma_wait3A_371, %dma_wait3A_372, %dma_wait3A_373] : memref<64x3x512x512xf32, #tpu.memory_space<hbm>> -> memref<1x1x32x512xf32, #tpu.memory_space<hbm>>
        %dma_wait3A_375 = tpu.memref_squeeze %dma_wait3A_374 : memref<1x1x32x512xf32, #tpu.memory_space<hbm>> -> memref<32x512xf32, #tpu.memory_space<hbm>>
        %dma_wait3A_376 = arith.constant 0 : i32
        %dma_wait3A_377 = arith.constant 0 : i32
        %dma_wait3A_378 = tpu.memref_slice %arg5[%mul3A_2, %dma_wait3A_371, %dma_wait3A_376, %dma_wait3A_377] : memref<64x3x512x512xf32, #tpu.memory_space<hbm>> -> memref<1x1x32x512xf32, #tpu.memory_space<hbm>>
        %dma_wait3A_379 = tpu.memref_squeeze %dma_wait3A_378 : memref<1x1x32x512xf32, #tpu.memory_space<hbm>> -> memref<32x512xf32, #tpu.memory_space<hbm>>
        tpu.wait_dma2 semaphore(%arg16 : memref<!tpu.dma_semaphore, #tpu.memory_space<semaphore_mem>>) src(%arg10 : memref<32x512xf32, #tpu.memory_space<vmem>>) dst(%dma_wait3A_379 : memref<32x512xf32, #tpu.memory_space<hbm>>)
      } else {
      }
      %eq3A = arith.constant 0 : i32
      %eq3A_178 = arith.cmpi eq, %select_n3A_136, %eq3A : i32
      %select_n3A_179 = arith.select %eq3A_178, %select_n3A, %select_n3A_78 : vector<16xf32>
      %parallel_loop3A = arith.constant 0 : i32
      %parallel_loop3A_180 = arith.constant 32 : i32
      %parallel_loop3A_181 = arith.constant 1 : i32
      scf.for %parallel_loop3A_371 = %parallel_loop3A to %parallel_loop3A_180 step %parallel_loop3A_181  : i32 {
        %parallel_loop3A_372 = arith.index_cast %parallel_loop3A_371 : i32 to index
        %parallel_loop3A_373 = arith.constant 0 : index
        %parallel_loop3A_374 = tpu.vector_load %arg7[%parallel_loop3A_372, %parallel_loop3A_373] {strides = array<i32>} : memref<32x512xf32, #tpu.memory_space<vmem>>, vector<1x16xf32>,
        %parallel_loop3A_375 = vector.shape_cast %parallel_loop3A_374 : vector<1x16xf32> to vector<16xf32>
        %parallel_loop3A_376 = arith.addf %parallel_loop3A_375, %select_n3A_179 : vector<16xf32>
        %parallel_loop3A_377 = arith.index_cast %parallel_loop3A_371 : i32 to index
        %parallel_loop3A_378 = arith.constant 0 : index
        %parallel_loop3A_379 = tpu.vector_load %arg10[%parallel_loop3A_377, %parallel_loop3A_378] {strides = array<i32>} : memref<32x512xf32, #tpu.memory_space<vmem>>, vector<1x16xf32>,
        %parallel_loop3A_380 = vector.shape_cast %parallel_loop3A_379 : vector<1x16xf32> to vector<16xf32>
        %parallel_loop3A_381 = vector.shape_cast %parallel_loop3A_376 : vector<16xf32> to vector<1x16xf32>
        tpu.vector_store %arg10[%parallel_loop3A_377, %parallel_loop3A_378], %parallel_loop3A_381 {strides = array<i32>} : memref<32x512xf32, #tpu.memory_space<vmem>>, vector<1x16xf32>,
        %parallel_loop3A_382 = arith.index_cast %parallel_loop3A_371 : i32 to index
        %parallel_loop3A_383 = arith.constant 16 : index
        %parallel_loop3A_384 = tpu.vector_load %arg7[%parallel_loop3A_382, %parallel_loop3A_383] {strides = array<i32>} : memref<32x512xf32, #tpu.memory_space<vmem>>, vector<1x16xf32>,
        %parallel_loop3A_385 = vector.shape_cast %parallel_loop3A_384 : vector<1x16xf32> to vector<16xf32>
        %parallel_loop3A_386 = arith.addf %parallel_loop3A_385, %select_n3A_179 : vector<16xf32>
        %parallel_loop3A_387 = arith.index_cast %parallel_loop3A_371 : i32 to index
        %parallel_loop3A_388 = arith.constant 16 : index
        %parallel_loop3A_389 = tpu.vector_load %arg10[%parallel_loop3A_387, %parallel_loop3A_388] {strides = array<i32>} : memref<32x512xf32, #tpu.memory_space<vmem>>, vector<1x16xf32>,
        %parallel_loop3A_390 = vector.shape_cast %parallel_loop3A_389 : vector<1x16xf32> to vector<16xf32>
        %parallel_loop3A_391 = vector.shape_cast %parallel_loop3A_386 : vector<16xf32> to vector<1x16xf32>
        tpu.vector_store %arg10[%parallel_loop3A_387, %parallel_loop3A_388], %parallel_loop3A_391 {strides = array<i32>} : memref<32x512xf32, #tpu.memory_space<vmem>>, vector<1x16xf32>,
        %parallel_loop3A_392 = arith.index_cast %parallel_loop3A_371 : i32 to index
        %parallel_loop3A_393 = arith.constant 32 : index
        %parallel_loop3A_394 = tpu.vector_load %arg7[%parallel_loop3A_392, %parallel_loop3A_393] {strides = array<i32>} : memref<32x512xf32, #tpu.memory_space<vmem>>, vector<1x16xf32>,
        %parallel_loop3A_395 = vector.shape_cast %parallel_loop3A_394 : vector<1x16xf32> to vector<16xf32>
        %parallel_loop3A_396 = arith.addf %parallel_loop3A_395, %select_n3A_179 : vector<16xf32>
        %parallel_loop3A_397 = arith.index_cast %parallel_loop3A_371 : i32 to index
        %parallel_loop3A_398 = arith.constant 32 : index
        %parallel_loop3A_399 = tpu.vector_load %arg10[%parallel_loop3A_397, %parallel_loop3A_398] {strides = array<i32>} : memref<32x512xf32, #tpu.memory_space<vmem>>, vector<1x16xf32>,
        %parallel_loop3A_400 = vector.shape_cast %parallel_loop3A_399 : vector<1x16xf32> to vector<16xf32>
        %parallel_loop3A_401 = vector.shape_cast %parallel_loop3A_396 : vector<16xf32> to vector<1x16xf32>
        tpu.vector_store %arg10[%parallel_loop3A_397, %parallel_loop3A_398], %parallel_loop3A_401 {strides = array<i32>} : memref<32x512xf32, #tpu.memory_space<vmem>>, vector<1x16xf32>,
        %parallel_loop3A_402 = arith.index_cast %parallel_loop3A_371 : i32 to index
        %parallel_loop3A_403 = arith.constant 48 : index
        %parallel_loop3A_404 = tpu.vector_load %arg7[%parallel_loop3A_402, %parallel_loop3A_403] {strides = array<i32>} : memref<32x512xf32, #tpu.memory_space<vmem>>, vector<1x16xf32>,
        %parallel_loop3A_405 = vector.shape_cast %parallel_loop3A_404 : vector<1x16xf32> to vector<16xf32>
        %parallel_loop3A_406 = arith.addf %parallel_loop3A_405, %select_n3A_179 : vector<16xf32>
        %parallel_loop3A_407 = arith.index_cast %parallel_loop3A_371 : i32 to index
        %parallel_loop3A_408 = arith.constant 48 : index
        %parallel_loop3A_409 = tpu.vector_load %arg10[%parallel_loop3A_407, %parallel_loop3A_408] {strides = array<i32>} : memref<32x512xf32, #tpu.memory_space<vmem>>, vector<1x16xf32>,
        %parallel_loop3A_410 = vector.shape_cast %parallel_loop3A_409 : vector<1x16xf32> to vector<16xf32>
        %parallel_loop3A_411 = vector.shape_cast %parallel_loop3A_406 : vector<16xf32> to vector<1x16xf32>
        tpu.vector_store %arg10[%parallel_loop3A_407, %parallel_loop3A_408], %parallel_loop3A_411 {strides = array<i32>} : memref<32x512xf32, #tpu.memory_space<vmem>>, vector<1x16xf32>,
        %parallel_loop3A_412 = arith.index_cast %parallel_loop3A_371 : i32 to index
        %parallel_loop3A_413 = arith.constant 64 : index
        %parallel_loop3A_414 = tpu.vector_load %arg7[%parallel_loop3A_412, %parallel_loop3A_413] {strides = array<i32>} : memref<32x512xf32, #tpu.memory_space<vmem>>, vector<1x16xf32>,
        %parallel_loop3A_415 = vector.shape_cast %parallel_loop3A_414 : vector<1x16xf32> to vector<16xf32>
        %parallel_loop3A_416 = arith.addf %parallel_loop3A_415, %select_n3A_179 : vector<16xf32>
        %parallel_loop3A_417 = arith.index_cast %parallel_loop3A_371 : i32 to index
        %parallel_loop3A_418 = arith.constant 64 : index
        %parallel_loop3A_419 = tpu.vector_load %arg10[%parallel_loop3A_417, %parallel_loop3A_418] {strides = array<i32>} : memref<32x512xf32, #tpu.memory_space<vmem>>, vector<1x16xf32>,
        %parallel_loop3A_420 = vector.shape_cast %parallel_loop3A_419 : vector<1x16xf32> to vector<16xf32>
        %parallel_loop3A_421 = vector.shape_cast %parallel_loop3A_416 : vector<16xf32> to vector<1x16xf32>
        tpu.vector_store %arg10[%parallel_loop3A_417, %parallel_loop3A_418], %parallel_loop3A_421 {strides = array<i32>} : memref<32x512xf32, #tpu.memory_space<vmem>>, vector<1x16xf32>,
        %parallel_loop3A_422 = arith.index_cast %parallel_loop3A_371 : i32 to index
        %parallel_loop3A_423 = arith.constant 80 : index
        %parallel_loop3A_424 = tpu.vector_load %arg7[%parallel_loop3A_422, %parallel_loop3A_423] {strides = array<i32>} : memref<32x512xf32, #tpu.memory_space<vmem>>, vector<1x16xf32>,
        %parallel_loop3A_425 = vector.shape_cast %parallel_loop3A_424 : vector<1x16xf32> to vector<16xf32>
        %parallel_loop3A_426 = arith.addf %parallel_loop3A_425, %select_n3A_179 : vector<16xf32>
        %parallel_loop3A_427 = arith.index_cast %parallel_loop3A_371 : i32 to index
        %parallel_loop3A_428 = arith.constant 80 : index
        %parallel_loop3A_429 = tpu.vector_load %arg10[%parallel_loop3A_427, %parallel_loop3A_428] {strides = array<i32>} : memref<32x512xf32, #tpu.memory_space<vmem>>, vector<1x16xf32>,
        %parallel_loop3A_430 = vector.shape_cast %parallel_loop3A_429 : vector<1x16xf32> to vector<16xf32>
        %parallel_loop3A_431 = vector.shape_cast %parallel_loop3A_426 : vector<16xf32> to vector<1x16xf32>
        tpu.vector_store %arg10[%parallel_loop3A_427, %parallel_loop3A_428], %parallel_loop3A_431 {strides = array<i32>} : memref<32x512xf32, #tpu.memory_space<vmem>>, vector<1x16xf32>,
        %parallel_loop3A_432 = arith.index_cast %parallel_loop3A_371 : i32 to index
        %parallel_loop3A_433 = arith.constant 96 : index
        %parallel_loop3A_434 = tpu.vector_load %arg7[%parallel_loop3A_432, %parallel_loop3A_433] {strides = array<i32>} : memref<32x512xf32, #tpu.memory_space<vmem>>, vector<1x16xf32>,
        %parallel_loop3A_435 = vector.shape_cast %parallel_loop3A_434 : vector<1x16xf32> to vector<16xf32>
        %parallel_loop3A_436 = arith.addf %parallel_loop3A_435, %select_n3A_179 : vector<16xf32>
        %parallel_loop3A_437 = arith.index_cast %parallel_loop3A_371 : i32 to index
        %parallel_loop3A_438 = arith.constant 96 : index
        %parallel_loop3A_439 = tpu.vector_load %arg10[%parallel_loop3A_437, %parallel_loop3A_438] {strides = array<i32>} : memref<32x512xf32, #tpu.memory_space<vmem>>, vector<1x16xf32>,
        %parallel_loop3A_440 = vector.shape_cast %parallel_loop3A_439 : vector<1x16xf32> to vector<16xf32>
        %parallel_loop3A_441 = vector.shape_cast %parallel_loop3A_436 : vector<16xf32> to vector<1x16xf32>
        tpu.vector_store %arg10[%parallel_loop3A_437, %parallel_loop3A_438], %parallel_loop3A_441 {strides = array<i32>} : memref<32x512xf32, #tpu.memory_space<vmem>>, vector<1x16xf32>,
        %parallel_loop3A_442 = arith.index_cast %parallel_loop3A_371 : i32 to index
        %parallel_loop3A_443 = arith.constant 112 : index
        %parallel_loop3A_444 = tpu.vector_load %arg7[%parallel_loop3A_442, %parallel_loop3A_443] {strides = array<i32>} : memref<32x512xf32, #tpu.memory_space<vmem>>, vector<1x16xf32>,
        %parallel_loop3A_445 = vector.shape_cast %parallel_loop3A_444 : vector<1x16xf32> to vector<16xf32>
        %parallel_loop3A_446 = arith.addf %parallel_loop3A_445, %select_n3A_179 : vector<16xf32>
        %parallel_loop3A_447 = arith.index_cast %parallel_loop3A_371 : i32 to index
        %parallel_loop3A_448 = arith.constant 112 : index
        %parallel_loop3A_449 = tpu.vector_load %arg10[%parallel_loop3A_447, %parallel_loop3A_448] {strides = array<i32>} : memref<32x512xf32, #tpu.memory_space<vmem>>, vector<1x16xf32>,
        %parallel_loop3A_450 = vector.shape_cast %parallel_loop3A_449 : vector<1x16xf32> to vector<16xf32>
        %parallel_loop3A_451 = vector.shape_cast %parallel_loop3A_446 : vector<16xf32> to vector<1x16xf32>
        tpu.vector_store %arg10[%parallel_loop3A_447, %parallel_loop3A_448], %parallel_loop3A_451 {strides = array<i32>} : memref<32x512xf32, #tpu.memory_space<vmem>>, vector<1x16xf32>,
        %parallel_loop3A_452 = arith.index_cast %parallel_loop3A_371 : i32 to index
        %parallel_loop3A_453 = arith.constant 128 : index
        %parallel_loop3A_454 = tpu.vector_load %arg7[%parallel_loop3A_452, %parallel_loop3A_453] {strides = array<i32>} : memref<32x512xf32, #tpu.memory_space<vmem>>, vector<1x16xf32>,
        %parallel_loop3A_455 = vector.shape_cast %parallel_loop3A_454 : vector<1x16xf32> to vector<16xf32>
        %parallel_loop3A_456 = arith.addf %parallel_loop3A_455, %select_n3A_179 : vector<16xf32>
        %parallel_loop3A_457 = arith.index_cast %parallel_loop3A_371 : i32 to index
        %parallel_loop3A_458 = arith.constant 128 : index
        %parallel_loop3A_459 = tpu.vector_load %arg10[%parallel_loop3A_457, %parallel_loop3A_458] {strides = array<i32>} : memref<32x512xf32, #tpu.memory_space<vmem>>, vector<1x16xf32>,
        %parallel_loop3A_460 = vector.shape_cast %parallel_loop3A_459 : vector<1x16xf32> to vector<16xf32>
        %parallel_loop3A_461 = vector.shape_cast %parallel_loop3A_456 : vector<16xf32> to vector<1x16xf32>
        tpu.vector_store %arg10[%parallel_loop3A_457, %parallel_loop3A_458], %parallel_loop3A_461 {strides = array<i32>} : memref<32x512xf32, #tpu.memory_space<vmem>>, vector<1x16xf32>,
        %parallel_loop3A_462 = arith.index_cast %parallel_loop3A_371 : i32 to index
        %parallel_loop3A_463 = arith.constant 144 : index
        %parallel_loop3A_464 = tpu.vector_load %arg7[%parallel_loop3A_462, %parallel_loop3A_463] {strides = array<i32>} : memref<32x512xf32, #tpu.memory_space<vmem>>, vector<1x16xf32>,
        %parallel_loop3A_465 = vector.shape_cast %parallel_loop3A_464 : vector<1x16xf32> to vector<16xf32>
        %parallel_loop3A_466 = arith.addf %parallel_loop3A_465, %select_n3A_179 : vector<16xf32>
        %parallel_loop3A_467 = arith.index_cast %parallel_loop3A_371 : i32 to index
        %parallel_loop3A_468 = arith.constant 144 : index
        %parallel_loop3A_469 = tpu.vector_load %arg10[%parallel_loop3A_467, %parallel_loop3A_468] {strides = array<i32>} : memref<32x512xf32, #tpu.memory_space<vmem>>, vector<1x16xf32>,
        %parallel_loop3A_470 = vector.shape_cast %parallel_loop3A_469 : vector<1x16xf32> to vector<16xf32>
        %parallel_loop3A_471 = vector.shape_cast %parallel_loop3A_466 : vector<16xf32> to vector<1x16xf32>
        tpu.vector_store %arg10[%parallel_loop3A_467, %parallel_loop3A_468], %parallel_loop3A_471 {strides = array<i32>} : memref<32x512xf32, #tpu.memory_space<vmem>>, vector<1x16xf32>,
        %parallel_loop3A_472 = arith.index_cast %parallel_loop3A_371 : i32 to index
        %parallel_loop3A_473 = arith.constant 160 : index
        %parallel_loop3A_474 = tpu.vector_load %arg7[%parallel_loop3A_472, %parallel_loop3A_473] {strides = array<i32>} : memref<32x512xf32, #tpu.memory_space<vmem>>, vector<1x16xf32>,
        %parallel_loop3A_475 = vector.shape_cast %parallel_loop3A_474 : vector<1x16xf32> to vector<16xf32>
        %parallel_loop3A_476 = arith.addf %parallel_loop3A_475, %select_n3A_179 : vector<16xf32>
        %parallel_loop3A_477 = arith.index_cast %parallel_loop3A_371 : i32 to index
        %parallel_loop3A_478 = arith.constant 160 : index
        %parallel_loop3A_479 = tpu.vector_load %arg10[%parallel_loop3A_477, %parallel_loop3A_478] {strides = array<i32>} : memref<32x512xf32, #tpu.memory_space<vmem>>, vector<1x16xf32>,
        %parallel_loop3A_480 = vector.shape_cast %parallel_loop3A_479 : vector<1x16xf32> to vector<16xf32>
        %parallel_loop3A_481 = vector.shape_cast %parallel_loop3A_476 : vector<16xf32> to vector<1x16xf32>
        tpu.vector_store %arg10[%parallel_loop3A_477, %parallel_loop3A_478], %parallel_loop3A_481 {strides = array<i32>} : memref<32x512xf32, #tpu.memory_space<vmem>>, vector<1x16xf32>,
        %parallel_loop3A_482 = arith.index_cast %parallel_loop3A_371 : i32 to index
        %parallel_loop3A_483 = arith.constant 176 : index
        %parallel_loop3A_484 = tpu.vector_load %arg7[%parallel_loop3A_482, %parallel_loop3A_483] {strides = array<i32>} : memref<32x512xf32, #tpu.memory_space<vmem>>, vector<1x16xf32>,
        %parallel_loop3A_485 = vector.shape_cast %parallel_loop3A_484 : vector<1x16xf32> to vector<16xf32>
        %parallel_loop3A_486 = arith.addf %parallel_loop3A_485, %select_n3A_179 : vector<16xf32>
        %parallel_loop3A_487 = arith.index_cast %parallel_loop3A_371 : i32 to index
        %parallel_loop3A_488 = arith.constant 176 : index
        %parallel_loop3A_489 = tpu.vector_load %arg10[%parallel_loop3A_487, %parallel_loop3A_488] {strides = array<i32>} : memref<32x512xf32, #tpu.memory_space<vmem>>, vector<1x16xf32>,
        %parallel_loop3A_490 = vector.shape_cast %parallel_loop3A_489 : vector<1x16xf32> to vector<16xf32>
        %parallel_loop3A_491 = vector.shape_cast %parallel_loop3A_486 : vector<16xf32> to vector<1x16xf32>
        tpu.vector_store %arg10[%parallel_loop3A_487, %parallel_loop3A_488], %parallel_loop3A_491 {strides = array<i32>} : memref<32x512xf32, #tpu.memory_space<vmem>>, vector<1x16xf32>,
        %parallel_loop3A_492 = arith.index_cast %parallel_loop3A_371 : i32 to index
        %parallel_loop3A_493 = arith.constant 192 : index
        %parallel_loop3A_494 = tpu.vector_load %arg7[%parallel_loop3A_492, %parallel_loop3A_493] {strides = array<i32>} : memref<32x512xf32, #tpu.memory_space<vmem>>, vector<1x16xf32>,
        %parallel_loop3A_495 = vector.shape_cast %parallel_loop3A_494 : vector<1x16xf32> to vector<16xf32>
        %parallel_loop3A_496 = arith.addf %parallel_loop3A_495, %select_n3A_179 : vector<16xf32>
        %parallel_loop3A_497 = arith.index_cast %parallel_loop3A_371 : i32 to index
        %parallel_loop3A_498 = arith.constant 192 : index
        %parallel_loop3A_499 = tpu.vector_load %arg10[%parallel_loop3A_497, %parallel_loop3A_498] {strides = array<i32>} : memref<32x512xf32, #tpu.memory_space<vmem>>, vector<1x16xf32>,
        %parallel_loop3A_500 = vector.shape_cast %parallel_loop3A_499 : vector<1x16xf32> to vector<16xf32>
        %parallel_loop3A_501 = vector.shape_cast %parallel_loop3A_496 : vector<16xf32> to vector<1x16xf32>
        tpu.vector_store %arg10[%parallel_loop3A_497, %parallel_loop3A_498], %parallel_loop3A_501 {strides = array<i32>} : memref<32x512xf32, #tpu.memory_space<vmem>>, vector<1x16xf32>,
        %parallel_loop3A_502 = arith.index_cast %parallel_loop3A_371 : i32 to index
        %parallel_loop3A_503 = arith.constant 208 : index
        %parallel_loop3A_504 = tpu.vector_load %arg7[%parallel_loop3A_502, %parallel_loop3A_503] {strides = array<i32>} : memref<32x512xf32, #tpu.memory_space<vmem>>, vector<1x16xf32>,
        %parallel_loop3A_505 = vector.shape_cast %parallel_loop3A_504 : vector<1x16xf32> to vector<16xf32>
        %parallel_loop3A_506 = arith.addf %parallel_loop3A_505, %select_n3A_179 : vector<16xf32>
        %parallel_loop3A_507 = arith.index_cast %parallel_loop3A_371 : i32 to index
        %parallel_loop3A_508 = arith.constant 208 : index
        %parallel_loop3A_509 = tpu.vector_load %arg10[%parallel_loop3A_507, %parallel_loop3A_508] {strides = array<i32>} : memref<32x512xf32, #tpu.memory_space<vmem>>, vector<1x16xf32>,
        %parallel_loop3A_510 = vector.shape_cast %parallel_loop3A_509 : vector<1x16xf32> to vector<16xf32>
        %parallel_loop3A_511 = vector.shape_cast %parallel_loop3A_506 : vector<16xf32> to vector<1x16xf32>
        tpu.vector_store %arg10[%parallel_loop3A_507, %parallel_loop3A_508], %parallel_loop3A_511 {strides = array<i32>} : memref<32x512xf32, #tpu.memory_space<vmem>>, vector<1x16xf32>,
        %parallel_loop3A_512 = arith.index_cast %parallel_loop3A_371 : i32 to index
        %parallel_loop3A_513 = arith.constant 224 : index
        %parallel_loop3A_514 = tpu.vector_load %arg7[%parallel_loop3A_512, %parallel_loop3A_513] {strides = array<i32>} : memref<32x512xf32, #tpu.memory_space<vmem>>, vector<1x16xf32>,
        %parallel_loop3A_515 = vector.shape_cast %parallel_loop3A_514 : vector<1x16xf32> to vector<16xf32>
        %parallel_loop3A_516 = arith.addf %parallel_loop3A_515, %select_n3A_179 : vector<16xf32>
        %parallel_loop3A_517 = arith.index_cast %parallel_loop3A_371 : i32 to index
        %parallel_loop3A_518 = arith.constant 224 : index
        %parallel_loop3A_519 = tpu.vector_load %arg10[%parallel_loop3A_517, %parallel_loop3A_518] {strides = array<i32>} : memref<32x512xf32, #tpu.memory_space<vmem>>, vector<1x16xf32>,
        %parallel_loop3A_520 = vector.shape_cast %parallel_loop3A_519 : vector<1x16xf32> to vector<16xf32>
        %parallel_loop3A_521 = vector.shape_cast %parallel_loop3A_516 : vector<16xf32> to vector<1x16xf32>
        tpu.vector_store %arg10[%parallel_loop3A_517, %parallel_loop3A_518], %parallel_loop3A_521 {strides = array<i32>} : memref<32x512xf32, #tpu.memory_space<vmem>>, vector<1x16xf32>,
        %parallel_loop3A_522 = arith.index_cast %parallel_loop3A_371 : i32 to index
        %parallel_loop3A_523 = arith.constant 240 : index
        %parallel_loop3A_524 = tpu.vector_load %arg7[%parallel_loop3A_522, %parallel_loop3A_523] {strides = array<i32>} : memref<32x512xf32, #tpu.memory_space<vmem>>, vector<1x16xf32>,
        %parallel_loop3A_525 = vector.shape_cast %parallel_loop3A_524 : vector<1x16xf32> to vector<16xf32>
        %parallel_loop3A_526 = arith.addf %parallel_loop3A_525, %select_n3A_179 : vector<16xf32>
        %parallel_loop3A_527 = arith.index_cast %parallel_loop3A_371 : i32 to index
        %parallel_loop3A_528 = arith.constant 240 : index
        %parallel_loop3A_529 = tpu.vector_load %arg10[%parallel_loop3A_527, %parallel_loop3A_528] {strides = array<i32>} : memref<32x512xf32, #tpu.memory_space<vmem>>, vector<1x16xf32>,
        %parallel_loop3A_530 = vector.shape_cast %parallel_loop3A_529 : vector<1x16xf32> to vector<16xf32>
        %parallel_loop3A_531 = vector.shape_cast %parallel_loop3A_526 : vector<16xf32> to vector<1x16xf32>
        tpu.vector_store %arg10[%parallel_loop3A_527, %parallel_loop3A_528], %parallel_loop3A_531 {strides = array<i32>} : memref<32x512xf32, #tpu.memory_space<vmem>>, vector<1x16xf32>,
        %parallel_loop3A_532 = arith.index_cast %parallel_loop3A_371 : i32 to index
        %parallel_loop3A_533 = arith.constant 256 : index
        %parallel_loop3A_534 = tpu.vector_load %arg7[%parallel_loop3A_532, %parallel_loop3A_533] {strides = array<i32>} : memref<32x512xf32, #tpu.memory_space<vmem>>, vector<1x16xf32>,
        %parallel_loop3A_535 = vector.shape_cast %parallel_loop3A_534 : vector<1x16xf32> to vector<16xf32>
        %parallel_loop3A_536 = arith.addf %parallel_loop3A_535, %select_n3A_179 : vector<16xf32>
        %parallel_loop3A_537 = arith.index_cast %parallel_loop3A_371 : i32 to index
        %parallel_loop3A_538 = arith.constant 256 : index
        %parallel_loop3A_539 = tpu.vector_load %arg10[%parallel_loop3A_537, %parallel_loop3A_538] {strides = array<i32>} : memref<32x512xf32, #tpu.memory_space<vmem>>, vector<1x16xf32>,
        %parallel_loop3A_540 = vector.shape_cast %parallel_loop3A_539 : vector<1x16xf32> to vector<16xf32>
        %parallel_loop3A_541 = vector.shape_cast %parallel_loop3A_536 : vector<16xf32> to vector<1x16xf32>
        tpu.vector_store %arg10[%parallel_loop3A_537, %parallel_loop3A_538], %parallel_loop3A_541 {strides = array<i32>} : memref<32x512xf32, #tpu.memory_space<vmem>>, vector<1x16xf32>,
        %parallel_loop3A_542 = arith.index_cast %parallel_loop3A_371 : i32 to index
        %parallel_loop3A_543 = arith.constant 272 : index
        %parallel_loop3A_544 = tpu.vector_load %arg7[%parallel_loop3A_542, %parallel_loop3A_543] {strides = array<i32>} : memref<32x512xf32, #tpu.memory_space<vmem>>, vector<1x16xf32>,
        %parallel_loop3A_545 = vector.shape_cast %parallel_loop3A_544 : vector<1x16xf32> to vector<16xf32>
        %parallel_loop3A_546 = arith.addf %parallel_loop3A_545, %select_n3A_179 : vector<16xf32>
        %parallel_loop3A_547 = arith.index_cast %parallel_loop3A_371 : i32 to index
        %parallel_loop3A_548 = arith.constant 272 : index
        %parallel_loop3A_549 = tpu.vector_load %arg10[%parallel_loop3A_547, %parallel_loop3A_548] {strides = array<i32>} : memref<32x512xf32, #tpu.memory_space<vmem>>, vector<1x16xf32>,
        %parallel_loop3A_550 = vector.shape_cast %parallel_loop3A_549 : vector<1x16xf32> to vector<16xf32>
        %parallel_loop3A_551 = vector.shape_cast %parallel_loop3A_546 : vector<16xf32> to vector<1x16xf32>
        tpu.vector_store %arg10[%parallel_loop3A_547, %parallel_loop3A_548], %parallel_loop3A_551 {strides = array<i32>} : memref<32x512xf32, #tpu.memory_space<vmem>>, vector<1x16xf32>,
        %parallel_loop3A_552 = arith.index_cast %parallel_loop3A_371 : i32 to index
        %parallel_loop3A_553 = arith.constant 288 : index
        %parallel_loop3A_554 = tpu.vector_load %arg7[%parallel_loop3A_552, %parallel_loop3A_553] {strides = array<i32>} : memref<32x512xf32, #tpu.memory_space<vmem>>, vector<1x16xf32>,
        %parallel_loop3A_555 = vector.shape_cast %parallel_loop3A_554 : vector<1x16xf32> to vector<16xf32>
        %parallel_loop3A_556 = arith.addf %parallel_loop3A_555, %select_n3A_179 : vector<16xf32>
        %parallel_loop3A_557 = arith.index_cast %parallel_loop3A_371 : i32 to index
        %parallel_loop3A_558 = arith.constant 288 : index
        %parallel_loop3A_559 = tpu.vector_load %arg10[%parallel_loop3A_557, %parallel_loop3A_558] {strides = array<i32>} : memref<32x512xf32, #tpu.memory_space<vmem>>, vector<1x16xf32>,
        %parallel_loop3A_560 = vector.shape_cast %parallel_loop3A_559 : vector<1x16xf32> to vector<16xf32>
        %parallel_loop3A_561 = vector.shape_cast %parallel_loop3A_556 : vector<16xf32> to vector<1x16xf32>
        tpu.vector_store %arg10[%parallel_loop3A_557, %parallel_loop3A_558], %parallel_loop3A_561 {strides = array<i32>} : memref<32x512xf32, #tpu.memory_space<vmem>>, vector<1x16xf32>,
        %parallel_loop3A_562 = arith.index_cast %parallel_loop3A_371 : i32 to index
        %parallel_loop3A_563 = arith.constant 304 : index
        %parallel_loop3A_564 = tpu.vector_load %arg7[%parallel_loop3A_562, %parallel_loop3A_563] {strides = array<i32>} : memref<32x512xf32, #tpu.memory_space<vmem>>, vector<1x16xf32>,
        %parallel_loop3A_565 = vector.shape_cast %parallel_loop3A_564 : vector<1x16xf32> to vector<16xf32>
        %parallel_loop3A_566 = arith.addf %parallel_loop3A_565, %select_n3A_179 : vector<16xf32>
        %parallel_loop3A_567 = arith.index_cast %parallel_loop3A_371 : i32 to index
        %parallel_loop3A_568 = arith.constant 304 : index
        %parallel_loop3A_569 = tpu.vector_load %arg10[%parallel_loop3A_567, %parallel_loop3A_568] {strides = array<i32>} : memref<32x512xf32, #tpu.memory_space<vmem>>, vector<1x16xf32>,
        %parallel_loop3A_570 = vector.shape_cast %parallel_loop3A_569 : vector<1x16xf32> to vector<16xf32>
        %parallel_loop3A_571 = vector.shape_cast %parallel_loop3A_566 : vector<16xf32> to vector<1x16xf32>
        tpu.vector_store %arg10[%parallel_loop3A_567, %parallel_loop3A_568], %parallel_loop3A_571 {strides = array<i32>} : memref<32x512xf32, #tpu.memory_space<vmem>>, vector<1x16xf32>,
        %parallel_loop3A_572 = arith.index_cast %parallel_loop3A_371 : i32 to index
        %parallel_loop3A_573 = arith.constant 320 : index
        %parallel_loop3A_574 = tpu.vector_load %arg7[%parallel_loop3A_572, %parallel_loop3A_573] {strides = array<i32>} : memref<32x512xf32, #tpu.memory_space<vmem>>, vector<1x16xf32>,
        %parallel_loop3A_575 = vector.shape_cast %parallel_loop3A_574 : vector<1x16xf32> to vector<16xf32>
        %parallel_loop3A_576 = arith.addf %parallel_loop3A_575, %select_n3A_179 : vector<16xf32>
        %parallel_loop3A_577 = arith.index_cast %parallel_loop3A_371 : i32 to index
        %parallel_loop3A_578 = arith.constant 320 : index
        %parallel_loop3A_579 = tpu.vector_load %arg10[%parallel_loop3A_577, %parallel_loop3A_578] {strides = array<i32>} : memref<32x512xf32, #tpu.memory_space<vmem>>, vector<1x16xf32>,
        %parallel_loop3A_580 = vector.shape_cast %parallel_loop3A_579 : vector<1x16xf32> to vector<16xf32>
        %parallel_loop3A_581 = vector.shape_cast %parallel_loop3A_576 : vector<16xf32> to vector<1x16xf32>
        tpu.vector_store %arg10[%parallel_loop3A_577, %parallel_loop3A_578], %parallel_loop3A_581 {strides = array<i32>} : memref<32x512xf32, #tpu.memory_space<vmem>>, vector<1x16xf32>,
        %parallel_loop3A_582 = arith.index_cast %parallel_loop3A_371 : i32 to index
        %parallel_loop3A_583 = arith.constant 336 : index
        %parallel_loop3A_584 = tpu.vector_load %arg7[%parallel_loop3A_582, %parallel_loop3A_583] {strides = array<i32>} : memref<32x512xf32, #tpu.memory_space<vmem>>, vector<1x16xf32>,
        %parallel_loop3A_585 = vector.shape_cast %parallel_loop3A_584 : vector<1x16xf32> to vector<16xf32>
        %parallel_loop3A_586 = arith.addf %parallel_loop3A_585, %select_n3A_179 : vector<16xf32>
        %parallel_loop3A_587 = arith.index_cast %parallel_loop3A_371 : i32 to index
        %parallel_loop3A_588 = arith.constant 336 : index
        %parallel_loop3A_589 = tpu.vector_load %arg10[%parallel_loop3A_587, %parallel_loop3A_588] {strides = array<i32>} : memref<32x512xf32, #tpu.memory_space<vmem>>, vector<1x16xf32>,
        %parallel_loop3A_590 = vector.shape_cast %parallel_loop3A_589 : vector<1x16xf32> to vector<16xf32>
        %parallel_loop3A_591 = vector.shape_cast %parallel_loop3A_586 : vector<16xf32> to vector<1x16xf32>
        tpu.vector_store %arg10[%parallel_loop3A_587, %parallel_loop3A_588], %parallel_loop3A_591 {strides = array<i32>} : memref<32x512xf32, #tpu.memory_space<vmem>>, vector<1x16xf32>,
        %parallel_loop3A_592 = arith.index_cast %parallel_loop3A_371 : i32 to index
        %parallel_loop3A_593 = arith.constant 352 : index
        %parallel_loop3A_594 = tpu.vector_load %arg7[%parallel_loop3A_592, %parallel_loop3A_593] {strides = array<i32>} : memref<32x512xf32, #tpu.memory_space<vmem>>, vector<1x16xf32>,
        %parallel_loop3A_595 = vector.shape_cast %parallel_loop3A_594 : vector<1x16xf32> to vector<16xf32>
        %parallel_loop3A_596 = arith.addf %parallel_loop3A_595, %select_n3A_179 : vector<16xf32>
        %parallel_loop3A_597 = arith.index_cast %parallel_loop3A_371 : i32 to index
        %parallel_loop3A_598 = arith.constant 352 : index
        %parallel_loop3A_599 = tpu.vector_load %arg10[%parallel_loop3A_597, %parallel_loop3A_598] {strides = array<i32>} : memref<32x512xf32, #tpu.memory_space<vmem>>, vector<1x16xf32>,
        %parallel_loop3A_600 = vector.shape_cast %parallel_loop3A_599 : vector<1x16xf32> to vector<16xf32>
        %parallel_loop3A_601 = vector.shape_cast %parallel_loop3A_596 : vector<16xf32> to vector<1x16xf32>
        tpu.vector_store %arg10[%parallel_loop3A_597, %parallel_loop3A_598], %parallel_loop3A_601 {strides = array<i32>} : memref<32x512xf32, #tpu.memory_space<vmem>>, vector<1x16xf32>,
        %parallel_loop3A_602 = arith.index_cast %parallel_loop3A_371 : i32 to index
        %parallel_loop3A_603 = arith.constant 368 : index
        %parallel_loop3A_604 = tpu.vector_load %arg7[%parallel_loop3A_602, %parallel_loop3A_603] {strides = array<i32>} : memref<32x512xf32, #tpu.memory_space<vmem>>, vector<1x16xf32>,
        %parallel_loop3A_605 = vector.shape_cast %parallel_loop3A_604 : vector<1x16xf32> to vector<16xf32>
        %parallel_loop3A_606 = arith.addf %parallel_loop3A_605, %select_n3A_179 : vector<16xf32>
        %parallel_loop3A_607 = arith.index_cast %parallel_loop3A_371 : i32 to index
        %parallel_loop3A_608 = arith.constant 368 : index
        %parallel_loop3A_609 = tpu.vector_load %arg10[%parallel_loop3A_607, %parallel_loop3A_608] {strides = array<i32>} : memref<32x512xf32, #tpu.memory_space<vmem>>, vector<1x16xf32>,
        %parallel_loop3A_610 = vector.shape_cast %parallel_loop3A_609 : vector<1x16xf32> to vector<16xf32>
        %parallel_loop3A_611 = vector.shape_cast %parallel_loop3A_606 : vector<16xf32> to vector<1x16xf32>
        tpu.vector_store %arg10[%parallel_loop3A_607, %parallel_loop3A_608], %parallel_loop3A_611 {strides = array<i32>} : memref<32x512xf32, #tpu.memory_space<vmem>>, vector<1x16xf32>,
        %parallel_loop3A_612 = arith.index_cast %parallel_loop3A_371 : i32 to index
        %parallel_loop3A_613 = arith.constant 384 : index
        %parallel_loop3A_614 = tpu.vector_load %arg7[%parallel_loop3A_612, %parallel_loop3A_613] {strides = array<i32>} : memref<32x512xf32, #tpu.memory_space<vmem>>, vector<1x16xf32>,
        %parallel_loop3A_615 = vector.shape_cast %parallel_loop3A_614 : vector<1x16xf32> to vector<16xf32>
        %parallel_loop3A_616 = arith.addf %parallel_loop3A_615, %select_n3A_179 : vector<16xf32>
        %parallel_loop3A_617 = arith.index_cast %parallel_loop3A_371 : i32 to index
        %parallel_loop3A_618 = arith.constant 384 : index
        %parallel_loop3A_619 = tpu.vector_load %arg10[%parallel_loop3A_617, %parallel_loop3A_618] {strides = array<i32>} : memref<32x512xf32, #tpu.memory_space<vmem>>, vector<1x16xf32>,
        %parallel_loop3A_620 = vector.shape_cast %parallel_loop3A_619 : vector<1x16xf32> to vector<16xf32>
        %parallel_loop3A_621 = vector.shape_cast %parallel_loop3A_616 : vector<16xf32> to vector<1x16xf32>
        tpu.vector_store %arg10[%parallel_loop3A_617, %parallel_loop3A_618], %parallel_loop3A_621 {strides = array<i32>} : memref<32x512xf32, #tpu.memory_space<vmem>>, vector<1x16xf32>,
        %parallel_loop3A_622 = arith.index_cast %parallel_loop3A_371 : i32 to index
        %parallel_loop3A_623 = arith.constant 400 : index
        %parallel_loop3A_624 = tpu.vector_load %arg7[%parallel_loop3A_622, %parallel_loop3A_623] {strides = array<i32>} : memref<32x512xf32, #tpu.memory_space<vmem>>, vector<1x16xf32>,
        %parallel_loop3A_625 = vector.shape_cast %parallel_loop3A_624 : vector<1x16xf32> to vector<16xf32>
        %parallel_loop3A_626 = arith.addf %parallel_loop3A_625, %select_n3A_179 : vector<16xf32>
        %parallel_loop3A_627 = arith.index_cast %parallel_loop3A_371 : i32 to index
        %parallel_loop3A_628 = arith.constant 400 : index
        %parallel_loop3A_629 = tpu.vector_load %arg10[%parallel_loop3A_627, %parallel_loop3A_628] {strides = array<i32>} : memref<32x512xf32, #tpu.memory_space<vmem>>, vector<1x16xf32>,
        %parallel_loop3A_630 = vector.shape_cast %parallel_loop3A_629 : vector<1x16xf32> to vector<16xf32>
        %parallel_loop3A_631 = vector.shape_cast %parallel_loop3A_626 : vector<16xf32> to vector<1x16xf32>
        tpu.vector_store %arg10[%parallel_loop3A_627, %parallel_loop3A_628], %parallel_loop3A_631 {strides = array<i32>} : memref<32x512xf32, #tpu.memory_space<vmem>>, vector<1x16xf32>,
        %parallel_loop3A_632 = arith.index_cast %parallel_loop3A_371 : i32 to index
        %parallel_loop3A_633 = arith.constant 416 : index
        %parallel_loop3A_634 = tpu.vector_load %arg7[%parallel_loop3A_632, %parallel_loop3A_633] {strides = array<i32>} : memref<32x512xf32, #tpu.memory_space<vmem>>, vector<1x16xf32>,
        %parallel_loop3A_635 = vector.shape_cast %parallel_loop3A_634 : vector<1x16xf32> to vector<16xf32>
        %parallel_loop3A_636 = arith.addf %parallel_loop3A_635, %select_n3A_179 : vector<16xf32>
        %parallel_loop3A_637 = arith.index_cast %parallel_loop3A_371 : i32 to index
        %parallel_loop3A_638 = arith.constant 416 : index
        %parallel_loop3A_639 = tpu.vector_load %arg10[%parallel_loop3A_637, %parallel_loop3A_638] {strides = array<i32>} : memref<32x512xf32, #tpu.memory_space<vmem>>, vector<1x16xf32>,
        %parallel_loop3A_640 = vector.shape_cast %parallel_loop3A_639 : vector<1x16xf32> to vector<16xf32>
        %parallel_loop3A_641 = vector.shape_cast %parallel_loop3A_636 : vector<16xf32> to vector<1x16xf32>
        tpu.vector_store %arg10[%parallel_loop3A_637, %parallel_loop3A_638], %parallel_loop3A_641 {strides = array<i32>} : memref<32x512xf32, #tpu.memory_space<vmem>>, vector<1x16xf32>,
        %parallel_loop3A_642 = arith.index_cast %parallel_loop3A_371 : i32 to index
        %parallel_loop3A_643 = arith.constant 432 : index
        %parallel_loop3A_644 = tpu.vector_load %arg7[%parallel_loop3A_642, %parallel_loop3A_643] {strides = array<i32>} : memref<32x512xf32, #tpu.memory_space<vmem>>, vector<1x16xf32>,
        %parallel_loop3A_645 = vector.shape_cast %parallel_loop3A_644 : vector<1x16xf32> to vector<16xf32>
        %parallel_loop3A_646 = arith.addf %parallel_loop3A_645, %select_n3A_179 : vector<16xf32>
        %parallel_loop3A_647 = arith.index_cast %parallel_loop3A_371 : i32 to index
        %parallel_loop3A_648 = arith.constant 432 : index
        %parallel_loop3A_649 = tpu.vector_load %arg10[%parallel_loop3A_647, %parallel_loop3A_648] {strides = array<i32>} : memref<32x512xf32, #tpu.memory_space<vmem>>, vector<1x16xf32>,
        %parallel_loop3A_650 = vector.shape_cast %parallel_loop3A_649 : vector<1x16xf32> to vector<16xf32>
        %parallel_loop3A_651 = vector.shape_cast %parallel_loop3A_646 : vector<16xf32> to vector<1x16xf32>
        tpu.vector_store %arg10[%parallel_loop3A_647, %parallel_loop3A_648], %parallel_loop3A_651 {strides = array<i32>} : memref<32x512xf32, #tpu.memory_space<vmem>>, vector<1x16xf32>,
        %parallel_loop3A_652 = arith.index_cast %parallel_loop3A_371 : i32 to index
        %parallel_loop3A_653 = arith.constant 448 : index
        %parallel_loop3A_654 = tpu.vector_load %arg7[%parallel_loop3A_652, %parallel_loop3A_653] {strides = array<i32>} : memref<32x512xf32, #tpu.memory_space<vmem>>, vector<1x16xf32>,
        %parallel_loop3A_655 = vector.shape_cast %parallel_loop3A_654 : vector<1x16xf32> to vector<16xf32>
        %parallel_loop3A_656 = arith.addf %parallel_loop3A_655, %select_n3A_179 : vector<16xf32>
        %parallel_loop3A_657 = arith.index_cast %parallel_loop3A_371 : i32 to index
        %parallel_loop3A_658 = arith.constant 448 : index
        %parallel_loop3A_659 = tpu.vector_load %arg10[%parallel_loop3A_657, %parallel_loop3A_658] {strides = array<i32>} : memref<32x512xf32, #tpu.memory_space<vmem>>, vector<1x16xf32>,
        %parallel_loop3A_660 = vector.shape_cast %parallel_loop3A_659 : vector<1x16xf32> to vector<16xf32>
        %parallel_loop3A_661 = vector.shape_cast %parallel_loop3A_656 : vector<16xf32> to vector<1x16xf32>
        tpu.vector_store %arg10[%parallel_loop3A_657, %parallel_loop3A_658], %parallel_loop3A_661 {strides = array<i32>} : memref<32x512xf32, #tpu.memory_space<vmem>>, vector<1x16xf32>,
        %parallel_loop3A_662 = arith.index_cast %parallel_loop3A_371 : i32 to index
        %parallel_loop3A_663 = arith.constant 464 : index
        %parallel_loop3A_664 = tpu.vector_load %arg7[%parallel_loop3A_662, %parallel_loop3A_663] {strides = array<i32>} : memref<32x512xf32, #tpu.memory_space<vmem>>, vector<1x16xf32>,
        %parallel_loop3A_665 = vector.shape_cast %parallel_loop3A_664 : vector<1x16xf32> to vector<16xf32>
        %parallel_loop3A_666 = arith.addf %parallel_loop3A_665, %select_n3A_179 : vector<16xf32>
        %parallel_loop3A_667 = arith.index_cast %parallel_loop3A_371 : i32 to index
        %parallel_loop3A_668 = arith.constant 464 : index
        %parallel_loop3A_669 = tpu.vector_load %arg10[%parallel_loop3A_667, %parallel_loop3A_668] {strides = array<i32>} : memref<32x512xf32, #tpu.memory_space<vmem>>, vector<1x16xf32>,
        %parallel_loop3A_670 = vector.shape_cast %parallel_loop3A_669 : vector<1x16xf32> to vector<16xf32>
        %parallel_loop3A_671 = vector.shape_cast %parallel_loop3A_666 : vector<16xf32> to vector<1x16xf32>
        tpu.vector_store %arg10[%parallel_loop3A_667, %parallel_loop3A_668], %parallel_loop3A_671 {strides = array<i32>} : memref<32x512xf32, #tpu.memory_space<vmem>>, vector<1x16xf32>,
        %parallel_loop3A_672 = arith.index_cast %parallel_loop3A_371 : i32 to index
        %parallel_loop3A_673 = arith.constant 480 : index
        %parallel_loop3A_674 = tpu.vector_load %arg7[%parallel_loop3A_672, %parallel_loop3A_673] {strides = array<i32>} : memref<32x512xf32, #tpu.memory_space<vmem>>, vector<1x16xf32>,
        %parallel_loop3A_675 = vector.shape_cast %parallel_loop3A_674 : vector<1x16xf32> to vector<16xf32>
        %parallel_loop3A_676 = arith.addf %parallel_loop3A_675, %select_n3A_179 : vector<16xf32>
        %parallel_loop3A_677 = arith.index_cast %parallel_loop3A_371 : i32 to index
        %parallel_loop3A_678 = arith.constant 480 : index
        %parallel_loop3A_679 = tpu.vector_load %arg10[%parallel_loop3A_677, %parallel_loop3A_678] {strides = array<i32>} : memref<32x512xf32, #tpu.memory_space<vmem>>, vector<1x16xf32>,
        %parallel_loop3A_680 = vector.shape_cast %parallel_loop3A_679 : vector<1x16xf32> to vector<16xf32>
        %parallel_loop3A_681 = vector.shape_cast %parallel_loop3A_676 : vector<16xf32> to vector<1x16xf32>
        tpu.vector_store %arg10[%parallel_loop3A_677, %parallel_loop3A_678], %parallel_loop3A_681 {strides = array<i32>} : memref<32x512xf32, #tpu.memory_space<vmem>>, vector<1x16xf32>,
        %parallel_loop3A_682 = arith.index_cast %parallel_loop3A_371 : i32 to index
        %parallel_loop3A_683 = arith.constant 496 : index
        %parallel_loop3A_684 = tpu.vector_load %arg7[%parallel_loop3A_682, %parallel_loop3A_683] {strides = array<i32>} : memref<32x512xf32, #tpu.memory_space<vmem>>, vector<1x16xf32>,
        %parallel_loop3A_685 = vector.shape_cast %parallel_loop3A_684 : vector<1x16xf32> to vector<16xf32>
        %parallel_loop3A_686 = arith.addf %parallel_loop3A_685, %select_n3A_179 : vector<16xf32>
        %parallel_loop3A_687 = arith.index_cast %parallel_loop3A_371 : i32 to index
        %parallel_loop3A_688 = arith.constant 496 : index
        %parallel_loop3A_689 = tpu.vector_load %arg10[%parallel_loop3A_687, %parallel_loop3A_688] {strides = array<i32>} : memref<32x512xf32, #tpu.memory_space<vmem>>, vector<1x16xf32>,
        %parallel_loop3A_690 = vector.shape_cast %parallel_loop3A_689 : vector<1x16xf32> to vector<16xf32>
        %parallel_loop3A_691 = vector.shape_cast %parallel_loop3A_686 : vector<16xf32> to vector<1x16xf32>
        tpu.vector_store %arg10[%parallel_loop3A_687, %parallel_loop3A_688], %parallel_loop3A_691 {strides = array<i32>} : memref<32x512xf32, #tpu.memory_space<vmem>>, vector<1x16xf32>,
      } {sc.loop_unroll_factor = 1 : i64, sc.parallel_access}
      %dma_start3A_182 = arith.constant 0 : i32
      %dma_start3A_183 = tpu.memref_slice %arg5[%add3A_169, %select_n3A_163, %mul3A_168, %dma_start3A_182] : memref<64x3x512x512xf32, #tpu.memory_space<hbm>> -> memref<1x1x32x512xf32, #tpu.memory_space<hbm>>
      %dma_start3A_184 = tpu.memref_squeeze %dma_start3A_183 : memref<1x1x32x512xf32, #tpu.memory_space<hbm>> -> memref<32x512xf32, #tpu.memory_space<hbm>>
      %dma_start3A_185 = arith.constant 0 : i32
      %dma_start3A_186 = tpu.memref_slice %arg5[%add3A_169, %select_n3A_163, %mul3A_168, %dma_start3A_185] : memref<64x3x512x512xf32, #tpu.memory_space<hbm>> -> memref<1x1x32x512xf32, #tpu.memory_space<hbm>>
      %dma_start3A_187 = tpu.memref_squeeze %dma_start3A_186 : memref<1x1x32x512xf32, #tpu.memory_space<hbm>> -> memref<32x512xf32, #tpu.memory_space<hbm>>
      tpu.enqueue_dma source(%arg10 : memref<32x512xf32, #tpu.memory_space<vmem>>) target(%dma_start3A_187 : memref<32x512xf32, #tpu.memory_space<hbm>>) target_semaphore(%arg16 : memref<!tpu.dma_semaphore, #tpu.memory_space<semaphore_mem>>)
      %lt3A = arith.constant 31 : i32
      %lt3A_188 = arith.cmpi slt, %scan3A_112, %lt3A : i32
      %convert_element_type3A_189 = arith.extui %lt3A_188 : i1 to i32
      %cond3A_190 = arith.constant 0 : i32
      %cond3A_191 = arith.cmpi ne, %convert_element_type3A_189, %cond3A_190 : i32
      scf.if %cond3A_191 {
        %add3A_371 = arith.constant 3 : i32
        %add3A_372 = arith.addi %add3A_117, %add3A_371 : i32
        %jit3A_373 = arith.constant 48 : i32
        %div3A_374 = arith.divsi %add3A_372, %jit3A_373 : i32
        %sign3A_375 = arith.constant 0 : i32
        %sign3A_376 = arith.cmpi sgt, %add3A_372, %sign3A_375 : i32
        %sign3A_377 = arith.extui %sign3A_376 : i1 to i32
        %sign3A_378 = arith.constant 0 : i32
        %sign3A_379 = arith.cmpi slt, %add3A_372, %sign3A_378 : i32
        %sign3A_380 = arith.extui %sign3A_379 : i1 to i32
        %sign3A_381 = arith.subi %sign3A_377, %sign3A_380 : i32
        %sign3A_382 = arith.constant 0 : i32
        %sign3A_383 = arith.cmpi sgt, %jit3A_373, %sign3A_382 : i32
        %sign3A_384 = arith.extui %sign3A_383 : i1 to i32
        %sign3A_385 = arith.constant 0 : i32
        %sign3A_386 = arith.cmpi slt, %jit3A_373, %sign3A_385 : i32
        %sign3A_387 = arith.extui %sign3A_386 : i1 to i32
        %sign3A_388 = arith.subi %sign3A_384, %sign3A_387 : i32
        %ne3A_389 = arith.cmpi ne, %sign3A_381, %sign3A_388 : i32
        %rem3A_390 = arith.remsi %add3A_372, %jit3A_373 : i32
        %ne3A_391 = arith.constant 0 : i32
        %ne3A_392 = arith.cmpi ne, %rem3A_390, %ne3A_391 : i32
        %and3A_393 = arith.andi %ne3A_389, %ne3A_392 : i1
        %sub3A_394 = arith.constant 1 : i32
        %sub3A_395 = arith.subi %div3A_374, %sub3A_394 : i32
        %select_n3A_396 = arith.select %and3A_393, %sub3A_395, %div3A_374 : i32
        %mul3A_397 = arith.constant 48 : i32
        %mul3A_398 = arith.muli %select_n3A_396, %mul3A_397 : i32
        %sub3A_399 = arith.subi %add3A_372, %mul3A_398 : i32
        %jit3A_400 = arith.constant 16 : i32
        %div3A_401 = arith.divsi %sub3A_399, %jit3A_400 : i32
        %sign3A_402 = arith.constant 0 : i32
        %sign3A_403 = arith.cmpi sgt, %sub3A_399, %sign3A_402 : i32
        %sign3A_404 = arith.extui %sign3A_403 : i1 to i32
        %sign3A_405 = arith.constant 0 : i32
        %sign3A_406 = arith.cmpi slt, %sub3A_399, %sign3A_405 : i32
        %sign3A_407 = arith.extui %sign3A_406 : i1 to i32
        %sign3A_408 = arith.subi %sign3A_404, %sign3A_407 : i32
        %sign3A_409 = arith.constant 0 : i32
        %sign3A_410 = arith.cmpi sgt, %jit3A_400, %sign3A_409 : i32
        %sign3A_411 = arith.extui %sign3A_410 : i1 to i32
        %sign3A_412 = arith.constant 0 : i32
        %sign3A_413 = arith.cmpi slt, %jit3A_400, %sign3A_412 : i32
        %sign3A_414 = arith.extui %sign3A_413 : i1 to i32
        %sign3A_415 = arith.subi %sign3A_411, %sign3A_414 : i32
        %ne3A_416 = arith.cmpi ne, %sign3A_408, %sign3A_415 : i32
        %rem3A_417 = arith.remsi %sub3A_399, %jit3A_400 : i32
        %ne3A_418 = arith.constant 0 : i32
        %ne3A_419 = arith.cmpi ne, %rem3A_417, %ne3A_418 : i32
        %and3A_420 = arith.andi %ne3A_416, %ne3A_419 : i1
        %sub3A_421 = arith.constant 1 : i32
        %sub3A_422 = arith.subi %div3A_401, %sub3A_421 : i32
        %select_n3A_423 = arith.select %and3A_420, %sub3A_422, %div3A_401 : i32
        %mul3A_424 = arith.constant 16 : i32
        %mul3A_425 = arith.muli %select_n3A_423, %mul3A_424 : i32
        %sub3A_426 = arith.subi %sub3A_399, %mul3A_425 : i32
        %mul3A_427 = arith.constant 32 : i32
        %mul3A_428 = arith.muli %sub3A_426, %mul3A_427 : i32
        %add3A_429 = arith.addi %mul3A_2, %select_n3A_396 : i32
        %dma_start3A_430 = arith.constant 0 : i32
        %dma_start3A_431 = tpu.memref_slice %arg2[%add3A_429, %select_n3A_423, %mul3A_428, %dma_start3A_430] : memref<64x3x512x512xf32, #tpu.memory_space<hbm>> -> memref<1x1x32x512xf32, #tpu.memory_space<hbm>>
        %dma_start3A_432 = tpu.memref_squeeze %dma_start3A_431 : memref<1x1x32x512xf32, #tpu.memory_space<hbm>> -> memref<32x512xf32, #tpu.memory_space<hbm>>
        %dma_start3A_433 = arith.constant 0 : i32
        %dma_start3A_434 = tpu.memref_slice %arg2[%add3A_429, %select_n3A_423, %mul3A_428, %dma_start3A_433] : memref<64x3x512x512xf32, #tpu.memory_space<hbm>> -> memref<1x1x32x512xf32, #tpu.memory_space<hbm>>
        %dma_start3A_435 = tpu.memref_squeeze %dma_start3A_434 : memref<1x1x32x512xf32, #tpu.memory_space<hbm>> -> memref<32x512xf32, #tpu.memory_space<hbm>>
        tpu.enqueue_dma source(%dma_start3A_435 : memref<32x512xf32, #tpu.memory_space<hbm>>) target(%arg7 : memref<32x512xf32, #tpu.memory_space<vmem>>) target_semaphore(%arg13 : memref<!tpu.dma_semaphore, #tpu.memory_space<semaphore_mem>>)
      } else {
      }
      %mul3A_192 = arith.constant 3 : i32
      %mul3A_193 = arith.muli %scan3A_112, %mul3A_192 : i32
      %add3A_194 = arith.constant 1 : i32
      %add3A_195 = arith.addi %mul3A_193, %add3A_194 : i32
      %jit3A_196 = arith.constant 48 : i32
      %div3A_197 = arith.divsi %add3A_195, %jit3A_196 : i32
      %sign3A_198 = arith.constant 0 : i32
      %sign3A_199 = arith.cmpi sgt, %add3A_195, %sign3A_198 : i32
      %sign3A_200 = arith.extui %sign3A_199 : i1 to i32
      %sign3A_201 = arith.constant 0 : i32
      %sign3A_202 = arith.cmpi slt, %add3A_195, %sign3A_201 : i32
      %sign3A_203 = arith.extui %sign3A_202 : i1 to i32
      %sign3A_204 = arith.subi %sign3A_200, %sign3A_203 : i32
      %sign3A_205 = arith.constant 0 : i32
      %sign3A_206 = arith.cmpi sgt, %jit3A_196, %sign3A_205 : i32
      %sign3A_207 = arith.extui %sign3A_206 : i1 to i32
      %sign3A_208 = arith.constant 0 : i32
      %sign3A_209 = arith.cmpi slt, %jit3A_196, %sign3A_208 : i32
      %sign3A_210 = arith.extui %sign3A_209 : i1 to i32
      %sign3A_211 = arith.subi %sign3A_207, %sign3A_210 : i32
      %ne3A_212 = arith.cmpi ne, %sign3A_204, %sign3A_211 : i32
      %rem3A_213 = arith.remsi %add3A_195, %jit3A_196 : i32
      %ne3A_214 = arith.constant 0 : i32
      %ne3A_215 = arith.cmpi ne, %rem3A_213, %ne3A_214 : i32
      %and3A_216 = arith.andi %ne3A_212, %ne3A_215 : i1
      %sub3A_217 = arith.constant 1 : i32
      %sub3A_218 = arith.subi %div3A_197, %sub3A_217 : i32
      %select_n3A_219 = arith.select %and3A_216, %sub3A_218, %div3A_197 : i32
      %mul3A_220 = arith.constant 48 : i32
      %mul3A_221 = arith.muli %select_n3A_219, %mul3A_220 : i32
      %sub3A_222 = arith.subi %add3A_195, %mul3A_221 : i32
      %jit3A_223 = arith.constant 16 : i32
      %div3A_224 = arith.divsi %sub3A_222, %jit3A_223 : i32
      %sign3A_225 = arith.constant 0 : i32
      %sign3A_226 = arith.cmpi sgt, %sub3A_222, %sign3A_225 : i32
      %sign3A_227 = arith.extui %sign3A_226 : i1 to i32
      %sign3A_228 = arith.constant 0 : i32
      %sign3A_229 = arith.cmpi slt, %sub3A_222, %sign3A_228 : i32
      %sign3A_230 = arith.extui %sign3A_229 : i1 to i32
      %sign3A_231 = arith.subi %sign3A_227, %sign3A_230 : i32
      %sign3A_232 = arith.constant 0 : i32
      %sign3A_233 = arith.cmpi sgt, %jit3A_223, %sign3A_232 : i32
      %sign3A_234 = arith.extui %sign3A_233 : i1 to i32
      %sign3A_235 = arith.constant 0 : i32
      %sign3A_236 = arith.cmpi slt, %jit3A_223, %sign3A_235 : i32
      %sign3A_237 = arith.extui %sign3A_236 : i1 to i32
      %sign3A_238 = arith.subi %sign3A_234, %sign3A_237 : i32
      %ne3A_239 = arith.cmpi ne, %sign3A_231, %sign3A_238 : i32
      %rem3A_240 = arith.remsi %sub3A_222, %jit3A_223 : i32
      %ne3A_241 = arith.constant 0 : i32
      %ne3A_242 = arith.cmpi ne, %rem3A_240, %ne3A_241 : i32
      %and3A_243 = arith.andi %ne3A_239, %ne3A_242 : i1
      %sub3A_244 = arith.constant 1 : i32
      %sub3A_245 = arith.subi %div3A_224, %sub3A_244 : i32
      %select_n3A_246 = arith.select %and3A_243, %sub3A_245, %div3A_224 : i32
      %mul3A_247 = arith.constant 16 : i32
      %mul3A_248 = arith.muli %select_n3A_246, %mul3A_247 : i32
      %sub3A_249 = arith.subi %sub3A_222, %mul3A_248 : i32
      %mul3A_250 = arith.constant 32 : i32
      %mul3A_251 = arith.muli %sub3A_249, %mul3A_250 : i32
      %add3A_252 = arith.addi %mul3A_2, %select_n3A_219 : i32
      %dma_wait3A_253 = arith.constant 0 : i32
      %dma_wait3A_254 = tpu.memref_slice %arg2[%add3A_252, %select_n3A_246, %mul3A_251, %dma_wait3A_253] : memref<64x3x512x512xf32, #tpu.memory_space<hbm>> -> memref<1x1x32x512xf32, #tpu.memory_space<hbm>>
      %dma_wait3A_255 = tpu.memref_squeeze %dma_wait3A_254 : memref<1x1x32x512xf32, #tpu.memory_space<hbm>> -> memref<32x512xf32, #tpu.memory_space<hbm>>
      %dma_wait3A_256 = arith.constant 0 : i32
      %dma_wait3A_257 = tpu.memref_slice %arg2[%add3A_252, %select_n3A_246, %mul3A_251, %dma_wait3A_256] : memref<64x3x512x512xf32, #tpu.memory_space<hbm>> -> memref<1x1x32x512xf32, #tpu.memory_space<hbm>>
      %dma_wait3A_258 = tpu.memref_squeeze %dma_wait3A_257 : memref<1x1x32x512xf32, #tpu.memory_space<hbm>> -> memref<32x512xf32, #tpu.memory_space<hbm>>
      tpu.wait_dma2 semaphore(%arg14 : memref<!tpu.dma_semaphore, #tpu.memory_space<semaphore_mem>>) src(%dma_wait3A_258 : memref<32x512xf32, #tpu.memory_space<hbm>>) dst(%arg8 : memref<32x512xf32, #tpu.memory_space<vmem>>)
      %ge3A_259 = arith.constant 1 : i32
      %ge3A_260 = arith.cmpi sge, %scan3A_112, %ge3A_259 : i32
      %convert_element_type3A_261 = arith.extui %ge3A_260 : i1 to i32
      %cond3A_262 = arith.constant 0 : i32
      %cond3A_263 = arith.cmpi ne, %convert_element_type3A_261, %cond3A_262 : i32
      scf.if %cond3A_263 {
        %dma_wait3A_371 = arith.constant 0 : i32
        %dma_wait3A_372 = arith.constant 0 : i32
        %dma_wait3A_373 = arith.constant 0 : i32
        %dma_wait3A_374 = tpu.memref_slice %arg5[%mul3A_2, %dma_wait3A_371, %dma_wait3A_372, %dma_wait3A_373] : memref<64x3x512x512xf32, #tpu.memory_space<hbm>> -> memref<1x1x32x512xf32, #tpu.memory_space<hbm>>
        %dma_wait3A_375 = tpu.memref_squeeze %dma_wait3A_374 : memref<1x1x32x512xf32, #tpu.memory_space<hbm>> -> memref<32x512xf32, #tpu.memory_space<hbm>>
        %dma_wait3A_376 = arith.constant 0 : i32
        %dma_wait3A_377 = arith.constant 0 : i32
        %dma_wait3A_378 = tpu.memref_slice %arg5[%mul3A_2, %dma_wait3A_371, %dma_wait3A_376, %dma_wait3A_377] : memref<64x3x512x512xf32, #tpu.memory_space<hbm>> -> memref<1x1x32x512xf32, #tpu.memory_space<hbm>>
        %dma_wait3A_379 = tpu.memref_squeeze %dma_wait3A_378 : memref<1x1x32x512xf32, #tpu.memory_space<hbm>> -> memref<32x512xf32, #tpu.memory_space<hbm>>
        tpu.wait_dma2 semaphore(%arg17 : memref<!tpu.dma_semaphore, #tpu.memory_space<semaphore_mem>>) src(%arg11 : memref<32x512xf32, #tpu.memory_space<vmem>>) dst(%dma_wait3A_379 : memref<32x512xf32, #tpu.memory_space<hbm>>)
      } else {
      }
      %eq3A_264 = arith.constant 0 : i32
      %eq3A_265 = arith.cmpi eq, %select_n3A_219, %eq3A_264 : i32
      %select_n3A_266 = arith.select %eq3A_265, %select_n3A, %select_n3A_78 : vector<16xf32>
      %parallel_loop3A_267 = arith.constant 0 : i32
      %parallel_loop3A_268 = arith.constant 32 : i32
      %parallel_loop3A_269 = arith.constant 1 : i32
      scf.for %parallel_loop3A_371 = %parallel_loop3A_267 to %parallel_loop3A_268 step %parallel_loop3A_269  : i32 {
        %parallel_loop3A_372 = arith.index_cast %parallel_loop3A_371 : i32 to index
        %parallel_loop3A_373 = arith.constant 0 : index
        %parallel_loop3A_374 = tpu.vector_load %arg8[%parallel_loop3A_372, %parallel_loop3A_373] {strides = array<i32>} : memref<32x512xf32, #tpu.memory_space<vmem>>, vector<1x16xf32>,
        %parallel_loop3A_375 = vector.shape_cast %parallel_loop3A_374 : vector<1x16xf32> to vector<16xf32>
        %parallel_loop3A_376 = arith.addf %parallel_loop3A_375, %select_n3A_266 : vector<16xf32>
        %parallel_loop3A_377 = arith.index_cast %parallel_loop3A_371 : i32 to index
        %parallel_loop3A_378 = arith.constant 0 : index
        %parallel_loop3A_379 = tpu.vector_load %arg11[%parallel_loop3A_377, %parallel_loop3A_378] {strides = array<i32>} : memref<32x512xf32, #tpu.memory_space<vmem>>, vector<1x16xf32>,
        %parallel_loop3A_380 = vector.shape_cast %parallel_loop3A_379 : vector<1x16xf32> to vector<16xf32>
        %parallel_loop3A_381 = vector.shape_cast %parallel_loop3A_376 : vector<16xf32> to vector<1x16xf32>
        tpu.vector_store %arg11[%parallel_loop3A_377, %parallel_loop3A_378], %parallel_loop3A_381 {strides = array<i32>} : memref<32x512xf32, #tpu.memory_space<vmem>>, vector<1x16xf32>,
        %parallel_loop3A_382 = arith.index_cast %parallel_loop3A_371 : i32 to index
        %parallel_loop3A_383 = arith.constant 16 : index
        %parallel_loop3A_384 = tpu.vector_load %arg8[%parallel_loop3A_382, %parallel_loop3A_383] {strides = array<i32>} : memref<32x512xf32, #tpu.memory_space<vmem>>, vector<1x16xf32>,
        %parallel_loop3A_385 = vector.shape_cast %parallel_loop3A_384 : vector<1x16xf32> to vector<16xf32>
        %parallel_loop3A_386 = arith.addf %parallel_loop3A_385, %select_n3A_266 : vector<16xf32>
        %parallel_loop3A_387 = arith.index_cast %parallel_loop3A_371 : i32 to index
        %parallel_loop3A_388 = arith.constant 16 : index
        %parallel_loop3A_389 = tpu.vector_load %arg11[%parallel_loop3A_387, %parallel_loop3A_388] {strides = array<i32>} : memref<32x512xf32, #tpu.memory_space<vmem>>, vector<1x16xf32>,
        %parallel_loop3A_390 = vector.shape_cast %parallel_loop3A_389 : vector<1x16xf32> to vector<16xf32>
        %parallel_loop3A_391 = vector.shape_cast %parallel_loop3A_386 : vector<16xf32> to vector<1x16xf32>
        tpu.vector_store %arg11[%parallel_loop3A_387, %parallel_loop3A_388], %parallel_loop3A_391 {strides = array<i32>} : memref<32x512xf32, #tpu.memory_space<vmem>>, vector<1x16xf32>,
        %parallel_loop3A_392 = arith.index_cast %parallel_loop3A_371 : i32 to index
        %parallel_loop3A_393 = arith.constant 32 : index
        %parallel_loop3A_394 = tpu.vector_load %arg8[%parallel_loop3A_392, %parallel_loop3A_393] {strides = array<i32>} : memref<32x512xf32, #tpu.memory_space<vmem>>, vector<1x16xf32>,
        %parallel_loop3A_395 = vector.shape_cast %parallel_loop3A_394 : vector<1x16xf32> to vector<16xf32>
        %parallel_loop3A_396 = arith.addf %parallel_loop3A_395, %select_n3A_266 : vector<16xf32>
        %parallel_loop3A_397 = arith.index_cast %parallel_loop3A_371 : i32 to index
        %parallel_loop3A_398 = arith.constant 32 : index
        %parallel_loop3A_399 = tpu.vector_load %arg11[%parallel_loop3A_397, %parallel_loop3A_398] {strides = array<i32>} : memref<32x512xf32, #tpu.memory_space<vmem>>, vector<1x16xf32>,
        %parallel_loop3A_400 = vector.shape_cast %parallel_loop3A_399 : vector<1x16xf32> to vector<16xf32>
        %parallel_loop3A_401 = vector.shape_cast %parallel_loop3A_396 : vector<16xf32> to vector<1x16xf32>
        tpu.vector_store %arg11[%parallel_loop3A_397, %parallel_loop3A_398], %parallel_loop3A_401 {strides = array<i32>} : memref<32x512xf32, #tpu.memory_space<vmem>>, vector<1x16xf32>,
        %parallel_loop3A_402 = arith.index_cast %parallel_loop3A_371 : i32 to index
        %parallel_loop3A_403 = arith.constant 48 : index
        %parallel_loop3A_404 = tpu.vector_load %arg8[%parallel_loop3A_402, %parallel_loop3A_403] {strides = array<i32>} : memref<32x512xf32, #tpu.memory_space<vmem>>, vector<1x16xf32>,
        %parallel_loop3A_405 = vector.shape_cast %parallel_loop3A_404 : vector<1x16xf32> to vector<16xf32>
        %parallel_loop3A_406 = arith.addf %parallel_loop3A_405, %select_n3A_266 : vector<16xf32>
        %parallel_loop3A_407 = arith.index_cast %parallel_loop3A_371 : i32 to index
        %parallel_loop3A_408 = arith.constant 48 : index
        %parallel_loop3A_409 = tpu.vector_load %arg11[%parallel_loop3A_407, %parallel_loop3A_408] {strides = array<i32>} : memref<32x512xf32, #tpu.memory_space<vmem>>, vector<1x16xf32>,
        %parallel_loop3A_410 = vector.shape_cast %parallel_loop3A_409 : vector<1x16xf32> to vector<16xf32>
        %parallel_loop3A_411 = vector.shape_cast %parallel_loop3A_406 : vector<16xf32> to vector<1x16xf32>
        tpu.vector_store %arg11[%parallel_loop3A_407, %parallel_loop3A_408], %parallel_loop3A_411 {strides = array<i32>} : memref<32x512xf32, #tpu.memory_space<vmem>>, vector<1x16xf32>,
        %parallel_loop3A_412 = arith.index_cast %parallel_loop3A_371 : i32 to index
        %parallel_loop3A_413 = arith.constant 64 : index
        %parallel_loop3A_414 = tpu.vector_load %arg8[%parallel_loop3A_412, %parallel_loop3A_413] {strides = array<i32>} : memref<32x512xf32, #tpu.memory_space<vmem>>, vector<1x16xf32>,
        %parallel_loop3A_415 = vector.shape_cast %parallel_loop3A_414 : vector<1x16xf32> to vector<16xf32>
        %parallel_loop3A_416 = arith.addf %parallel_loop3A_415, %select_n3A_266 : vector<16xf32>
        %parallel_loop3A_417 = arith.index_cast %parallel_loop3A_371 : i32 to index
        %parallel_loop3A_418 = arith.constant 64 : index
        %parallel_loop3A_419 = tpu.vector_load %arg11[%parallel_loop3A_417, %parallel_loop3A_418] {strides = array<i32>} : memref<32x512xf32, #tpu.memory_space<vmem>>, vector<1x16xf32>,
        %parallel_loop3A_420 = vector.shape_cast %parallel_loop3A_419 : vector<1x16xf32> to vector<16xf32>
        %parallel_loop3A_421 = vector.shape_cast %parallel_loop3A_416 : vector<16xf32> to vector<1x16xf32>
        tpu.vector_store %arg11[%parallel_loop3A_417, %parallel_loop3A_418], %parallel_loop3A_421 {strides = array<i32>} : memref<32x512xf32, #tpu.memory_space<vmem>>, vector<1x16xf32>,
        %parallel_loop3A_422 = arith.index_cast %parallel_loop3A_371 : i32 to index
        %parallel_loop3A_423 = arith.constant 80 : index
        %parallel_loop3A_424 = tpu.vector_load %arg8[%parallel_loop3A_422, %parallel_loop3A_423] {strides = array<i32>} : memref<32x512xf32, #tpu.memory_space<vmem>>, vector<1x16xf32>,
        %parallel_loop3A_425 = vector.shape_cast %parallel_loop3A_424 : vector<1x16xf32> to vector<16xf32>
        %parallel_loop3A_426 = arith.addf %parallel_loop3A_425, %select_n3A_266 : vector<16xf32>
        %parallel_loop3A_427 = arith.index_cast %parallel_loop3A_371 : i32 to index
        %parallel_loop3A_428 = arith.constant 80 : index
        %parallel_loop3A_429 = tpu.vector_load %arg11[%parallel_loop3A_427, %parallel_loop3A_428] {strides = array<i32>} : memref<32x512xf32, #tpu.memory_space<vmem>>, vector<1x16xf32>,
        %parallel_loop3A_430 = vector.shape_cast %parallel_loop3A_429 : vector<1x16xf32> to vector<16xf32>
        %parallel_loop3A_431 = vector.shape_cast %parallel_loop3A_426 : vector<16xf32> to vector<1x16xf32>
        tpu.vector_store %arg11[%parallel_loop3A_427, %parallel_loop3A_428], %parallel_loop3A_431 {strides = array<i32>} : memref<32x512xf32, #tpu.memory_space<vmem>>, vector<1x16xf32>,
        %parallel_loop3A_432 = arith.index_cast %parallel_loop3A_371 : i32 to index
        %parallel_loop3A_433 = arith.constant 96 : index
        %parallel_loop3A_434 = tpu.vector_load %arg8[%parallel_loop3A_432, %parallel_loop3A_433] {strides = array<i32>} : memref<32x512xf32, #tpu.memory_space<vmem>>, vector<1x16xf32>,
        %parallel_loop3A_435 = vector.shape_cast %parallel_loop3A_434 : vector<1x16xf32> to vector<16xf32>
        %parallel_loop3A_436 = arith.addf %parallel_loop3A_435, %select_n3A_266 : vector<16xf32>
        %parallel_loop3A_437 = arith.index_cast %parallel_loop3A_371 : i32 to index
        %parallel_loop3A_438 = arith.constant 96 : index
        %parallel_loop3A_439 = tpu.vector_load %arg11[%parallel_loop3A_437, %parallel_loop3A_438] {strides = array<i32>} : memref<32x512xf32, #tpu.memory_space<vmem>>, vector<1x16xf32>,
        %parallel_loop3A_440 = vector.shape_cast %parallel_loop3A_439 : vector<1x16xf32> to vector<16xf32>
        %parallel_loop3A_441 = vector.shape_cast %parallel_loop3A_436 : vector<16xf32> to vector<1x16xf32>
        tpu.vector_store %arg11[%parallel_loop3A_437, %parallel_loop3A_438], %parallel_loop3A_441 {strides = array<i32>} : memref<32x512xf32, #tpu.memory_space<vmem>>, vector<1x16xf32>,
        %parallel_loop3A_442 = arith.index_cast %parallel_loop3A_371 : i32 to index
        %parallel_loop3A_443 = arith.constant 112 : index
        %parallel_loop3A_444 = tpu.vector_load %arg8[%parallel_loop3A_442, %parallel_loop3A_443] {strides = array<i32>} : memref<32x512xf32, #tpu.memory_space<vmem>>, vector<1x16xf32>,
        %parallel_loop3A_445 = vector.shape_cast %parallel_loop3A_444 : vector<1x16xf32> to vector<16xf32>
        %parallel_loop3A_446 = arith.addf %parallel_loop3A_445, %select_n3A_266 : vector<16xf32>
        %parallel_loop3A_447 = arith.index_cast %parallel_loop3A_371 : i32 to index
        %parallel_loop3A_448 = arith.constant 112 : index
        %parallel_loop3A_449 = tpu.vector_load %arg11[%parallel_loop3A_447, %parallel_loop3A_448] {strides = array<i32>} : memref<32x512xf32, #tpu.memory_space<vmem>>, vector<1x16xf32>,
        %parallel_loop3A_450 = vector.shape_cast %parallel_loop3A_449 : vector<1x16xf32> to vector<16xf32>
        %parallel_loop3A_451 = vector.shape_cast %parallel_loop3A_446 : vector<16xf32> to vector<1x16xf32>
        tpu.vector_store %arg11[%parallel_loop3A_447, %parallel_loop3A_448], %parallel_loop3A_451 {strides = array<i32>} : memref<32x512xf32, #tpu.memory_space<vmem>>, vector<1x16xf32>,
        %parallel_loop3A_452 = arith.index_cast %parallel_loop3A_371 : i32 to index
        %parallel_loop3A_453 = arith.constant 128 : index
        %parallel_loop3A_454 = tpu.vector_load %arg8[%parallel_loop3A_452, %parallel_loop3A_453] {strides = array<i32>} : memref<32x512xf32, #tpu.memory_space<vmem>>, vector<1x16xf32>,
        %parallel_loop3A_455 = vector.shape_cast %parallel_loop3A_454 : vector<1x16xf32> to vector<16xf32>
        %parallel_loop3A_456 = arith.addf %parallel_loop3A_455, %select_n3A_266 : vector<16xf32>
        %parallel_loop3A_457 = arith.index_cast %parallel_loop3A_371 : i32 to index
        %parallel_loop3A_458 = arith.constant 128 : index
        %parallel_loop3A_459 = tpu.vector_load %arg11[%parallel_loop3A_457, %parallel_loop3A_458] {strides = array<i32>} : memref<32x512xf32, #tpu.memory_space<vmem>>, vector<1x16xf32>,
        %parallel_loop3A_460 = vector.shape_cast %parallel_loop3A_459 : vector<1x16xf32> to vector<16xf32>
        %parallel_loop3A_461 = vector.shape_cast %parallel_loop3A_456 : vector<16xf32> to vector<1x16xf32>
        tpu.vector_store %arg11[%parallel_loop3A_457, %parallel_loop3A_458], %parallel_loop3A_461 {strides = array<i32>} : memref<32x512xf32, #tpu.memory_space<vmem>>, vector<1x16xf32>,
        %parallel_loop3A_462 = arith.index_cast %parallel_loop3A_371 : i32 to index
        %parallel_loop3A_463 = arith.constant 144 : index
        %parallel_loop3A_464 = tpu.vector_load %arg8[%parallel_loop3A_462, %parallel_loop3A_463] {strides = array<i32>} : memref<32x512xf32, #tpu.memory_space<vmem>>, vector<1x16xf32>,
        %parallel_loop3A_465 = vector.shape_cast %parallel_loop3A_464 : vector<1x16xf32> to vector<16xf32>
        %parallel_loop3A_466 = arith.addf %parallel_loop3A_465, %select_n3A_266 : vector<16xf32>
        %parallel_loop3A_467 = arith.index_cast %parallel_loop3A_371 : i32 to index
        %parallel_loop3A_468 = arith.constant 144 : index
        %parallel_loop3A_469 = tpu.vector_load %arg11[%parallel_loop3A_467, %parallel_loop3A_468] {strides = array<i32>} : memref<32x512xf32, #tpu.memory_space<vmem>>, vector<1x16xf32>,
        %parallel_loop3A_470 = vector.shape_cast %parallel_loop3A_469 : vector<1x16xf32> to vector<16xf32>
        %parallel_loop3A_471 = vector.shape_cast %parallel_loop3A_466 : vector<16xf32> to vector<1x16xf32>
        tpu.vector_store %arg11[%parallel_loop3A_467, %parallel_loop3A_468], %parallel_loop3A_471 {strides = array<i32>} : memref<32x512xf32, #tpu.memory_space<vmem>>, vector<1x16xf32>,
        %parallel_loop3A_472 = arith.index_cast %parallel_loop3A_371 : i32 to index
        %parallel_loop3A_473 = arith.constant 160 : index
        %parallel_loop3A_474 = tpu.vector_load %arg8[%parallel_loop3A_472, %parallel_loop3A_473] {strides = array<i32>} : memref<32x512xf32, #tpu.memory_space<vmem>>, vector<1x16xf32>,
        %parallel_loop3A_475 = vector.shape_cast %parallel_loop3A_474 : vector<1x16xf32> to vector<16xf32>
        %parallel_loop3A_476 = arith.addf %parallel_loop3A_475, %select_n3A_266 : vector<16xf32>
        %parallel_loop3A_477 = arith.index_cast %parallel_loop3A_371 : i32 to index
        %parallel_loop3A_478 = arith.constant 160 : index
        %parallel_loop3A_479 = tpu.vector_load %arg11[%parallel_loop3A_477, %parallel_loop3A_478] {strides = array<i32>} : memref<32x512xf32, #tpu.memory_space<vmem>>, vector<1x16xf32>,
        %parallel_loop3A_480 = vector.shape_cast %parallel_loop3A_479 : vector<1x16xf32> to vector<16xf32>
        %parallel_loop3A_481 = vector.shape_cast %parallel_loop3A_476 : vector<16xf32> to vector<1x16xf32>
        tpu.vector_store %arg11[%parallel_loop3A_477, %parallel_loop3A_478], %parallel_loop3A_481 {strides = array<i32>} : memref<32x512xf32, #tpu.memory_space<vmem>>, vector<1x16xf32>,
        %parallel_loop3A_482 = arith.index_cast %parallel_loop3A_371 : i32 to index
        %parallel_loop3A_483 = arith.constant 176 : index
        %parallel_loop3A_484 = tpu.vector_load %arg8[%parallel_loop3A_482, %parallel_loop3A_483] {strides = array<i32>} : memref<32x512xf32, #tpu.memory_space<vmem>>, vector<1x16xf32>,
        %parallel_loop3A_485 = vector.shape_cast %parallel_loop3A_484 : vector<1x16xf32> to vector<16xf32>
        %parallel_loop3A_486 = arith.addf %parallel_loop3A_485, %select_n3A_266 : vector<16xf32>
        %parallel_loop3A_487 = arith.index_cast %parallel_loop3A_371 : i32 to index
        %parallel_loop3A_488 = arith.constant 176 : index
        %parallel_loop3A_489 = tpu.vector_load %arg11[%parallel_loop3A_487, %parallel_loop3A_488] {strides = array<i32>} : memref<32x512xf32, #tpu.memory_space<vmem>>, vector<1x16xf32>,
        %parallel_loop3A_490 = vector.shape_cast %parallel_loop3A_489 : vector<1x16xf32> to vector<16xf32>
        %parallel_loop3A_491 = vector.shape_cast %parallel_loop3A_486 : vector<16xf32> to vector<1x16xf32>
        tpu.vector_store %arg11[%parallel_loop3A_487, %parallel_loop3A_488], %parallel_loop3A_491 {strides = array<i32>} : memref<32x512xf32, #tpu.memory_space<vmem>>, vector<1x16xf32>,
        %parallel_loop3A_492 = arith.index_cast %parallel_loop3A_371 : i32 to index
        %parallel_loop3A_493 = arith.constant 192 : index
        %parallel_loop3A_494 = tpu.vector_load %arg8[%parallel_loop3A_492, %parallel_loop3A_493] {strides = array<i32>} : memref<32x512xf32, #tpu.memory_space<vmem>>, vector<1x16xf32>,
        %parallel_loop3A_495 = vector.shape_cast %parallel_loop3A_494 : vector<1x16xf32> to vector<16xf32>
        %parallel_loop3A_496 = arith.addf %parallel_loop3A_495, %select_n3A_266 : vector<16xf32>
        %parallel_loop3A_497 = arith.index_cast %parallel_loop3A_371 : i32 to index
        %parallel_loop3A_498 = arith.constant 192 : index
        %parallel_loop3A_499 = tpu.vector_load %arg11[%parallel_loop3A_497, %parallel_loop3A_498] {strides = array<i32>} : memref<32x512xf32, #tpu.memory_space<vmem>>, vector<1x16xf32>,
        %parallel_loop3A_500 = vector.shape_cast %parallel_loop3A_499 : vector<1x16xf32> to vector<16xf32>
        %parallel_loop3A_501 = vector.shape_cast %parallel_loop3A_496 : vector<16xf32> to vector<1x16xf32>
        tpu.vector_store %arg11[%parallel_loop3A_497, %parallel_loop3A_498], %parallel_loop3A_501 {strides = array<i32>} : memref<32x512xf32, #tpu.memory_space<vmem>>, vector<1x16xf32>,
        %parallel_loop3A_502 = arith.index_cast %parallel_loop3A_371 : i32 to index
        %parallel_loop3A_503 = arith.constant 208 : index
        %parallel_loop3A_504 = tpu.vector_load %arg8[%parallel_loop3A_502, %parallel_loop3A_503] {strides = array<i32>} : memref<32x512xf32, #tpu.memory_space<vmem>>, vector<1x16xf32>,
        %parallel_loop3A_505 = vector.shape_cast %parallel_loop3A_504 : vector<1x16xf32> to vector<16xf32>
        %parallel_loop3A_506 = arith.addf %parallel_loop3A_505, %select_n3A_266 : vector<16xf32>
        %parallel_loop3A_507 = arith.index_cast %parallel_loop3A_371 : i32 to index
        %parallel_loop3A_508 = arith.constant 208 : index
        %parallel_loop3A_509 = tpu.vector_load %arg11[%parallel_loop3A_507, %parallel_loop3A_508] {strides = array<i32>} : memref<32x512xf32, #tpu.memory_space<vmem>>, vector<1x16xf32>,
        %parallel_loop3A_510 = vector.shape_cast %parallel_loop3A_509 : vector<1x16xf32> to vector<16xf32>
        %parallel_loop3A_511 = vector.shape_cast %parallel_loop3A_506 : vector<16xf32> to vector<1x16xf32>
        tpu.vector_store %arg11[%parallel_loop3A_507, %parallel_loop3A_508], %parallel_loop3A_511 {strides = array<i32>} : memref<32x512xf32, #tpu.memory_space<vmem>>, vector<1x16xf32>,
        %parallel_loop3A_512 = arith.index_cast %parallel_loop3A_371 : i32 to index
        %parallel_loop3A_513 = arith.constant 224 : index
        %parallel_loop3A_514 = tpu.vector_load %arg8[%parallel_loop3A_512, %parallel_loop3A_513] {strides = array<i32>} : memref<32x512xf32, #tpu.memory_space<vmem>>, vector<1x16xf32>,
        %parallel_loop3A_515 = vector.shape_cast %parallel_loop3A_514 : vector<1x16xf32> to vector<16xf32>
        %parallel_loop3A_516 = arith.addf %parallel_loop3A_515, %select_n3A_266 : vector<16xf32>
        %parallel_loop3A_517 = arith.index_cast %parallel_loop3A_371 : i32 to index
        %parallel_loop3A_518 = arith.constant 224 : index
        %parallel_loop3A_519 = tpu.vector_load %arg11[%parallel_loop3A_517, %parallel_loop3A_518] {strides = array<i32>} : memref<32x512xf32, #tpu.memory_space<vmem>>, vector<1x16xf32>,
        %parallel_loop3A_520 = vector.shape_cast %parallel_loop3A_519 : vector<1x16xf32> to vector<16xf32>
        %parallel_loop3A_521 = vector.shape_cast %parallel_loop3A_516 : vector<16xf32> to vector<1x16xf32>
        tpu.vector_store %arg11[%parallel_loop3A_517, %parallel_loop3A_518], %parallel_loop3A_521 {strides = array<i32>} : memref<32x512xf32, #tpu.memory_space<vmem>>, vector<1x16xf32>,
        %parallel_loop3A_522 = arith.index_cast %parallel_loop3A_371 : i32 to index
        %parallel_loop3A_523 = arith.constant 240 : index
        %parallel_loop3A_524 = tpu.vector_load %arg8[%parallel_loop3A_522, %parallel_loop3A_523] {strides = array<i32>} : memref<32x512xf32, #tpu.memory_space<vmem>>, vector<1x16xf32>,
        %parallel_loop3A_525 = vector.shape_cast %parallel_loop3A_524 : vector<1x16xf32> to vector<16xf32>
        %parallel_loop3A_526 = arith.addf %parallel_loop3A_525, %select_n3A_266 : vector<16xf32>
        %parallel_loop3A_527 = arith.index_cast %parallel_loop3A_371 : i32 to index
        %parallel_loop3A_528 = arith.constant 240 : index
        %parallel_loop3A_529 = tpu.vector_load %arg11[%parallel_loop3A_527, %parallel_loop3A_528] {strides = array<i32>} : memref<32x512xf32, #tpu.memory_space<vmem>>, vector<1x16xf32>,
        %parallel_loop3A_530 = vector.shape_cast %parallel_loop3A_529 : vector<1x16xf32> to vector<16xf32>
        %parallel_loop3A_531 = vector.shape_cast %parallel_loop3A_526 : vector<16xf32> to vector<1x16xf32>
        tpu.vector_store %arg11[%parallel_loop3A_527, %parallel_loop3A_528], %parallel_loop3A_531 {strides = array<i32>} : memref<32x512xf32, #tpu.memory_space<vmem>>, vector<1x16xf32>,
        %parallel_loop3A_532 = arith.index_cast %parallel_loop3A_371 : i32 to index
        %parallel_loop3A_533 = arith.constant 256 : index
        %parallel_loop3A_534 = tpu.vector_load %arg8[%parallel_loop3A_532, %parallel_loop3A_533] {strides = array<i32>} : memref<32x512xf32, #tpu.memory_space<vmem>>, vector<1x16xf32>,
        %parallel_loop3A_535 = vector.shape_cast %parallel_loop3A_534 : vector<1x16xf32> to vector<16xf32>
        %parallel_loop3A_536 = arith.addf %parallel_loop3A_535, %select_n3A_266 : vector<16xf32>
        %parallel_loop3A_537 = arith.index_cast %parallel_loop3A_371 : i32 to index
        %parallel_loop3A_538 = arith.constant 256 : index
        %parallel_loop3A_539 = tpu.vector_load %arg11[%parallel_loop3A_537, %parallel_loop3A_538] {strides = array<i32>} : memref<32x512xf32, #tpu.memory_space<vmem>>, vector<1x16xf32>,
        %parallel_loop3A_540 = vector.shape_cast %parallel_loop3A_539 : vector<1x16xf32> to vector<16xf32>
        %parallel_loop3A_541 = vector.shape_cast %parallel_loop3A_536 : vector<16xf32> to vector<1x16xf32>
        tpu.vector_store %arg11[%parallel_loop3A_537, %parallel_loop3A_538], %parallel_loop3A_541 {strides = array<i32>} : memref<32x512xf32, #tpu.memory_space<vmem>>, vector<1x16xf32>,
        %parallel_loop3A_542 = arith.index_cast %parallel_loop3A_371 : i32 to index
        %parallel_loop3A_543 = arith.constant 272 : index
        %parallel_loop3A_544 = tpu.vector_load %arg8[%parallel_loop3A_542, %parallel_loop3A_543] {strides = array<i32>} : memref<32x512xf32, #tpu.memory_space<vmem>>, vector<1x16xf32>,
        %parallel_loop3A_545 = vector.shape_cast %parallel_loop3A_544 : vector<1x16xf32> to vector<16xf32>
        %parallel_loop3A_546 = arith.addf %parallel_loop3A_545, %select_n3A_266 : vector<16xf32>
        %parallel_loop3A_547 = arith.index_cast %parallel_loop3A_371 : i32 to index
        %parallel_loop3A_548 = arith.constant 272 : index
        %parallel_loop3A_549 = tpu.vector_load %arg11[%parallel_loop3A_547, %parallel_loop3A_548] {strides = array<i32>} : memref<32x512xf32, #tpu.memory_space<vmem>>, vector<1x16xf32>,
        %parallel_loop3A_550 = vector.shape_cast %parallel_loop3A_549 : vector<1x16xf32> to vector<16xf32>
        %parallel_loop3A_551 = vector.shape_cast %parallel_loop3A_546 : vector<16xf32> to vector<1x16xf32>
        tpu.vector_store %arg11[%parallel_loop3A_547, %parallel_loop3A_548], %parallel_loop3A_551 {strides = array<i32>} : memref<32x512xf32, #tpu.memory_space<vmem>>, vector<1x16xf32>,
        %parallel_loop3A_552 = arith.index_cast %parallel_loop3A_371 : i32 to index
        %parallel_loop3A_553 = arith.constant 288 : index
        %parallel_loop3A_554 = tpu.vector_load %arg8[%parallel_loop3A_552, %parallel_loop3A_553] {strides = array<i32>} : memref<32x512xf32, #tpu.memory_space<vmem>>, vector<1x16xf32>,
        %parallel_loop3A_555 = vector.shape_cast %parallel_loop3A_554 : vector<1x16xf32> to vector<16xf32>
        %parallel_loop3A_556 = arith.addf %parallel_loop3A_555, %select_n3A_266 : vector<16xf32>
        %parallel_loop3A_557 = arith.index_cast %parallel_loop3A_371 : i32 to index
        %parallel_loop3A_558 = arith.constant 288 : index
        %parallel_loop3A_559 = tpu.vector_load %arg11[%parallel_loop3A_557, %parallel_loop3A_558] {strides = array<i32>} : memref<32x512xf32, #tpu.memory_space<vmem>>, vector<1x16xf32>,
        %parallel_loop3A_560 = vector.shape_cast %parallel_loop3A_559 : vector<1x16xf32> to vector<16xf32>
        %parallel_loop3A_561 = vector.shape_cast %parallel_loop3A_556 : vector<16xf32> to vector<1x16xf32>
        tpu.vector_store %arg11[%parallel_loop3A_557, %parallel_loop3A_558], %parallel_loop3A_561 {strides = array<i32>} : memref<32x512xf32, #tpu.memory_space<vmem>>, vector<1x16xf32>,
        %parallel_loop3A_562 = arith.index_cast %parallel_loop3A_371 : i32 to index
        %parallel_loop3A_563 = arith.constant 304 : index
        %parallel_loop3A_564 = tpu.vector_load %arg8[%parallel_loop3A_562, %parallel_loop3A_563] {strides = array<i32>} : memref<32x512xf32, #tpu.memory_space<vmem>>, vector<1x16xf32>,
        %parallel_loop3A_565 = vector.shape_cast %parallel_loop3A_564 : vector<1x16xf32> to vector<16xf32>
        %parallel_loop3A_566 = arith.addf %parallel_loop3A_565, %select_n3A_266 : vector<16xf32>
        %parallel_loop3A_567 = arith.index_cast %parallel_loop3A_371 : i32 to index
        %parallel_loop3A_568 = arith.constant 304 : index
        %parallel_loop3A_569 = tpu.vector_load %arg11[%parallel_loop3A_567, %parallel_loop3A_568] {strides = array<i32>} : memref<32x512xf32, #tpu.memory_space<vmem>>, vector<1x16xf32>,
        %parallel_loop3A_570 = vector.shape_cast %parallel_loop3A_569 : vector<1x16xf32> to vector<16xf32>
        %parallel_loop3A_571 = vector.shape_cast %parallel_loop3A_566 : vector<16xf32> to vector<1x16xf32>
        tpu.vector_store %arg11[%parallel_loop3A_567, %parallel_loop3A_568], %parallel_loop3A_571 {strides = array<i32>} : memref<32x512xf32, #tpu.memory_space<vmem>>, vector<1x16xf32>,
        %parallel_loop3A_572 = arith.index_cast %parallel_loop3A_371 : i32 to index
        %parallel_loop3A_573 = arith.constant 320 : index
        %parallel_loop3A_574 = tpu.vector_load %arg8[%parallel_loop3A_572, %parallel_loop3A_573] {strides = array<i32>} : memref<32x512xf32, #tpu.memory_space<vmem>>, vector<1x16xf32>,
        %parallel_loop3A_575 = vector.shape_cast %parallel_loop3A_574 : vector<1x16xf32> to vector<16xf32>
        %parallel_loop3A_576 = arith.addf %parallel_loop3A_575, %select_n3A_266 : vector<16xf32>
        %parallel_loop3A_577 = arith.index_cast %parallel_loop3A_371 : i32 to index
        %parallel_loop3A_578 = arith.constant 320 : index
        %parallel_loop3A_579 = tpu.vector_load %arg11[%parallel_loop3A_577, %parallel_loop3A_578] {strides = array<i32>} : memref<32x512xf32, #tpu.memory_space<vmem>>, vector<1x16xf32>,
        %parallel_loop3A_580 = vector.shape_cast %parallel_loop3A_579 : vector<1x16xf32> to vector<16xf32>
        %parallel_loop3A_581 = vector.shape_cast %parallel_loop3A_576 : vector<16xf32> to vector<1x16xf32>
        tpu.vector_store %arg11[%parallel_loop3A_577, %parallel_loop3A_578], %parallel_loop3A_581 {strides = array<i32>} : memref<32x512xf32, #tpu.memory_space<vmem>>, vector<1x16xf32>,
        %parallel_loop3A_582 = arith.index_cast %parallel_loop3A_371 : i32 to index
        %parallel_loop3A_583 = arith.constant 336 : index
        %parallel_loop3A_584 = tpu.vector_load %arg8[%parallel_loop3A_582, %parallel_loop3A_583] {strides = array<i32>} : memref<32x512xf32, #tpu.memory_space<vmem>>, vector<1x16xf32>,
        %parallel_loop3A_585 = vector.shape_cast %parallel_loop3A_584 : vector<1x16xf32> to vector<16xf32>
        %parallel_loop3A_586 = arith.addf %parallel_loop3A_585, %select_n3A_266 : vector<16xf32>
        %parallel_loop3A_587 = arith.index_cast %parallel_loop3A_371 : i32 to index
        %parallel_loop3A_588 = arith.constant 336 : index
        %parallel_loop3A_589 = tpu.vector_load %arg11[%parallel_loop3A_587, %parallel_loop3A_588] {strides = array<i32>} : memref<32x512xf32, #tpu.memory_space<vmem>>, vector<1x16xf32>,
        %parallel_loop3A_590 = vector.shape_cast %parallel_loop3A_589 : vector<1x16xf32> to vector<16xf32>
        %parallel_loop3A_591 = vector.shape_cast %parallel_loop3A_586 : vector<16xf32> to vector<1x16xf32>
        tpu.vector_store %arg11[%parallel_loop3A_587, %parallel_loop3A_588], %parallel_loop3A_591 {strides = array<i32>} : memref<32x512xf32, #tpu.memory_space<vmem>>, vector<1x16xf32>,
        %parallel_loop3A_592 = arith.index_cast %parallel_loop3A_371 : i32 to index
        %parallel_loop3A_593 = arith.constant 352 : index
        %parallel_loop3A_594 = tpu.vector_load %arg8[%parallel_loop3A_592, %parallel_loop3A_593] {strides = array<i32>} : memref<32x512xf32, #tpu.memory_space<vmem>>, vector<1x16xf32>,
        %parallel_loop3A_595 = vector.shape_cast %parallel_loop3A_594 : vector<1x16xf32> to vector<16xf32>
        %parallel_loop3A_596 = arith.addf %parallel_loop3A_595, %select_n3A_266 : vector<16xf32>
        %parallel_loop3A_597 = arith.index_cast %parallel_loop3A_371 : i32 to index
        %parallel_loop3A_598 = arith.constant 352 : index
        %parallel_loop3A_599 = tpu.vector_load %arg11[%parallel_loop3A_597, %parallel_loop3A_598] {strides = array<i32>} : memref<32x512xf32, #tpu.memory_space<vmem>>, vector<1x16xf32>,
        %parallel_loop3A_600 = vector.shape_cast %parallel_loop3A_599 : vector<1x16xf32> to vector<16xf32>
        %parallel_loop3A_601 = vector.shape_cast %parallel_loop3A_596 : vector<16xf32> to vector<1x16xf32>
        tpu.vector_store %arg11[%parallel_loop3A_597, %parallel_loop3A_598], %parallel_loop3A_601 {strides = array<i32>} : memref<32x512xf32, #tpu.memory_space<vmem>>, vector<1x16xf32>,
        %parallel_loop3A_602 = arith.index_cast %parallel_loop3A_371 : i32 to index
        %parallel_loop3A_603 = arith.constant 368 : index
        %parallel_loop3A_604 = tpu.vector_load %arg8[%parallel_loop3A_602, %parallel_loop3A_603] {strides = array<i32>} : memref<32x512xf32, #tpu.memory_space<vmem>>, vector<1x16xf32>,
        %parallel_loop3A_605 = vector.shape_cast %parallel_loop3A_604 : vector<1x16xf32> to vector<16xf32>
        %parallel_loop3A_606 = arith.addf %parallel_loop3A_605, %select_n3A_266 : vector<16xf32>
        %parallel_loop3A_607 = arith.index_cast %parallel_loop3A_371 : i32 to index
        %parallel_loop3A_608 = arith.constant 368 : index
        %parallel_loop3A_609 = tpu.vector_load %arg11[%parallel_loop3A_607, %parallel_loop3A_608] {strides = array<i32>} : memref<32x512xf32, #tpu.memory_space<vmem>>, vector<1x16xf32>,
        %parallel_loop3A_610 = vector.shape_cast %parallel_loop3A_609 : vector<1x16xf32> to vector<16xf32>
        %parallel_loop3A_611 = vector.shape_cast %parallel_loop3A_606 : vector<16xf32> to vector<1x16xf32>
        tpu.vector_store %arg11[%parallel_loop3A_607, %parallel_loop3A_608], %parallel_loop3A_611 {strides = array<i32>} : memref<32x512xf32, #tpu.memory_space<vmem>>, vector<1x16xf32>,
        %parallel_loop3A_612 = arith.index_cast %parallel_loop3A_371 : i32 to index
        %parallel_loop3A_613 = arith.constant 384 : index
        %parallel_loop3A_614 = tpu.vector_load %arg8[%parallel_loop3A_612, %parallel_loop3A_613] {strides = array<i32>} : memref<32x512xf32, #tpu.memory_space<vmem>>, vector<1x16xf32>,
        %parallel_loop3A_615 = vector.shape_cast %parallel_loop3A_614 : vector<1x16xf32> to vector<16xf32>
        %parallel_loop3A_616 = arith.addf %parallel_loop3A_615, %select_n3A_266 : vector<16xf32>
        %parallel_loop3A_617 = arith.index_cast %parallel_loop3A_371 : i32 to index
        %parallel_loop3A_618 = arith.constant 384 : index
        %parallel_loop3A_619 = tpu.vector_load %arg11[%parallel_loop3A_617, %parallel_loop3A_618] {strides = array<i32>} : memref<32x512xf32, #tpu.memory_space<vmem>>, vector<1x16xf32>,
        %parallel_loop3A_620 = vector.shape_cast %parallel_loop3A_619 : vector<1x16xf32> to vector<16xf32>
        %parallel_loop3A_621 = vector.shape_cast %parallel_loop3A_616 : vector<16xf32> to vector<1x16xf32>
        tpu.vector_store %arg11[%parallel_loop3A_617, %parallel_loop3A_618], %parallel_loop3A_621 {strides = array<i32>} : memref<32x512xf32, #tpu.memory_space<vmem>>, vector<1x16xf32>,
        %parallel_loop3A_622 = arith.index_cast %parallel_loop3A_371 : i32 to index
        %parallel_loop3A_623 = arith.constant 400 : index
        %parallel_loop3A_624 = tpu.vector_load %arg8[%parallel_loop3A_622, %parallel_loop3A_623] {strides = array<i32>} : memref<32x512xf32, #tpu.memory_space<vmem>>, vector<1x16xf32>,
        %parallel_loop3A_625 = vector.shape_cast %parallel_loop3A_624 : vector<1x16xf32> to vector<16xf32>
        %parallel_loop3A_626 = arith.addf %parallel_loop3A_625, %select_n3A_266 : vector<16xf32>
        %parallel_loop3A_627 = arith.index_cast %parallel_loop3A_371 : i32 to index
        %parallel_loop3A_628 = arith.constant 400 : index
        %parallel_loop3A_629 = tpu.vector_load %arg11[%parallel_loop3A_627, %parallel_loop3A_628] {strides = array<i32>} : memref<32x512xf32, #tpu.memory_space<vmem>>, vector<1x16xf32>,
        %parallel_loop3A_630 = vector.shape_cast %parallel_loop3A_629 : vector<1x16xf32> to vector<16xf32>
        %parallel_loop3A_631 = vector.shape_cast %parallel_loop3A_626 : vector<16xf32> to vector<1x16xf32>
        tpu.vector_store %arg11[%parallel_loop3A_627, %parallel_loop3A_628], %parallel_loop3A_631 {strides = array<i32>} : memref<32x512xf32, #tpu.memory_space<vmem>>, vector<1x16xf32>,
        %parallel_loop3A_632 = arith.index_cast %parallel_loop3A_371 : i32 to index
        %parallel_loop3A_633 = arith.constant 416 : index
        %parallel_loop3A_634 = tpu.vector_load %arg8[%parallel_loop3A_632, %parallel_loop3A_633] {strides = array<i32>} : memref<32x512xf32, #tpu.memory_space<vmem>>, vector<1x16xf32>,
        %parallel_loop3A_635 = vector.shape_cast %parallel_loop3A_634 : vector<1x16xf32> to vector<16xf32>
        %parallel_loop3A_636 = arith.addf %parallel_loop3A_635, %select_n3A_266 : vector<16xf32>
        %parallel_loop3A_637 = arith.index_cast %parallel_loop3A_371 : i32 to index
        %parallel_loop3A_638 = arith.constant 416 : index
        %parallel_loop3A_639 = tpu.vector_load %arg11[%parallel_loop3A_637, %parallel_loop3A_638] {strides = array<i32>} : memref<32x512xf32, #tpu.memory_space<vmem>>, vector<1x16xf32>,
        %parallel_loop3A_640 = vector.shape_cast %parallel_loop3A_639 : vector<1x16xf32> to vector<16xf32>
        %parallel_loop3A_641 = vector.shape_cast %parallel_loop3A_636 : vector<16xf32> to vector<1x16xf32>
        tpu.vector_store %arg11[%parallel_loop3A_637, %parallel_loop3A_638], %parallel_loop3A_641 {strides = array<i32>} : memref<32x512xf32, #tpu.memory_space<vmem>>, vector<1x16xf32>,
        %parallel_loop3A_642 = arith.index_cast %parallel_loop3A_371 : i32 to index
        %parallel_loop3A_643 = arith.constant 432 : index
        %parallel_loop3A_644 = tpu.vector_load %arg8[%parallel_loop3A_642, %parallel_loop3A_643] {strides = array<i32>} : memref<32x512xf32, #tpu.memory_space<vmem>>, vector<1x16xf32>,
        %parallel_loop3A_645 = vector.shape_cast %parallel_loop3A_644 : vector<1x16xf32> to vector<16xf32>
        %parallel_loop3A_646 = arith.addf %parallel_loop3A_645, %select_n3A_266 : vector<16xf32>
        %parallel_loop3A_647 = arith.index_cast %parallel_loop3A_371 : i32 to index
        %parallel_loop3A_648 = arith.constant 432 : index
        %parallel_loop3A_649 = tpu.vector_load %arg11[%parallel_loop3A_647, %parallel_loop3A_648] {strides = array<i32>} : memref<32x512xf32, #tpu.memory_space<vmem>>, vector<1x16xf32>,
        %parallel_loop3A_650 = vector.shape_cast %parallel_loop3A_649 : vector<1x16xf32> to vector<16xf32>
        %parallel_loop3A_651 = vector.shape_cast %parallel_loop3A_646 : vector<16xf32> to vector<1x16xf32>
        tpu.vector_store %arg11[%parallel_loop3A_647, %parallel_loop3A_648], %parallel_loop3A_651 {strides = array<i32>} : memref<32x512xf32, #tpu.memory_space<vmem>>, vector<1x16xf32>,
        %parallel_loop3A_652 = arith.index_cast %parallel_loop3A_371 : i32 to index
        %parallel_loop3A_653 = arith.constant 448 : index
        %parallel_loop3A_654 = tpu.vector_load %arg8[%parallel_loop3A_652, %parallel_loop3A_653] {strides = array<i32>} : memref<32x512xf32, #tpu.memory_space<vmem>>, vector<1x16xf32>,
        %parallel_loop3A_655 = vector.shape_cast %parallel_loop3A_654 : vector<1x16xf32> to vector<16xf32>
        %parallel_loop3A_656 = arith.addf %parallel_loop3A_655, %select_n3A_266 : vector<16xf32>
        %parallel_loop3A_657 = arith.index_cast %parallel_loop3A_371 : i32 to index
        %parallel_loop3A_658 = arith.constant 448 : index
        %parallel_loop3A_659 = tpu.vector_load %arg11[%parallel_loop3A_657, %parallel_loop3A_658] {strides = array<i32>} : memref<32x512xf32, #tpu.memory_space<vmem>>, vector<1x16xf32>,
        %parallel_loop3A_660 = vector.shape_cast %parallel_loop3A_659 : vector<1x16xf32> to vector<16xf32>
        %parallel_loop3A_661 = vector.shape_cast %parallel_loop3A_656 : vector<16xf32> to vector<1x16xf32>
        tpu.vector_store %arg11[%parallel_loop3A_657, %parallel_loop3A_658], %parallel_loop3A_661 {strides = array<i32>} : memref<32x512xf32, #tpu.memory_space<vmem>>, vector<1x16xf32>,
        %parallel_loop3A_662 = arith.index_cast %parallel_loop3A_371 : i32 to index
        %parallel_loop3A_663 = arith.constant 464 : index
        %parallel_loop3A_664 = tpu.vector_load %arg8[%parallel_loop3A_662, %parallel_loop3A_663] {strides = array<i32>} : memref<32x512xf32, #tpu.memory_space<vmem>>, vector<1x16xf32>,
        %parallel_loop3A_665 = vector.shape_cast %parallel_loop3A_664 : vector<1x16xf32> to vector<16xf32>
        %parallel_loop3A_666 = arith.addf %parallel_loop3A_665, %select_n3A_266 : vector<16xf32>
        %parallel_loop3A_667 = arith.index_cast %parallel_loop3A_371 : i32 to index
        %parallel_loop3A_668 = arith.constant 464 : index
        %parallel_loop3A_669 = tpu.vector_load %arg11[%parallel_loop3A_667, %parallel_loop3A_668] {strides = array<i32>} : memref<32x512xf32, #tpu.memory_space<vmem>>, vector<1x16xf32>,
        %parallel_loop3A_670 = vector.shape_cast %parallel_loop3A_669 : vector<1x16xf32> to vector<16xf32>
        %parallel_loop3A_671 = vector.shape_cast %parallel_loop3A_666 : vector<16xf32> to vector<1x16xf32>
        tpu.vector_store %arg11[%parallel_loop3A_667, %parallel_loop3A_668], %parallel_loop3A_671 {strides = array<i32>} : memref<32x512xf32, #tpu.memory_space<vmem>>, vector<1x16xf32>,
        %parallel_loop3A_672 = arith.index_cast %parallel_loop3A_371 : i32 to index
        %parallel_loop3A_673 = arith.constant 480 : index
        %parallel_loop3A_674 = tpu.vector_load %arg8[%parallel_loop3A_672, %parallel_loop3A_673] {strides = array<i32>} : memref<32x512xf32, #tpu.memory_space<vmem>>, vector<1x16xf32>,
        %parallel_loop3A_675 = vector.shape_cast %parallel_loop3A_674 : vector<1x16xf32> to vector<16xf32>
        %parallel_loop3A_676 = arith.addf %parallel_loop3A_675, %select_n3A_266 : vector<16xf32>
        %parallel_loop3A_677 = arith.index_cast %parallel_loop3A_371 : i32 to index
        %parallel_loop3A_678 = arith.constant 480 : index
        %parallel_loop3A_679 = tpu.vector_load %arg11[%parallel_loop3A_677, %parallel_loop3A_678] {strides = array<i32>} : memref<32x512xf32, #tpu.memory_space<vmem>>, vector<1x16xf32>,
        %parallel_loop3A_680 = vector.shape_cast %parallel_loop3A_679 : vector<1x16xf32> to vector<16xf32>
        %parallel_loop3A_681 = vector.shape_cast %parallel_loop3A_676 : vector<16xf32> to vector<1x16xf32>
        tpu.vector_store %arg11[%parallel_loop3A_677, %parallel_loop3A_678], %parallel_loop3A_681 {strides = array<i32>} : memref<32x512xf32, #tpu.memory_space<vmem>>, vector<1x16xf32>,
        %parallel_loop3A_682 = arith.index_cast %parallel_loop3A_371 : i32 to index
        %parallel_loop3A_683 = arith.constant 496 : index
        %parallel_loop3A_684 = tpu.vector_load %arg8[%parallel_loop3A_682, %parallel_loop3A_683] {strides = array<i32>} : memref<32x512xf32, #tpu.memory_space<vmem>>, vector<1x16xf32>,
        %parallel_loop3A_685 = vector.shape_cast %parallel_loop3A_684 : vector<1x16xf32> to vector<16xf32>
        %parallel_loop3A_686 = arith.addf %parallel_loop3A_685, %select_n3A_266 : vector<16xf32>
        %parallel_loop3A_687 = arith.index_cast %parallel_loop3A_371 : i32 to index
        %parallel_loop3A_688 = arith.constant 496 : index
        %parallel_loop3A_689 = tpu.vector_load %arg11[%parallel_loop3A_687, %parallel_loop3A_688] {strides = array<i32>} : memref<32x512xf32, #tpu.memory_space<vmem>>, vector<1x16xf32>,
        %parallel_loop3A_690 = vector.shape_cast %parallel_loop3A_689 : vector<1x16xf32> to vector<16xf32>
        %parallel_loop3A_691 = vector.shape_cast %parallel_loop3A_686 : vector<16xf32> to vector<1x16xf32>
        tpu.vector_store %arg11[%parallel_loop3A_687, %parallel_loop3A_688], %parallel_loop3A_691 {strides = array<i32>} : memref<32x512xf32, #tpu.memory_space<vmem>>, vector<1x16xf32>,
      } {sc.loop_unroll_factor = 1 : i64, sc.parallel_access}
      %dma_start3A_270 = arith.constant 0 : i32
      %dma_start3A_271 = tpu.memref_slice %arg5[%add3A_252, %select_n3A_246, %mul3A_251, %dma_start3A_270] : memref<64x3x512x512xf32, #tpu.memory_space<hbm>> -> memref<1x1x32x512xf32, #tpu.memory_space<hbm>>
      %dma_start3A_272 = tpu.memref_squeeze %dma_start3A_271 : memref<1x1x32x512xf32, #tpu.memory_space<hbm>> -> memref<32x512xf32, #tpu.memory_space<hbm>>
      %dma_start3A_273 = arith.constant 0 : i32
      %dma_start3A_274 = tpu.memref_slice %arg5[%add3A_252, %select_n3A_246, %mul3A_251, %dma_start3A_273] : memref<64x3x512x512xf32, #tpu.memory_space<hbm>> -> memref<1x1x32x512xf32, #tpu.memory_space<hbm>>
      %dma_start3A_275 = tpu.memref_squeeze %dma_start3A_274 : memref<1x1x32x512xf32, #tpu.memory_space<hbm>> -> memref<32x512xf32, #tpu.memory_space<hbm>>
      tpu.enqueue_dma source(%arg11 : memref<32x512xf32, #tpu.memory_space<vmem>>) target(%dma_start3A_275 : memref<32x512xf32, #tpu.memory_space<hbm>>) target_semaphore(%arg17 : memref<!tpu.dma_semaphore, #tpu.memory_space<semaphore_mem>>)
      %lt3A_276 = arith.constant 31 : i32
      %lt3A_277 = arith.cmpi slt, %scan3A_112, %lt3A_276 : i32
      %convert_element_type3A_278 = arith.extui %lt3A_277 : i1 to i32
      %cond3A_279 = arith.constant 0 : i32
      %cond3A_280 = arith.cmpi ne, %convert_element_type3A_278, %cond3A_279 : i32
      scf.if %cond3A_280 {
        %add3A_371 = arith.constant 3 : i32
        %add3A_372 = arith.addi %add3A_195, %add3A_371 : i32
        %jit3A_373 = arith.constant 48 : i32
        %div3A_374 = arith.divsi %add3A_372, %jit3A_373 : i32
        %sign3A_375 = arith.constant 0 : i32
        %sign3A_376 = arith.cmpi sgt, %add3A_372, %sign3A_375 : i32
        %sign3A_377 = arith.extui %sign3A_376 : i1 to i32
        %sign3A_378 = arith.constant 0 : i32
        %sign3A_379 = arith.cmpi slt, %add3A_372, %sign3A_378 : i32
        %sign3A_380 = arith.extui %sign3A_379 : i1 to i32
        %sign3A_381 = arith.subi %sign3A_377, %sign3A_380 : i32
        %sign3A_382 = arith.constant 0 : i32
        %sign3A_383 = arith.cmpi sgt, %jit3A_373, %sign3A_382 : i32
        %sign3A_384 = arith.extui %sign3A_383 : i1 to i32
        %sign3A_385 = arith.constant 0 : i32
        %sign3A_386 = arith.cmpi slt, %jit3A_373, %sign3A_385 : i32
        %sign3A_387 = arith.extui %sign3A_386 : i1 to i32
        %sign3A_388 = arith.subi %sign3A_384, %sign3A_387 : i32
        %ne3A_389 = arith.cmpi ne, %sign3A_381, %sign3A_388 : i32
        %rem3A_390 = arith.remsi %add3A_372, %jit3A_373 : i32
        %ne3A_391 = arith.constant 0 : i32
        %ne3A_392 = arith.cmpi ne, %rem3A_390, %ne3A_391 : i32
        %and3A_393 = arith.andi %ne3A_389, %ne3A_392 : i1
        %sub3A_394 = arith.constant 1 : i32
        %sub3A_395 = arith.subi %div3A_374, %sub3A_394 : i32
        %select_n3A_396 = arith.select %and3A_393, %sub3A_395, %div3A_374 : i32
        %mul3A_397 = arith.constant 48 : i32
        %mul3A_398 = arith.muli %select_n3A_396, %mul3A_397 : i32
        %sub3A_399 = arith.subi %add3A_372, %mul3A_398 : i32
        %jit3A_400 = arith.constant 16 : i32
        %div3A_401 = arith.divsi %sub3A_399, %jit3A_400 : i32
        %sign3A_402 = arith.constant 0 : i32
        %sign3A_403 = arith.cmpi sgt, %sub3A_399, %sign3A_402 : i32
        %sign3A_404 = arith.extui %sign3A_403 : i1 to i32
        %sign3A_405 = arith.constant 0 : i32
        %sign3A_406 = arith.cmpi slt, %sub3A_399, %sign3A_405 : i32
        %sign3A_407 = arith.extui %sign3A_406 : i1 to i32
        %sign3A_408 = arith.subi %sign3A_404, %sign3A_407 : i32
        %sign3A_409 = arith.constant 0 : i32
        %sign3A_410 = arith.cmpi sgt, %jit3A_400, %sign3A_409 : i32
        %sign3A_411 = arith.extui %sign3A_410 : i1 to i32
        %sign3A_412 = arith.constant 0 : i32
        %sign3A_413 = arith.cmpi slt, %jit3A_400, %sign3A_412 : i32
        %sign3A_414 = arith.extui %sign3A_413 : i1 to i32
        %sign3A_415 = arith.subi %sign3A_411, %sign3A_414 : i32
        %ne3A_416 = arith.cmpi ne, %sign3A_408, %sign3A_415 : i32
        %rem3A_417 = arith.remsi %sub3A_399, %jit3A_400 : i32
        %ne3A_418 = arith.constant 0 : i32
        %ne3A_419 = arith.cmpi ne, %rem3A_417, %ne3A_418 : i32
        %and3A_420 = arith.andi %ne3A_416, %ne3A_419 : i1
        %sub3A_421 = arith.constant 1 : i32
        %sub3A_422 = arith.subi %div3A_401, %sub3A_421 : i32
        %select_n3A_423 = arith.select %and3A_420, %sub3A_422, %div3A_401 : i32
        %mul3A_424 = arith.constant 16 : i32
        %mul3A_425 = arith.muli %select_n3A_423, %mul3A_424 : i32
        %sub3A_426 = arith.subi %sub3A_399, %mul3A_425 : i32
        %mul3A_427 = arith.constant 32 : i32
        %mul3A_428 = arith.muli %sub3A_426, %mul3A_427 : i32
        %add3A_429 = arith.addi %mul3A_2, %select_n3A_396 : i32
        %dma_start3A_430 = arith.constant 0 : i32
        %dma_start3A_431 = tpu.memref_slice %arg2[%add3A_429, %select_n3A_423, %mul3A_428, %dma_start3A_430] : memref<64x3x512x512xf32, #tpu.memory_space<hbm>> -> memref<1x1x32x512xf32, #tpu.memory_space<hbm>>
        %dma_start3A_432 = tpu.memref_squeeze %dma_start3A_431 : memref<1x1x32x512xf32, #tpu.memory_space<hbm>> -> memref<32x512xf32, #tpu.memory_space<hbm>>
        %dma_start3A_433 = arith.constant 0 : i32
        %dma_start3A_434 = tpu.memref_slice %arg2[%add3A_429, %select_n3A_423, %mul3A_428, %dma_start3A_433] : memref<64x3x512x512xf32, #tpu.memory_space<hbm>> -> memref<1x1x32x512xf32, #tpu.memory_space<hbm>>
        %dma_start3A_435 = tpu.memref_squeeze %dma_start3A_434 : memref<1x1x32x512xf32, #tpu.memory_space<hbm>> -> memref<32x512xf32, #tpu.memory_space<hbm>>
        tpu.enqueue_dma source(%dma_start3A_435 : memref<32x512xf32, #tpu.memory_space<hbm>>) target(%arg8 : memref<32x512xf32, #tpu.memory_space<vmem>>) target_semaphore(%arg14 : memref<!tpu.dma_semaphore, #tpu.memory_space<semaphore_mem>>)
      } else {
      }
      %mul3A_281 = arith.constant 3 : i32
      %mul3A_282 = arith.muli %scan3A_112, %mul3A_281 : i32
      %add3A_283 = arith.constant 2 : i32
      %add3A_284 = arith.addi %mul3A_282, %add3A_283 : i32
      %jit3A_285 = arith.constant 48 : i32
      %div3A_286 = arith.divsi %add3A_284, %jit3A_285 : i32
      %sign3A_287 = arith.constant 0 : i32
      %sign3A_288 = arith.cmpi sgt, %add3A_284, %sign3A_287 : i32
      %sign3A_289 = arith.extui %sign3A_288 : i1 to i32
      %sign3A_290 = arith.constant 0 : i32
      %sign3A_291 = arith.cmpi slt, %add3A_284, %sign3A_290 : i32
      %sign3A_292 = arith.extui %sign3A_291 : i1 to i32
      %sign3A_293 = arith.subi %sign3A_289, %sign3A_292 : i32
      %sign3A_294 = arith.constant 0 : i32
      %sign3A_295 = arith.cmpi sgt, %jit3A_285, %sign3A_294 : i32
      %sign3A_296 = arith.extui %sign3A_295 : i1 to i32
      %sign3A_297 = arith.constant 0 : i32
      %sign3A_298 = arith.cmpi slt, %jit3A_285, %sign3A_297 : i32
      %sign3A_299 = arith.extui %sign3A_298 : i1 to i32
      %sign3A_300 = arith.subi %sign3A_296, %sign3A_299 : i32
      %ne3A_301 = arith.cmpi ne, %sign3A_293, %sign3A_300 : i32
      %rem3A_302 = arith.remsi %add3A_284, %jit3A_285 : i32
      %ne3A_303 = arith.constant 0 : i32
      %ne3A_304 = arith.cmpi ne, %rem3A_302, %ne3A_303 : i32
      %and3A_305 = arith.andi %ne3A_301, %ne3A_304 : i1
      %sub3A_306 = arith.constant 1 : i32
      %sub3A_307 = arith.subi %div3A_286, %sub3A_306 : i32
      %select_n3A_308 = arith.select %and3A_305, %sub3A_307, %div3A_286 : i32
      %mul3A_309 = arith.constant 48 : i32
      %mul3A_310 = arith.muli %select_n3A_308, %mul3A_309 : i32
      %sub3A_311 = arith.subi %add3A_284, %mul3A_310 : i32
      %jit3A_312 = arith.constant 16 : i32
      %div3A_313 = arith.divsi %sub3A_311, %jit3A_312 : i32
      %sign3A_314 = arith.constant 0 : i32
      %sign3A_315 = arith.cmpi sgt, %sub3A_311, %sign3A_314 : i32
      %sign3A_316 = arith.extui %sign3A_315 : i1 to i32
      %sign3A_317 = arith.constant 0 : i32
      %sign3A_318 = arith.cmpi slt, %sub3A_311, %sign3A_317 : i32
      %sign3A_319 = arith.extui %sign3A_318 : i1 to i32
      %sign3A_320 = arith.subi %sign3A_316, %sign3A_319 : i32
      %sign3A_321 = arith.constant 0 : i32
      %sign3A_322 = arith.cmpi sgt, %jit3A_312, %sign3A_321 : i32
      %sign3A_323 = arith.extui %sign3A_322 : i1 to i32
      %sign3A_324 = arith.constant 0 : i32
      %sign3A_325 = arith.cmpi slt, %jit3A_312, %sign3A_324 : i32
      %sign3A_326 = arith.extui %sign3A_325 : i1 to i32
      %sign3A_327 = arith.subi %sign3A_323, %sign3A_326 : i32
      %ne3A_328 = arith.cmpi ne, %sign3A_320, %sign3A_327 : i32
      %rem3A_329 = arith.remsi %sub3A_311, %jit3A_312 : i32
      %ne3A_330 = arith.constant 0 : i32
      %ne3A_331 = arith.cmpi ne, %rem3A_329, %ne3A_330 : i32
      %and3A_332 = arith.andi %ne3A_328, %ne3A_331 : i1
      %sub3A_333 = arith.constant 1 : i32
      %sub3A_334 = arith.subi %div3A_313, %sub3A_333 : i32
      %select_n3A_335 = arith.select %and3A_332, %sub3A_334, %div3A_313 : i32
      %mul3A_336 = arith.constant 16 : i32
      %mul3A_337 = arith.muli %select_n3A_335, %mul3A_336 : i32
      %sub3A_338 = arith.subi %sub3A_311, %mul3A_337 : i32
      %mul3A_339 = arith.constant 32 : i32
      %mul3A_340 = arith.muli %sub3A_338, %mul3A_339 : i32
      %add3A_341 = arith.addi %mul3A_2, %select_n3A_308 : i32
      %dma_wait3A_342 = arith.constant 0 : i32
      %dma_wait3A_343 = tpu.memref_slice %arg2[%add3A_341, %select_n3A_335, %mul3A_340, %dma_wait3A_342] : memref<64x3x512x512xf32, #tpu.memory_space<hbm>> -> memref<1x1x32x512xf32, #tpu.memory_space<hbm>>
      %dma_wait3A_344 = tpu.memref_squeeze %dma_wait3A_343 : memref<1x1x32x512xf32, #tpu.memory_space<hbm>> -> memref<32x512xf32, #tpu.memory_space<hbm>>
      %dma_wait3A_345 = arith.constant 0 : i32
      %dma_wait3A_346 = tpu.memref_slice %arg2[%add3A_341, %select_n3A_335, %mul3A_340, %dma_wait3A_345] : memref<64x3x512x512xf32, #tpu.memory_space<hbm>> -> memref<1x1x32x512xf32, #tpu.memory_space<hbm>>
      %dma_wait3A_347 = tpu.memref_squeeze %dma_wait3A_346 : memref<1x1x32x512xf32, #tpu.memory_space<hbm>> -> memref<32x512xf32, #tpu.memory_space<hbm>>
      tpu.wait_dma2 semaphore(%arg15 : memref<!tpu.dma_semaphore, #tpu.memory_space<semaphore_mem>>) src(%dma_wait3A_347 : memref<32x512xf32, #tpu.memory_space<hbm>>) dst(%arg9 : memref<32x512xf32, #tpu.memory_space<vmem>>)
      %ge3A_348 = arith.constant 1 : i32
      %ge3A_349 = arith.cmpi sge, %scan3A_112, %ge3A_348 : i32
      %convert_element_type3A_350 = arith.extui %ge3A_349 : i1 to i32
      %cond3A_351 = arith.constant 0 : i32
      %cond3A_352 = arith.cmpi ne, %convert_element_type3A_350, %cond3A_351 : i32
      scf.if %cond3A_352 {
        %dma_wait3A_371 = arith.constant 0 : i32
        %dma_wait3A_372 = arith.constant 0 : i32
        %dma_wait3A_373 = arith.constant 0 : i32
        %dma_wait3A_374 = tpu.memref_slice %arg5[%mul3A_2, %dma_wait3A_371, %dma_wait3A_372, %dma_wait3A_373] : memref<64x3x512x512xf32, #tpu.memory_space<hbm>> -> memref<1x1x32x512xf32, #tpu.memory_space<hbm>>
        %dma_wait3A_375 = tpu.memref_squeeze %dma_wait3A_374 : memref<1x1x32x512xf32, #tpu.memory_space<hbm>> -> memref<32x512xf32, #tpu.memory_space<hbm>>
        %dma_wait3A_376 = arith.constant 0 : i32
        %dma_wait3A_377 = arith.constant 0 : i32
        %dma_wait3A_378 = tpu.memref_slice %arg5[%mul3A_2, %dma_wait3A_371, %dma_wait3A_376, %dma_wait3A_377] : memref<64x3x512x512xf32, #tpu.memory_space<hbm>> -> memref<1x1x32x512xf32, #tpu.memory_space<hbm>>
        %dma_wait3A_379 = tpu.memref_squeeze %dma_wait3A_378 : memref<1x1x32x512xf32, #tpu.memory_space<hbm>> -> memref<32x512xf32, #tpu.memory_space<hbm>>
        tpu.wait_dma2 semaphore(%arg18 : memref<!tpu.dma_semaphore, #tpu.memory_space<semaphore_mem>>) src(%arg12 : memref<32x512xf32, #tpu.memory_space<vmem>>) dst(%dma_wait3A_379 : memref<32x512xf32, #tpu.memory_space<hbm>>)
      } else {
      }
      %eq3A_353 = arith.constant 0 : i32
      %eq3A_354 = arith.cmpi eq, %select_n3A_308, %eq3A_353 : i32
      %select_n3A_355 = arith.select %eq3A_354, %select_n3A, %select_n3A_78 : vector<16xf32>
      %parallel_loop3A_356 = arith.constant 0 : i32
      %parallel_loop3A_357 = arith.constant 32 : i32
      %parallel_loop3A_358 = arith.constant 1 : i32
      scf.for %parallel_loop3A_371 = %parallel_loop3A_356 to %parallel_loop3A_357 step %parallel_loop3A_358  : i32 {
        %parallel_loop3A_372 = arith.index_cast %parallel_loop3A_371 : i32 to index
        %parallel_loop3A_373 = arith.constant 0 : index
        %parallel_loop3A_374 = tpu.vector_load %arg9[%parallel_loop3A_372, %parallel_loop3A_373] {strides = array<i32>} : memref<32x512xf32, #tpu.memory_space<vmem>>, vector<1x16xf32>,
        %parallel_loop3A_375 = vector.shape_cast %parallel_loop3A_374 : vector<1x16xf32> to vector<16xf32>
        %parallel_loop3A_376 = arith.addf %parallel_loop3A_375, %select_n3A_355 : vector<16xf32>
        %parallel_loop3A_377 = arith.index_cast %parallel_loop3A_371 : i32 to index
        %parallel_loop3A_378 = arith.constant 0 : index
        %parallel_loop3A_379 = tpu.vector_load %arg12[%parallel_loop3A_377, %parallel_loop3A_378] {strides = array<i32>} : memref<32x512xf32, #tpu.memory_space<vmem>>, vector<1x16xf32>,
        %parallel_loop3A_380 = vector.shape_cast %parallel_loop3A_379 : vector<1x16xf32> to vector<16xf32>
        %parallel_loop3A_381 = vector.shape_cast %parallel_loop3A_376 : vector<16xf32> to vector<1x16xf32>
        tpu.vector_store %arg12[%parallel_loop3A_377, %parallel_loop3A_378], %parallel_loop3A_381 {strides = array<i32>} : memref<32x512xf32, #tpu.memory_space<vmem>>, vector<1x16xf32>,
        %parallel_loop3A_382 = arith.index_cast %parallel_loop3A_371 : i32 to index
        %parallel_loop3A_383 = arith.constant 16 : index
        %parallel_loop3A_384 = tpu.vector_load %arg9[%parallel_loop3A_382, %parallel_loop3A_383] {strides = array<i32>} : memref<32x512xf32, #tpu.memory_space<vmem>>, vector<1x16xf32>,
        %parallel_loop3A_385 = vector.shape_cast %parallel_loop3A_384 : vector<1x16xf32> to vector<16xf32>
        %parallel_loop3A_386 = arith.addf %parallel_loop3A_385, %select_n3A_355 : vector<16xf32>
        %parallel_loop3A_387 = arith.index_cast %parallel_loop3A_371 : i32 to index
        %parallel_loop3A_388 = arith.constant 16 : index
        %parallel_loop3A_389 = tpu.vector_load %arg12[%parallel_loop3A_387, %parallel_loop3A_388] {strides = array<i32>} : memref<32x512xf32, #tpu.memory_space<vmem>>, vector<1x16xf32>,
        %parallel_loop3A_390 = vector.shape_cast %parallel_loop3A_389 : vector<1x16xf32> to vector<16xf32>
        %parallel_loop3A_391 = vector.shape_cast %parallel_loop3A_386 : vector<16xf32> to vector<1x16xf32>
        tpu.vector_store %arg12[%parallel_loop3A_387, %parallel_loop3A_388], %parallel_loop3A_391 {strides = array<i32>} : memref<32x512xf32, #tpu.memory_space<vmem>>, vector<1x16xf32>,
        %parallel_loop3A_392 = arith.index_cast %parallel_loop3A_371 : i32 to index
        %parallel_loop3A_393 = arith.constant 32 : index
        %parallel_loop3A_394 = tpu.vector_load %arg9[%parallel_loop3A_392, %parallel_loop3A_393] {strides = array<i32>} : memref<32x512xf32, #tpu.memory_space<vmem>>, vector<1x16xf32>,
        %parallel_loop3A_395 = vector.shape_cast %parallel_loop3A_394 : vector<1x16xf32> to vector<16xf32>
        %parallel_loop3A_396 = arith.addf %parallel_loop3A_395, %select_n3A_355 : vector<16xf32>
        %parallel_loop3A_397 = arith.index_cast %parallel_loop3A_371 : i32 to index
        %parallel_loop3A_398 = arith.constant 32 : index
        %parallel_loop3A_399 = tpu.vector_load %arg12[%parallel_loop3A_397, %parallel_loop3A_398] {strides = array<i32>} : memref<32x512xf32, #tpu.memory_space<vmem>>, vector<1x16xf32>,
        %parallel_loop3A_400 = vector.shape_cast %parallel_loop3A_399 : vector<1x16xf32> to vector<16xf32>
        %parallel_loop3A_401 = vector.shape_cast %parallel_loop3A_396 : vector<16xf32> to vector<1x16xf32>
        tpu.vector_store %arg12[%parallel_loop3A_397, %parallel_loop3A_398], %parallel_loop3A_401 {strides = array<i32>} : memref<32x512xf32, #tpu.memory_space<vmem>>, vector<1x16xf32>,
        %parallel_loop3A_402 = arith.index_cast %parallel_loop3A_371 : i32 to index
        %parallel_loop3A_403 = arith.constant 48 : index
        %parallel_loop3A_404 = tpu.vector_load %arg9[%parallel_loop3A_402, %parallel_loop3A_403] {strides = array<i32>} : memref<32x512xf32, #tpu.memory_space<vmem>>, vector<1x16xf32>,
        %parallel_loop3A_405 = vector.shape_cast %parallel_loop3A_404 : vector<1x16xf32> to vector<16xf32>
        %parallel_loop3A_406 = arith.addf %parallel_loop3A_405, %select_n3A_355 : vector<16xf32>
        %parallel_loop3A_407 = arith.index_cast %parallel_loop3A_371 : i32 to index
        %parallel_loop3A_408 = arith.constant 48 : index
        %parallel_loop3A_409 = tpu.vector_load %arg12[%parallel_loop3A_407, %parallel_loop3A_408] {strides = array<i32>} : memref<32x512xf32, #tpu.memory_space<vmem>>, vector<1x16xf32>,
        %parallel_loop3A_410 = vector.shape_cast %parallel_loop3A_409 : vector<1x16xf32> to vector<16xf32>
        %parallel_loop3A_411 = vector.shape_cast %parallel_loop3A_406 : vector<16xf32> to vector<1x16xf32>
        tpu.vector_store %arg12[%parallel_loop3A_407, %parallel_loop3A_408], %parallel_loop3A_411 {strides = array<i32>} : memref<32x512xf32, #tpu.memory_space<vmem>>, vector<1x16xf32>,
        %parallel_loop3A_412 = arith.index_cast %parallel_loop3A_371 : i32 to index
        %parallel_loop3A_413 = arith.constant 64 : index
        %parallel_loop3A_414 = tpu.vector_load %arg9[%parallel_loop3A_412, %parallel_loop3A_413] {strides = array<i32>} : memref<32x512xf32, #tpu.memory_space<vmem>>, vector<1x16xf32>,
        %parallel_loop3A_415 = vector.shape_cast %parallel_loop3A_414 : vector<1x16xf32> to vector<16xf32>
        %parallel_loop3A_416 = arith.addf %parallel_loop3A_415, %select_n3A_355 : vector<16xf32>
        %parallel_loop3A_417 = arith.index_cast %parallel_loop3A_371 : i32 to index
        %parallel_loop3A_418 = arith.constant 64 : index
        %parallel_loop3A_419 = tpu.vector_load %arg12[%parallel_loop3A_417, %parallel_loop3A_418] {strides = array<i32>} : memref<32x512xf32, #tpu.memory_space<vmem>>, vector<1x16xf32>,
        %parallel_loop3A_420 = vector.shape_cast %parallel_loop3A_419 : vector<1x16xf32> to vector<16xf32>
        %parallel_loop3A_421 = vector.shape_cast %parallel_loop3A_416 : vector<16xf32> to vector<1x16xf32>
        tpu.vector_store %arg12[%parallel_loop3A_417, %parallel_loop3A_418], %parallel_loop3A_421 {strides = array<i32>} : memref<32x512xf32, #tpu.memory_space<vmem>>, vector<1x16xf32>,
        %parallel_loop3A_422 = arith.index_cast %parallel_loop3A_371 : i32 to index
        %parallel_loop3A_423 = arith.constant 80 : index
        %parallel_loop3A_424 = tpu.vector_load %arg9[%parallel_loop3A_422, %parallel_loop3A_423] {strides = array<i32>} : memref<32x512xf32, #tpu.memory_space<vmem>>, vector<1x16xf32>,
        %parallel_loop3A_425 = vector.shape_cast %parallel_loop3A_424 : vector<1x16xf32> to vector<16xf32>
        %parallel_loop3A_426 = arith.addf %parallel_loop3A_425, %select_n3A_355 : vector<16xf32>
        %parallel_loop3A_427 = arith.index_cast %parallel_loop3A_371 : i32 to index
        %parallel_loop3A_428 = arith.constant 80 : index
        %parallel_loop3A_429 = tpu.vector_load %arg12[%parallel_loop3A_427, %parallel_loop3A_428] {strides = array<i32>} : memref<32x512xf32, #tpu.memory_space<vmem>>, vector<1x16xf32>,
        %parallel_loop3A_430 = vector.shape_cast %parallel_loop3A_429 : vector<1x16xf32> to vector<16xf32>
        %parallel_loop3A_431 = vector.shape_cast %parallel_loop3A_426 : vector<16xf32> to vector<1x16xf32>
        tpu.vector_store %arg12[%parallel_loop3A_427, %parallel_loop3A_428], %parallel_loop3A_431 {strides = array<i32>} : memref<32x512xf32, #tpu.memory_space<vmem>>, vector<1x16xf32>,
        %parallel_loop3A_432 = arith.index_cast %parallel_loop3A_371 : i32 to index
        %parallel_loop3A_433 = arith.constant 96 : index
        %parallel_loop3A_434 = tpu.vector_load %arg9[%parallel_loop3A_432, %parallel_loop3A_433] {strides = array<i32>} : memref<32x512xf32, #tpu.memory_space<vmem>>, vector<1x16xf32>,
        %parallel_loop3A_435 = vector.shape_cast %parallel_loop3A_434 : vector<1x16xf32> to vector<16xf32>
        %parallel_loop3A_436 = arith.addf %parallel_loop3A_435, %select_n3A_355 : vector<16xf32>
        %parallel_loop3A_437 = arith.index_cast %parallel_loop3A_371 : i32 to index
        %parallel_loop3A_438 = arith.constant 96 : index
        %parallel_loop3A_439 = tpu.vector_load %arg12[%parallel_loop3A_437, %parallel_loop3A_438] {strides = array<i32>} : memref<32x512xf32, #tpu.memory_space<vmem>>, vector<1x16xf32>,
        %parallel_loop3A_440 = vector.shape_cast %parallel_loop3A_439 : vector<1x16xf32> to vector<16xf32>
        %parallel_loop3A_441 = vector.shape_cast %parallel_loop3A_436 : vector<16xf32> to vector<1x16xf32>
        tpu.vector_store %arg12[%parallel_loop3A_437, %parallel_loop3A_438], %parallel_loop3A_441 {strides = array<i32>} : memref<32x512xf32, #tpu.memory_space<vmem>>, vector<1x16xf32>,
        %parallel_loop3A_442 = arith.index_cast %parallel_loop3A_371 : i32 to index
        %parallel_loop3A_443 = arith.constant 112 : index
        %parallel_loop3A_444 = tpu.vector_load %arg9[%parallel_loop3A_442, %parallel_loop3A_443] {strides = array<i32>} : memref<32x512xf32, #tpu.memory_space<vmem>>, vector<1x16xf32>,
        %parallel_loop3A_445 = vector.shape_cast %parallel_loop3A_444 : vector<1x16xf32> to vector<16xf32>
        %parallel_loop3A_446 = arith.addf %parallel_loop3A_445, %select_n3A_355 : vector<16xf32>
        %parallel_loop3A_447 = arith.index_cast %parallel_loop3A_371 : i32 to index
        %parallel_loop3A_448 = arith.constant 112 : index
        %parallel_loop3A_449 = tpu.vector_load %arg12[%parallel_loop3A_447, %parallel_loop3A_448] {strides = array<i32>} : memref<32x512xf32, #tpu.memory_space<vmem>>, vector<1x16xf32>,
        %parallel_loop3A_450 = vector.shape_cast %parallel_loop3A_449 : vector<1x16xf32> to vector<16xf32>
        %parallel_loop3A_451 = vector.shape_cast %parallel_loop3A_446 : vector<16xf32> to vector<1x16xf32>
        tpu.vector_store %arg12[%parallel_loop3A_447, %parallel_loop3A_448], %parallel_loop3A_451 {strides = array<i32>} : memref<32x512xf32, #tpu.memory_space<vmem>>, vector<1x16xf32>,
        %parallel_loop3A_452 = arith.index_cast %parallel_loop3A_371 : i32 to index
        %parallel_loop3A_453 = arith.constant 128 : index
        %parallel_loop3A_454 = tpu.vector_load %arg9[%parallel_loop3A_452, %parallel_loop3A_453] {strides = array<i32>} : memref<32x512xf32, #tpu.memory_space<vmem>>, vector<1x16xf32>,
        %parallel_loop3A_455 = vector.shape_cast %parallel_loop3A_454 : vector<1x16xf32> to vector<16xf32>
        %parallel_loop3A_456 = arith.addf %parallel_loop3A_455, %select_n3A_355 : vector<16xf32>
        %parallel_loop3A_457 = arith.index_cast %parallel_loop3A_371 : i32 to index
        %parallel_loop3A_458 = arith.constant 128 : index
        %parallel_loop3A_459 = tpu.vector_load %arg12[%parallel_loop3A_457, %parallel_loop3A_458] {strides = array<i32>} : memref<32x512xf32, #tpu.memory_space<vmem>>, vector<1x16xf32>,
        %parallel_loop3A_460 = vector.shape_cast %parallel_loop3A_459 : vector<1x16xf32> to vector<16xf32>
        %parallel_loop3A_461 = vector.shape_cast %parallel_loop3A_456 : vector<16xf32> to vector<1x16xf32>
        tpu.vector_store %arg12[%parallel_loop3A_457, %parallel_loop3A_458], %parallel_loop3A_461 {strides = array<i32>} : memref<32x512xf32, #tpu.memory_space<vmem>>, vector<1x16xf32>,
        %parallel_loop3A_462 = arith.index_cast %parallel_loop3A_371 : i32 to index
        %parallel_loop3A_463 = arith.constant 144 : index
        %parallel_loop3A_464 = tpu.vector_load %arg9[%parallel_loop3A_462, %parallel_loop3A_463] {strides = array<i32>} : memref<32x512xf32, #tpu.memory_space<vmem>>, vector<1x16xf32>,
        %parallel_loop3A_465 = vector.shape_cast %parallel_loop3A_464 : vector<1x16xf32> to vector<16xf32>
        %parallel_loop3A_466 = arith.addf %parallel_loop3A_465, %select_n3A_355 : vector<16xf32>
        %parallel_loop3A_467 = arith.index_cast %parallel_loop3A_371 : i32 to index
        %parallel_loop3A_468 = arith.constant 144 : index
        %parallel_loop3A_469 = tpu.vector_load %arg12[%parallel_loop3A_467, %parallel_loop3A_468] {strides = array<i32>} : memref<32x512xf32, #tpu.memory_space<vmem>>, vector<1x16xf32>,
        %parallel_loop3A_470 = vector.shape_cast %parallel_loop3A_469 : vector<1x16xf32> to vector<16xf32>
        %parallel_loop3A_471 = vector.shape_cast %parallel_loop3A_466 : vector<16xf32> to vector<1x16xf32>
        tpu.vector_store %arg12[%parallel_loop3A_467, %parallel_loop3A_468], %parallel_loop3A_471 {strides = array<i32>} : memref<32x512xf32, #tpu.memory_space<vmem>>, vector<1x16xf32>,
        %parallel_loop3A_472 = arith.index_cast %parallel_loop3A_371 : i32 to index
        %parallel_loop3A_473 = arith.constant 160 : index
        %parallel_loop3A_474 = tpu.vector_load %arg9[%parallel_loop3A_472, %parallel_loop3A_473] {strides = array<i32>} : memref<32x512xf32, #tpu.memory_space<vmem>>, vector<1x16xf32>,
        %parallel_loop3A_475 = vector.shape_cast %parallel_loop3A_474 : vector<1x16xf32> to vector<16xf32>
        %parallel_loop3A_476 = arith.addf %parallel_loop3A_475, %select_n3A_355 : vector<16xf32>
        %parallel_loop3A_477 = arith.index_cast %parallel_loop3A_371 : i32 to index
        %parallel_loop3A_478 = arith.constant 160 : index
        %parallel_loop3A_479 = tpu.vector_load %arg12[%parallel_loop3A_477, %parallel_loop3A_478] {strides = array<i32>} : memref<32x512xf32, #tpu.memory_space<vmem>>, vector<1x16xf32>,
        %parallel_loop3A_480 = vector.shape_cast %parallel_loop3A_479 : vector<1x16xf32> to vector<16xf32>
        %parallel_loop3A_481 = vector.shape_cast %parallel_loop3A_476 : vector<16xf32> to vector<1x16xf32>
        tpu.vector_store %arg12[%parallel_loop3A_477, %parallel_loop3A_478], %parallel_loop3A_481 {strides = array<i32>} : memref<32x512xf32, #tpu.memory_space<vmem>>, vector<1x16xf32>,
        %parallel_loop3A_482 = arith.index_cast %parallel_loop3A_371 : i32 to index
        %parallel_loop3A_483 = arith.constant 176 : index
        %parallel_loop3A_484 = tpu.vector_load %arg9[%parallel_loop3A_482, %parallel_loop3A_483] {strides = array<i32>} : memref<32x512xf32, #tpu.memory_space<vmem>>, vector<1x16xf32>,
        %parallel_loop3A_485 = vector.shape_cast %parallel_loop3A_484 : vector<1x16xf32> to vector<16xf32>
        %parallel_loop3A_486 = arith.addf %parallel_loop3A_485, %select_n3A_355 : vector<16xf32>
        %parallel_loop3A_487 = arith.index_cast %parallel_loop3A_371 : i32 to index
        %parallel_loop3A_488 = arith.constant 176 : index
        %parallel_loop3A_489 = tpu.vector_load %arg12[%parallel_loop3A_487, %parallel_loop3A_488] {strides = array<i32>} : memref<32x512xf32, #tpu.memory_space<vmem>>, vector<1x16xf32>,
        %parallel_loop3A_490 = vector.shape_cast %parallel_loop3A_489 : vector<1x16xf32> to vector<16xf32>
        %parallel_loop3A_491 = vector.shape_cast %parallel_loop3A_486 : vector<16xf32> to vector<1x16xf32>
        tpu.vector_store %arg12[%parallel_loop3A_487, %parallel_loop3A_488], %parallel_loop3A_491 {strides = array<i32>} : memref<32x512xf32, #tpu.memory_space<vmem>>, vector<1x16xf32>,
        %parallel_loop3A_492 = arith.index_cast %parallel_loop3A_371 : i32 to index
        %parallel_loop3A_493 = arith.constant 192 : index
        %parallel_loop3A_494 = tpu.vector_load %arg9[%parallel_loop3A_492, %parallel_loop3A_493] {strides = array<i32>} : memref<32x512xf32, #tpu.memory_space<vmem>>, vector<1x16xf32>,
        %parallel_loop3A_495 = vector.shape_cast %parallel_loop3A_494 : vector<1x16xf32> to vector<16xf32>
        %parallel_loop3A_496 = arith.addf %parallel_loop3A_495, %select_n3A_355 : vector<16xf32>
        %parallel_loop3A_497 = arith.index_cast %parallel_loop3A_371 : i32 to index
        %parallel_loop3A_498 = arith.constant 192 : index
        %parallel_loop3A_499 = tpu.vector_load %arg12[%parallel_loop3A_497, %parallel_loop3A_498] {strides = array<i32>} : memref<32x512xf32, #tpu.memory_space<vmem>>, vector<1x16xf32>,
        %parallel_loop3A_500 = vector.shape_cast %parallel_loop3A_499 : vector<1x16xf32> to vector<16xf32>
        %parallel_loop3A_501 = vector.shape_cast %parallel_loop3A_496 : vector<16xf32> to vector<1x16xf32>
        tpu.vector_store %arg12[%parallel_loop3A_497, %parallel_loop3A_498], %parallel_loop3A_501 {strides = array<i32>} : memref<32x512xf32, #tpu.memory_space<vmem>>, vector<1x16xf32>,
        %parallel_loop3A_502 = arith.index_cast %parallel_loop3A_371 : i32 to index
        %parallel_loop3A_503 = arith.constant 208 : index
        %parallel_loop3A_504 = tpu.vector_load %arg9[%parallel_loop3A_502, %parallel_loop3A_503] {strides = array<i32>} : memref<32x512xf32, #tpu.memory_space<vmem>>, vector<1x16xf32>,
        %parallel_loop3A_505 = vector.shape_cast %parallel_loop3A_504 : vector<1x16xf32> to vector<16xf32>
        %parallel_loop3A_506 = arith.addf %parallel_loop3A_505, %select_n3A_355 : vector<16xf32>
        %parallel_loop3A_507 = arith.index_cast %parallel_loop3A_371 : i32 to index
        %parallel_loop3A_508 = arith.constant 208 : index
        %parallel_loop3A_509 = tpu.vector_load %arg12[%parallel_loop3A_507, %parallel_loop3A_508] {strides = array<i32>} : memref<32x512xf32, #tpu.memory_space<vmem>>, vector<1x16xf32>,
        %parallel_loop3A_510 = vector.shape_cast %parallel_loop3A_509 : vector<1x16xf32> to vector<16xf32>
        %parallel_loop3A_511 = vector.shape_cast %parallel_loop3A_506 : vector<16xf32> to vector<1x16xf32>
        tpu.vector_store %arg12[%parallel_loop3A_507, %parallel_loop3A_508], %parallel_loop3A_511 {strides = array<i32>} : memref<32x512xf32, #tpu.memory_space<vmem>>, vector<1x16xf32>,
        %parallel_loop3A_512 = arith.index_cast %parallel_loop3A_371 : i32 to index
        %parallel_loop3A_513 = arith.constant 224 : index
        %parallel_loop3A_514 = tpu.vector_load %arg9[%parallel_loop3A_512, %parallel_loop3A_513] {strides = array<i32>} : memref<32x512xf32, #tpu.memory_space<vmem>>, vector<1x16xf32>,
        %parallel_loop3A_515 = vector.shape_cast %parallel_loop3A_514 : vector<1x16xf32> to vector<16xf32>
        %parallel_loop3A_516 = arith.addf %parallel_loop3A_515, %select_n3A_355 : vector<16xf32>
        %parallel_loop3A_517 = arith.index_cast %parallel_loop3A_371 : i32 to index
        %parallel_loop3A_518 = arith.constant 224 : index
        %parallel_loop3A_519 = tpu.vector_load %arg12[%parallel_loop3A_517, %parallel_loop3A_518] {strides = array<i32>} : memref<32x512xf32, #tpu.memory_space<vmem>>, vector<1x16xf32>,
        %parallel_loop3A_520 = vector.shape_cast %parallel_loop3A_519 : vector<1x16xf32> to vector<16xf32>
        %parallel_loop3A_521 = vector.shape_cast %parallel_loop3A_516 : vector<16xf32> to vector<1x16xf32>
        tpu.vector_store %arg12[%parallel_loop3A_517, %parallel_loop3A_518], %parallel_loop3A_521 {strides = array<i32>} : memref<32x512xf32, #tpu.memory_space<vmem>>, vector<1x16xf32>,
        %parallel_loop3A_522 = arith.index_cast %parallel_loop3A_371 : i32 to index
        %parallel_loop3A_523 = arith.constant 240 : index
        %parallel_loop3A_524 = tpu.vector_load %arg9[%parallel_loop3A_522, %parallel_loop3A_523] {strides = array<i32>} : memref<32x512xf32, #tpu.memory_space<vmem>>, vector<1x16xf32>,
        %parallel_loop3A_525 = vector.shape_cast %parallel_loop3A_524 : vector<1x16xf32> to vector<16xf32>
        %parallel_loop3A_526 = arith.addf %parallel_loop3A_525, %select_n3A_355 : vector<16xf32>
        %parallel_loop3A_527 = arith.index_cast %parallel_loop3A_371 : i32 to index
        %parallel_loop3A_528 = arith.constant 240 : index
        %parallel_loop3A_529 = tpu.vector_load %arg12[%parallel_loop3A_527, %parallel_loop3A_528] {strides = array<i32>} : memref<32x512xf32, #tpu.memory_space<vmem>>, vector<1x16xf32>,
        %parallel_loop3A_530 = vector.shape_cast %parallel_loop3A_529 : vector<1x16xf32> to vector<16xf32>
        %parallel_loop3A_531 = vector.shape_cast %parallel_loop3A_526 : vector<16xf32> to vector<1x16xf32>
        tpu.vector_store %arg12[%parallel_loop3A_527, %parallel_loop3A_528], %parallel_loop3A_531 {strides = array<i32>} : memref<32x512xf32, #tpu.memory_space<vmem>>, vector<1x16xf32>,
        %parallel_loop3A_532 = arith.index_cast %parallel_loop3A_371 : i32 to index
        %parallel_loop3A_533 = arith.constant 256 : index
        %parallel_loop3A_534 = tpu.vector_load %arg9[%parallel_loop3A_532, %parallel_loop3A_533] {strides = array<i32>} : memref<32x512xf32, #tpu.memory_space<vmem>>, vector<1x16xf32>,
        %parallel_loop3A_535 = vector.shape_cast %parallel_loop3A_534 : vector<1x16xf32> to vector<16xf32>
        %parallel_loop3A_536 = arith.addf %parallel_loop3A_535, %select_n3A_355 : vector<16xf32>
        %parallel_loop3A_537 = arith.index_cast %parallel_loop3A_371 : i32 to index
        %parallel_loop3A_538 = arith.constant 256 : index
        %parallel_loop3A_539 = tpu.vector_load %arg12[%parallel_loop3A_537, %parallel_loop3A_538] {strides = array<i32>} : memref<32x512xf32, #tpu.memory_space<vmem>>, vector<1x16xf32>,
        %parallel_loop3A_540 = vector.shape_cast %parallel_loop3A_539 : vector<1x16xf32> to vector<16xf32>
        %parallel_loop3A_541 = vector.shape_cast %parallel_loop3A_536 : vector<16xf32> to vector<1x16xf32>
        tpu.vector_store %arg12[%parallel_loop3A_537, %parallel_loop3A_538], %parallel_loop3A_541 {strides = array<i32>} : memref<32x512xf32, #tpu.memory_space<vmem>>, vector<1x16xf32>,
        %parallel_loop3A_542 = arith.index_cast %parallel_loop3A_371 : i32 to index
        %parallel_loop3A_543 = arith.constant 272 : index
        %parallel_loop3A_544 = tpu.vector_load %arg9[%parallel_loop3A_542, %parallel_loop3A_543] {strides = array<i32>} : memref<32x512xf32, #tpu.memory_space<vmem>>, vector<1x16xf32>,
        %parallel_loop3A_545 = vector.shape_cast %parallel_loop3A_544 : vector<1x16xf32> to vector<16xf32>
        %parallel_loop3A_546 = arith.addf %parallel_loop3A_545, %select_n3A_355 : vector<16xf32>
        %parallel_loop3A_547 = arith.index_cast %parallel_loop3A_371 : i32 to index
        %parallel_loop3A_548 = arith.constant 272 : index
        %parallel_loop3A_549 = tpu.vector_load %arg12[%parallel_loop3A_547, %parallel_loop3A_548] {strides = array<i32>} : memref<32x512xf32, #tpu.memory_space<vmem>>, vector<1x16xf32>,
        %parallel_loop3A_550 = vector.shape_cast %parallel_loop3A_549 : vector<1x16xf32> to vector<16xf32>
        %parallel_loop3A_551 = vector.shape_cast %parallel_loop3A_546 : vector<16xf32> to vector<1x16xf32>
        tpu.vector_store %arg12[%parallel_loop3A_547, %parallel_loop3A_548], %parallel_loop3A_551 {strides = array<i32>} : memref<32x512xf32, #tpu.memory_space<vmem>>, vector<1x16xf32>,
        %parallel_loop3A_552 = arith.index_cast %parallel_loop3A_371 : i32 to index
        %parallel_loop3A_553 = arith.constant 288 : index
        %parallel_loop3A_554 = tpu.vector_load %arg9[%parallel_loop3A_552, %parallel_loop3A_553] {strides = array<i32>} : memref<32x512xf32, #tpu.memory_space<vmem>>, vector<1x16xf32>,
        %parallel_loop3A_555 = vector.shape_cast %parallel_loop3A_554 : vector<1x16xf32> to vector<16xf32>
        %parallel_loop3A_556 = arith.addf %parallel_loop3A_555, %select_n3A_355 : vector<16xf32>
        %parallel_loop3A_557 = arith.index_cast %parallel_loop3A_371 : i32 to index
        %parallel_loop3A_558 = arith.constant 288 : index
        %parallel_loop3A_559 = tpu.vector_load %arg12[%parallel_loop3A_557, %parallel_loop3A_558] {strides = array<i32>} : memref<32x512xf32, #tpu.memory_space<vmem>>, vector<1x16xf32>,
        %parallel_loop3A_560 = vector.shape_cast %parallel_loop3A_559 : vector<1x16xf32> to vector<16xf32>
        %parallel_loop3A_561 = vector.shape_cast %parallel_loop3A_556 : vector<16xf32> to vector<1x16xf32>
        tpu.vector_store %arg12[%parallel_loop3A_557, %parallel_loop3A_558], %parallel_loop3A_561 {strides = array<i32>} : memref<32x512xf32, #tpu.memory_space<vmem>>, vector<1x16xf32>,
        %parallel_loop3A_562 = arith.index_cast %parallel_loop3A_371 : i32 to index
        %parallel_loop3A_563 = arith.constant 304 : index
        %parallel_loop3A_564 = tpu.vector_load %arg9[%parallel_loop3A_562, %parallel_loop3A_563] {strides = array<i32>} : memref<32x512xf32, #tpu.memory_space<vmem>>, vector<1x16xf32>,
        %parallel_loop3A_565 = vector.shape_cast %parallel_loop3A_564 : vector<1x16xf32> to vector<16xf32>
        %parallel_loop3A_566 = arith.addf %parallel_loop3A_565, %select_n3A_355 : vector<16xf32>
        %parallel_loop3A_567 = arith.index_cast %parallel_loop3A_371 : i32 to index
        %parallel_loop3A_568 = arith.constant 304 : index
        %parallel_loop3A_569 = tpu.vector_load %arg12[%parallel_loop3A_567, %parallel_loop3A_568] {strides = array<i32>} : memref<32x512xf32, #tpu.memory_space<vmem>>, vector<1x16xf32>,
        %parallel_loop3A_570 = vector.shape_cast %parallel_loop3A_569 : vector<1x16xf32> to vector<16xf32>
        %parallel_loop3A_571 = vector.shape_cast %parallel_loop3A_566 : vector<16xf32> to vector<1x16xf32>
        tpu.vector_store %arg12[%parallel_loop3A_567, %parallel_loop3A_568], %parallel_loop3A_571 {strides = array<i32>} : memref<32x512xf32, #tpu.memory_space<vmem>>, vector<1x16xf32>,
        %parallel_loop3A_572 = arith.index_cast %parallel_loop3A_371 : i32 to index
        %parallel_loop3A_573 = arith.constant 320 : index
        %parallel_loop3A_574 = tpu.vector_load %arg9[%parallel_loop3A_572, %parallel_loop3A_573] {strides = array<i32>} : memref<32x512xf32, #tpu.memory_space<vmem>>, vector<1x16xf32>,
        %parallel_loop3A_575 = vector.shape_cast %parallel_loop3A_574 : vector<1x16xf32> to vector<16xf32>
        %parallel_loop3A_576 = arith.addf %parallel_loop3A_575, %select_n3A_355 : vector<16xf32>
        %parallel_loop3A_577 = arith.index_cast %parallel_loop3A_371 : i32 to index
        %parallel_loop3A_578 = arith.constant 320 : index
        %parallel_loop3A_579 = tpu.vector_load %arg12[%parallel_loop3A_577, %parallel_loop3A_578] {strides = array<i32>} : memref<32x512xf32, #tpu.memory_space<vmem>>, vector<1x16xf32>,
        %parallel_loop3A_580 = vector.shape_cast %parallel_loop3A_579 : vector<1x16xf32> to vector<16xf32>
        %parallel_loop3A_581 = vector.shape_cast %parallel_loop3A_576 : vector<16xf32> to vector<1x16xf32>
        tpu.vector_store %arg12[%parallel_loop3A_577, %parallel_loop3A_578], %parallel_loop3A_581 {strides = array<i32>} : memref<32x512xf32, #tpu.memory_space<vmem>>, vector<1x16xf32>,
        %parallel_loop3A_582 = arith.index_cast %parallel_loop3A_371 : i32 to index
        %parallel_loop3A_583 = arith.constant 336 : index
        %parallel_loop3A_584 = tpu.vector_load %arg9[%parallel_loop3A_582, %parallel_loop3A_583] {strides = array<i32>} : memref<32x512xf32, #tpu.memory_space<vmem>>, vector<1x16xf32>,
        %parallel_loop3A_585 = vector.shape_cast %parallel_loop3A_584 : vector<1x16xf32> to vector<16xf32>
        %parallel_loop3A_586 = arith.addf %parallel_loop3A_585, %select_n3A_355 : vector<16xf32>
        %parallel_loop3A_587 = arith.index_cast %parallel_loop3A_371 : i32 to index
        %parallel_loop3A_588 = arith.constant 336 : index
        %parallel_loop3A_589 = tpu.vector_load %arg12[%parallel_loop3A_587, %parallel_loop3A_588] {strides = array<i32>} : memref<32x512xf32, #tpu.memory_space<vmem>>, vector<1x16xf32>,
        %parallel_loop3A_590 = vector.shape_cast %parallel_loop3A_589 : vector<1x16xf32> to vector<16xf32>
        %parallel_loop3A_591 = vector.shape_cast %parallel_loop3A_586 : vector<16xf32> to vector<1x16xf32>
        tpu.vector_store %arg12[%parallel_loop3A_587, %parallel_loop3A_588], %parallel_loop3A_591 {strides = array<i32>} : memref<32x512xf32, #tpu.memory_space<vmem>>, vector<1x16xf32>,
        %parallel_loop3A_592 = arith.index_cast %parallel_loop3A_371 : i32 to index
        %parallel_loop3A_593 = arith.constant 352 : index
        %parallel_loop3A_594 = tpu.vector_load %arg9[%parallel_loop3A_592, %parallel_loop3A_593] {strides = array<i32>} : memref<32x512xf32, #tpu.memory_space<vmem>>, vector<1x16xf32>,
        %parallel_loop3A_595 = vector.shape_cast %parallel_loop3A_594 : vector<1x16xf32> to vector<16xf32>
        %parallel_loop3A_596 = arith.addf %parallel_loop3A_595, %select_n3A_355 : vector<16xf32>
        %parallel_loop3A_597 = arith.index_cast %parallel_loop3A_371 : i32 to index
        %parallel_loop3A_598 = arith.constant 352 : index
        %parallel_loop3A_599 = tpu.vector_load %arg12[%parallel_loop3A_597, %parallel_loop3A_598] {strides = array<i32>} : memref<32x512xf32, #tpu.memory_space<vmem>>, vector<1x16xf32>,
        %parallel_loop3A_600 = vector.shape_cast %parallel_loop3A_599 : vector<1x16xf32> to vector<16xf32>
        %parallel_loop3A_601 = vector.shape_cast %parallel_loop3A_596 : vector<16xf32> to vector<1x16xf32>
        tpu.vector_store %arg12[%parallel_loop3A_597, %parallel_loop3A_598], %parallel_loop3A_601 {strides = array<i32>} : memref<32x512xf32, #tpu.memory_space<vmem>>, vector<1x16xf32>,
        %parallel_loop3A_602 = arith.index_cast %parallel_loop3A_371 : i32 to index
        %parallel_loop3A_603 = arith.constant 368 : index
        %parallel_loop3A_604 = tpu.vector_load %arg9[%parallel_loop3A_602, %parallel_loop3A_603] {strides = array<i32>} : memref<32x512xf32, #tpu.memory_space<vmem>>, vector<1x16xf32>,
        %parallel_loop3A_605 = vector.shape_cast %parallel_loop3A_604 : vector<1x16xf32> to vector<16xf32>
        %parallel_loop3A_606 = arith.addf %parallel_loop3A_605, %select_n3A_355 : vector<16xf32>
        %parallel_loop3A_607 = arith.index_cast %parallel_loop3A_371 : i32 to index
        %parallel_loop3A_608 = arith.constant 368 : index
        %parallel_loop3A_609 = tpu.vector_load %arg12[%parallel_loop3A_607, %parallel_loop3A_608] {strides = array<i32>} : memref<32x512xf32, #tpu.memory_space<vmem>>, vector<1x16xf32>,
        %parallel_loop3A_610 = vector.shape_cast %parallel_loop3A_609 : vector<1x16xf32> to vector<16xf32>
        %parallel_loop3A_611 = vector.shape_cast %parallel_loop3A_606 : vector<16xf32> to vector<1x16xf32>
        tpu.vector_store %arg12[%parallel_loop3A_607, %parallel_loop3A_608], %parallel_loop3A_611 {strides = array<i32>} : memref<32x512xf32, #tpu.memory_space<vmem>>, vector<1x16xf32>,
        %parallel_loop3A_612 = arith.index_cast %parallel_loop3A_371 : i32 to index
        %parallel_loop3A_613 = arith.constant 384 : index
        %parallel_loop3A_614 = tpu.vector_load %arg9[%parallel_loop3A_612, %parallel_loop3A_613] {strides = array<i32>} : memref<32x512xf32, #tpu.memory_space<vmem>>, vector<1x16xf32>,
        %parallel_loop3A_615 = vector.shape_cast %parallel_loop3A_614 : vector<1x16xf32> to vector<16xf32>
        %parallel_loop3A_616 = arith.addf %parallel_loop3A_615, %select_n3A_355 : vector<16xf32>
        %parallel_loop3A_617 = arith.index_cast %parallel_loop3A_371 : i32 to index
        %parallel_loop3A_618 = arith.constant 384 : index
        %parallel_loop3A_619 = tpu.vector_load %arg12[%parallel_loop3A_617, %parallel_loop3A_618] {strides = array<i32>} : memref<32x512xf32, #tpu.memory_space<vmem>>, vector<1x16xf32>,
        %parallel_loop3A_620 = vector.shape_cast %parallel_loop3A_619 : vector<1x16xf32> to vector<16xf32>
        %parallel_loop3A_621 = vector.shape_cast %parallel_loop3A_616 : vector<16xf32> to vector<1x16xf32>
        tpu.vector_store %arg12[%parallel_loop3A_617, %parallel_loop3A_618], %parallel_loop3A_621 {strides = array<i32>} : memref<32x512xf32, #tpu.memory_space<vmem>>, vector<1x16xf32>,
        %parallel_loop3A_622 = arith.index_cast %parallel_loop3A_371 : i32 to index
        %parallel_loop3A_623 = arith.constant 400 : index
        %parallel_loop3A_624 = tpu.vector_load %arg9[%parallel_loop3A_622, %parallel_loop3A_623] {strides = array<i32>} : memref<32x512xf32, #tpu.memory_space<vmem>>, vector<1x16xf32>,
        %parallel_loop3A_625 = vector.shape_cast %parallel_loop3A_624 : vector<1x16xf32> to vector<16xf32>
        %parallel_loop3A_626 = arith.addf %parallel_loop3A_625, %select_n3A_355 : vector<16xf32>
        %parallel_loop3A_627 = arith.index_cast %parallel_loop3A_371 : i32 to index
        %parallel_loop3A_628 = arith.constant 400 : index
        %parallel_loop3A_629 = tpu.vector_load %arg12[%parallel_loop3A_627, %parallel_loop3A_628] {strides = array<i32>} : memref<32x512xf32, #tpu.memory_space<vmem>>, vector<1x16xf32>,
        %parallel_loop3A_630 = vector.shape_cast %parallel_loop3A_629 : vector<1x16xf32> to vector<16xf32>
        %parallel_loop3A_631 = vector.shape_cast %parallel_loop3A_626 : vector<16xf32> to vector<1x16xf32>
        tpu.vector_store %arg12[%parallel_loop3A_627, %parallel_loop3A_628], %parallel_loop3A_631 {strides = array<i32>} : memref<32x512xf32, #tpu.memory_space<vmem>>, vector<1x16xf32>,
        %parallel_loop3A_632 = arith.index_cast %parallel_loop3A_371 : i32 to index
        %parallel_loop3A_633 = arith.constant 416 : index
        %parallel_loop3A_634 = tpu.vector_load %arg9[%parallel_loop3A_632, %parallel_loop3A_633] {strides = array<i32>} : memref<32x512xf32, #tpu.memory_space<vmem>>, vector<1x16xf32>,
        %parallel_loop3A_635 = vector.shape_cast %parallel_loop3A_634 : vector<1x16xf32> to vector<16xf32>
        %parallel_loop3A_636 = arith.addf %parallel_loop3A_635, %select_n3A_355 : vector<16xf32>
        %parallel_loop3A_637 = arith.index_cast %parallel_loop3A_371 : i32 to index
        %parallel_loop3A_638 = arith.constant 416 : index
        %parallel_loop3A_639 = tpu.vector_load %arg12[%parallel_loop3A_637, %parallel_loop3A_638] {strides = array<i32>} : memref<32x512xf32, #tpu.memory_space<vmem>>, vector<1x16xf32>,
        %parallel_loop3A_640 = vector.shape_cast %parallel_loop3A_639 : vector<1x16xf32> to vector<16xf32>
        %parallel_loop3A_641 = vector.shape_cast %parallel_loop3A_636 : vector<16xf32> to vector<1x16xf32>
        tpu.vector_store %arg12[%parallel_loop3A_637, %parallel_loop3A_638], %parallel_loop3A_641 {strides = array<i32>} : memref<32x512xf32, #tpu.memory_space<vmem>>, vector<1x16xf32>,
        %parallel_loop3A_642 = arith.index_cast %parallel_loop3A_371 : i32 to index
        %parallel_loop3A_643 = arith.constant 432 : index
        %parallel_loop3A_644 = tpu.vector_load %arg9[%parallel_loop3A_642, %parallel_loop3A_643] {strides = array<i32>} : memref<32x512xf32, #tpu.memory_space<vmem>>, vector<1x16xf32>,
        %parallel_loop3A_645 = vector.shape_cast %parallel_loop3A_644 : vector<1x16xf32> to vector<16xf32>
        %parallel_loop3A_646 = arith.addf %parallel_loop3A_645, %select_n3A_355 : vector<16xf32>
        %parallel_loop3A_647 = arith.index_cast %parallel_loop3A_371 : i32 to index
        %parallel_loop3A_648 = arith.constant 432 : index
        %parallel_loop3A_649 = tpu.vector_load %arg12[%parallel_loop3A_647, %parallel_loop3A_648] {strides = array<i32>} : memref<32x512xf32, #tpu.memory_space<vmem>>, vector<1x16xf32>,
        %parallel_loop3A_650 = vector.shape_cast %parallel_loop3A_649 : vector<1x16xf32> to vector<16xf32>
        %parallel_loop3A_651 = vector.shape_cast %parallel_loop3A_646 : vector<16xf32> to vector<1x16xf32>
        tpu.vector_store %arg12[%parallel_loop3A_647, %parallel_loop3A_648], %parallel_loop3A_651 {strides = array<i32>} : memref<32x512xf32, #tpu.memory_space<vmem>>, vector<1x16xf32>,
        %parallel_loop3A_652 = arith.index_cast %parallel_loop3A_371 : i32 to index
        %parallel_loop3A_653 = arith.constant 448 : index
        %parallel_loop3A_654 = tpu.vector_load %arg9[%parallel_loop3A_652, %parallel_loop3A_653] {strides = array<i32>} : memref<32x512xf32, #tpu.memory_space<vmem>>, vector<1x16xf32>,
        %parallel_loop3A_655 = vector.shape_cast %parallel_loop3A_654 : vector<1x16xf32> to vector<16xf32>
        %parallel_loop3A_656 = arith.addf %parallel_loop3A_655, %select_n3A_355 : vector<16xf32>
        %parallel_loop3A_657 = arith.index_cast %parallel_loop3A_371 : i32 to index
        %parallel_loop3A_658 = arith.constant 448 : index
        %parallel_loop3A_659 = tpu.vector_load %arg12[%parallel_loop3A_657, %parallel_loop3A_658] {strides = array<i32>} : memref<32x512xf32, #tpu.memory_space<vmem>>, vector<1x16xf32>,
        %parallel_loop3A_660 = vector.shape_cast %parallel_loop3A_659 : vector<1x16xf32> to vector<16xf32>
        %parallel_loop3A_661 = vector.shape_cast %parallel_loop3A_656 : vector<16xf32> to vector<1x16xf32>
        tpu.vector_store %arg12[%parallel_loop3A_657, %parallel_loop3A_658], %parallel_loop3A_661 {strides = array<i32>} : memref<32x512xf32, #tpu.memory_space<vmem>>, vector<1x16xf32>,
        %parallel_loop3A_662 = arith.index_cast %parallel_loop3A_371 : i32 to index
        %parallel_loop3A_663 = arith.constant 464 : index
        %parallel_loop3A_664 = tpu.vector_load %arg9[%parallel_loop3A_662, %parallel_loop3A_663] {strides = array<i32>} : memref<32x512xf32, #tpu.memory_space<vmem>>, vector<1x16xf32>,
        %parallel_loop3A_665 = vector.shape_cast %parallel_loop3A_664 : vector<1x16xf32> to vector<16xf32>
        %parallel_loop3A_666 = arith.addf %parallel_loop3A_665, %select_n3A_355 : vector<16xf32>
        %parallel_loop3A_667 = arith.index_cast %parallel_loop3A_371 : i32 to index
        %parallel_loop3A_668 = arith.constant 464 : index
        %parallel_loop3A_669 = tpu.vector_load %arg12[%parallel_loop3A_667, %parallel_loop3A_668] {strides = array<i32>} : memref<32x512xf32, #tpu.memory_space<vmem>>, vector<1x16xf32>,
        %parallel_loop3A_670 = vector.shape_cast %parallel_loop3A_669 : vector<1x16xf32> to vector<16xf32>
        %parallel_loop3A_671 = vector.shape_cast %parallel_loop3A_666 : vector<16xf32> to vector<1x16xf32>
        tpu.vector_store %arg12[%parallel_loop3A_667, %parallel_loop3A_668], %parallel_loop3A_671 {strides = array<i32>} : memref<32x512xf32, #tpu.memory_space<vmem>>, vector<1x16xf32>,
        %parallel_loop3A_672 = arith.index_cast %parallel_loop3A_371 : i32 to index
        %parallel_loop3A_673 = arith.constant 480 : index
        %parallel_loop3A_674 = tpu.vector_load %arg9[%parallel_loop3A_672, %parallel_loop3A_673] {strides = array<i32>} : memref<32x512xf32, #tpu.memory_space<vmem>>, vector<1x16xf32>,
        %parallel_loop3A_675 = vector.shape_cast %parallel_loop3A_674 : vector<1x16xf32> to vector<16xf32>
        %parallel_loop3A_676 = arith.addf %parallel_loop3A_675, %select_n3A_355 : vector<16xf32>
        %parallel_loop3A_677 = arith.index_cast %parallel_loop3A_371 : i32 to index
        %parallel_loop3A_678 = arith.constant 480 : index
        %parallel_loop3A_679 = tpu.vector_load %arg12[%parallel_loop3A_677, %parallel_loop3A_678] {strides = array<i32>} : memref<32x512xf32, #tpu.memory_space<vmem>>, vector<1x16xf32>,
        %parallel_loop3A_680 = vector.shape_cast %parallel_loop3A_679 : vector<1x16xf32> to vector<16xf32>
        %parallel_loop3A_681 = vector.shape_cast %parallel_loop3A_676 : vector<16xf32> to vector<1x16xf32>
        tpu.vector_store %arg12[%parallel_loop3A_677, %parallel_loop3A_678], %parallel_loop3A_681 {strides = array<i32>} : memref<32x512xf32, #tpu.memory_space<vmem>>, vector<1x16xf32>,
        %parallel_loop3A_682 = arith.index_cast %parallel_loop3A_371 : i32 to index
        %parallel_loop3A_683 = arith.constant 496 : index
        %parallel_loop3A_684 = tpu.vector_load %arg9[%parallel_loop3A_682, %parallel_loop3A_683] {strides = array<i32>} : memref<32x512xf32, #tpu.memory_space<vmem>>, vector<1x16xf32>,
        %parallel_loop3A_685 = vector.shape_cast %parallel_loop3A_684 : vector<1x16xf32> to vector<16xf32>
        %parallel_loop3A_686 = arith.addf %parallel_loop3A_685, %select_n3A_355 : vector<16xf32>
        %parallel_loop3A_687 = arith.index_cast %parallel_loop3A_371 : i32 to index
        %parallel_loop3A_688 = arith.constant 496 : index
        %parallel_loop3A_689 = tpu.vector_load %arg12[%parallel_loop3A_687, %parallel_loop3A_688] {strides = array<i32>} : memref<32x512xf32, #tpu.memory_space<vmem>>, vector<1x16xf32>,
        %parallel_loop3A_690 = vector.shape_cast %parallel_loop3A_689 : vector<1x16xf32> to vector<16xf32>
        %parallel_loop3A_691 = vector.shape_cast %parallel_loop3A_686 : vector<16xf32> to vector<1x16xf32>
        tpu.vector_store %arg12[%parallel_loop3A_687, %parallel_loop3A_688], %parallel_loop3A_691 {strides = array<i32>} : memref<32x512xf32, #tpu.memory_space<vmem>>, vector<1x16xf32>,
      } {sc.loop_unroll_factor = 1 : i64, sc.parallel_access}
      %dma_start3A_359 = arith.constant 0 : i32
      %dma_start3A_360 = tpu.memref_slice %arg5[%add3A_341, %select_n3A_335, %mul3A_340, %dma_start3A_359] : memref<64x3x512x512xf32, #tpu.memory_space<hbm>> -> memref<1x1x32x512xf32, #tpu.memory_space<hbm>>
      %dma_start3A_361 = tpu.memref_squeeze %dma_start3A_360 : memref<1x1x32x512xf32, #tpu.memory_space<hbm>> -> memref<32x512xf32, #tpu.memory_space<hbm>>
      %dma_start3A_362 = arith.constant 0 : i32
      %dma_start3A_363 = tpu.memref_slice %arg5[%add3A_341, %select_n3A_335, %mul3A_340, %dma_start3A_362] : memref<64x3x512x512xf32, #tpu.memory_space<hbm>> -> memref<1x1x32x512xf32, #tpu.memory_space<hbm>>
      %dma_start3A_364 = tpu.memref_squeeze %dma_start3A_363 : memref<1x1x32x512xf32, #tpu.memory_space<hbm>> -> memref<32x512xf32, #tpu.memory_space<hbm>>
      tpu.enqueue_dma source(%arg12 : memref<32x512xf32, #tpu.memory_space<vmem>>) target(%dma_start3A_364 : memref<32x512xf32, #tpu.memory_space<hbm>>) target_semaphore(%arg18 : memref<!tpu.dma_semaphore, #tpu.memory_space<semaphore_mem>>)
      %lt3A_365 = arith.constant 31 : i32
      %lt3A_366 = arith.cmpi slt, %scan3A_112, %lt3A_365 : i32
      %convert_element_type3A_367 = arith.extui %lt3A_366 : i1 to i32
      %cond3A_368 = arith.constant 0 : i32
      %cond3A_369 = arith.cmpi ne, %convert_element_type3A_367, %cond3A_368 : i32
      scf.if %cond3A_369 {
        %add3A_371 = arith.constant 3 : i32
        %add3A_372 = arith.addi %add3A_284, %add3A_371 : i32
        %jit3A_373 = arith.constant 48 : i32
        %div3A_374 = arith.divsi %add3A_372, %jit3A_373 : i32
        %sign3A_375 = arith.constant 0 : i32
        %sign3A_376 = arith.cmpi sgt, %add3A_372, %sign3A_375 : i32
        %sign3A_377 = arith.extui %sign3A_376 : i1 to i32
        %sign3A_378 = arith.constant 0 : i32
        %sign3A_379 = arith.cmpi slt, %add3A_372, %sign3A_378 : i32
        %sign3A_380 = arith.extui %sign3A_379 : i1 to i32
        %sign3A_381 = arith.subi %sign3A_377, %sign3A_380 : i32
        %sign3A_382 = arith.constant 0 : i32
        %sign3A_383 = arith.cmpi sgt, %jit3A_373, %sign3A_382 : i32
        %sign3A_384 = arith.extui %sign3A_383 : i1 to i32
        %sign3A_385 = arith.constant 0 : i32
        %sign3A_386 = arith.cmpi slt, %jit3A_373, %sign3A_385 : i32
        %sign3A_387 = arith.extui %sign3A_386 : i1 to i32
        %sign3A_388 = arith.subi %sign3A_384, %sign3A_387 : i32
        %ne3A_389 = arith.cmpi ne, %sign3A_381, %sign3A_388 : i32
        %rem3A_390 = arith.remsi %add3A_372, %jit3A_373 : i32
        %ne3A_391 = arith.constant 0 : i32
        %ne3A_392 = arith.cmpi ne, %rem3A_390, %ne3A_391 : i32
        %and3A_393 = arith.andi %ne3A_389, %ne3A_392 : i1
        %sub3A_394 = arith.constant 1 : i32
        %sub3A_395 = arith.subi %div3A_374, %sub3A_394 : i32
        %select_n3A_396 = arith.select %and3A_393, %sub3A_395, %div3A_374 : i32
        %mul3A_397 = arith.constant 48 : i32
        %mul3A_398 = arith.muli %select_n3A_396, %mul3A_397 : i32
        %sub3A_399 = arith.subi %add3A_372, %mul3A_398 : i32
        %jit3A_400 = arith.constant 16 : i32
        %div3A_401 = arith.divsi %sub3A_399, %jit3A_400 : i32
        %sign3A_402 = arith.constant 0 : i32
        %sign3A_403 = arith.cmpi sgt, %sub3A_399, %sign3A_402 : i32
        %sign3A_404 = arith.extui %sign3A_403 : i1 to i32
        %sign3A_405 = arith.constant 0 : i32
        %sign3A_406 = arith.cmpi slt, %sub3A_399, %sign3A_405 : i32
        %sign3A_407 = arith.extui %sign3A_406 : i1 to i32
        %sign3A_408 = arith.subi %sign3A_404, %sign3A_407 : i32
        %sign3A_409 = arith.constant 0 : i32
        %sign3A_410 = arith.cmpi sgt, %jit3A_400, %sign3A_409 : i32
        %sign3A_411 = arith.extui %sign3A_410 : i1 to i32
        %sign3A_412 = arith.constant 0 : i32
        %sign3A_413 = arith.cmpi slt, %jit3A_400, %sign3A_412 : i32
        %sign3A_414 = arith.extui %sign3A_413 : i1 to i32
        %sign3A_415 = arith.subi %sign3A_411, %sign3A_414 : i32
        %ne3A_416 = arith.cmpi ne, %sign3A_408, %sign3A_415 : i32
        %rem3A_417 = arith.remsi %sub3A_399, %jit3A_400 : i32
        %ne3A_418 = arith.constant 0 : i32
        %ne3A_419 = arith.cmpi ne, %rem3A_417, %ne3A_418 : i32
        %and3A_420 = arith.andi %ne3A_416, %ne3A_419 : i1
        %sub3A_421 = arith.constant 1 : i32
        %sub3A_422 = arith.subi %div3A_401, %sub3A_421 : i32
        %select_n3A_423 = arith.select %and3A_420, %sub3A_422, %div3A_401 : i32
        %mul3A_424 = arith.constant 16 : i32
        %mul3A_425 = arith.muli %select_n3A_423, %mul3A_424 : i32
        %sub3A_426 = arith.subi %sub3A_399, %mul3A_425 : i32
        %mul3A_427 = arith.constant 32 : i32
        %mul3A_428 = arith.muli %sub3A_426, %mul3A_427 : i32
        %add3A_429 = arith.addi %mul3A_2, %select_n3A_396 : i32
        %dma_start3A_430 = arith.constant 0 : i32
        %dma_start3A_431 = tpu.memref_slice %arg2[%add3A_429, %select_n3A_423, %mul3A_428, %dma_start3A_430] : memref<64x3x512x512xf32, #tpu.memory_space<hbm>> -> memref<1x1x32x512xf32, #tpu.memory_space<hbm>>
        %dma_start3A_432 = tpu.memref_squeeze %dma_start3A_431 : memref<1x1x32x512xf32, #tpu.memory_space<hbm>> -> memref<32x512xf32, #tpu.memory_space<hbm>>
        %dma_start3A_433 = arith.constant 0 : i32
        %dma_start3A_434 = tpu.memref_slice %arg2[%add3A_429, %select_n3A_423, %mul3A_428, %dma_start3A_433] : memref<64x3x512x512xf32, #tpu.memory_space<hbm>> -> memref<1x1x32x512xf32, #tpu.memory_space<hbm>>
        %dma_start3A_435 = tpu.memref_squeeze %dma_start3A_434 : memref<1x1x32x512xf32, #tpu.memory_space<hbm>> -> memref<32x512xf32, #tpu.memory_space<hbm>>
        tpu.enqueue_dma source(%dma_start3A_435 : memref<32x512xf32, #tpu.memory_space<hbm>>) target(%arg9 : memref<32x512xf32, #tpu.memory_space<vmem>>) target_semaphore(%arg15 : memref<!tpu.dma_semaphore, #tpu.memory_space<semaphore_mem>>)
      } else {
      }
      %scan3A_370 = arith.constant 0 : i32
      scf.yield %scan3A_370 : i32
    }
    %scan3A_84 = arith.constant 32 : i32
    %dma_wait3A_85 = arith.constant 0 : i32
    %dma_wait3A_86 = arith.constant 0 : i32
    %dma_wait3A_87 = arith.constant 0 : i32
    %dma_wait3A_88 = tpu.memref_slice %arg5[%mul3A_2, %dma_wait3A_85, %dma_wait3A_86, %dma_wait3A_87] : memref<64x3x512x512xf32, #tpu.memory_space<hbm>> -> memref<1x1x32x512xf32, #tpu.memory_space<hbm>>
    %dma_wait3A_89 = tpu.memref_squeeze %dma_wait3A_88 : memref<1x1x32x512xf32, #tpu.memory_space<hbm>> -> memref<32x512xf32, #tpu.memory_space<hbm>>
    %dma_wait3A_90 = arith.constant 0 : i32
    %dma_wait3A_91 = arith.constant 0 : i32
    %dma_wait3A_92 = tpu.memref_slice %arg5[%mul3A_2, %dma_wait3A_85, %dma_wait3A_90, %dma_wait3A_91] : memref<64x3x512x512xf32, #tpu.memory_space<hbm>> -> memref<1x1x32x512xf32, #tpu.memory_space<hbm>>
    %dma_wait3A_93 = tpu.memref_squeeze %dma_wait3A_92 : memref<1x1x32x512xf32, #tpu.memory_space<hbm>> -> memref<32x512xf32, #tpu.memory_space<hbm>>
    tpu.wait_dma2 semaphore(%arg16 : memref<!tpu.dma_semaphore, #tpu.memory_space<semaphore_mem>>) src(%arg10 : memref<32x512xf32, #tpu.memory_space<vmem>>) dst(%dma_wait3A_93 : memref<32x512xf32, #tpu.memory_space<hbm>>)
    %dma_wait3A_94 = arith.constant 0 : i32
    %dma_wait3A_95 = arith.constant 0 : i32
    %dma_wait3A_96 = arith.constant 0 : i32
    %dma_wait3A_97 = tpu.memref_slice %arg5[%mul3A_2, %dma_wait3A_94, %dma_wait3A_95, %dma_wait3A_96] : memref<64x3x512x512xf32, #tpu.memory_space<hbm>> -> memref<1x1x32x512xf32, #tpu.memory_space<hbm>>
    %dma_wait3A_98 = tpu.memref_squeeze %dma_wait3A_97 : memref<1x1x32x512xf32, #tpu.memory_space<hbm>> -> memref<32x512xf32, #tpu.memory_space<hbm>>
    %dma_wait3A_99 = arith.constant 0 : i32
    %dma_wait3A_100 = arith.constant 0 : i32
    %dma_wait3A_101 = tpu.memref_slice %arg5[%mul3A_2, %dma_wait3A_94, %dma_wait3A_99, %dma_wait3A_100] : memref<64x3x512x512xf32, #tpu.memory_space<hbm>> -> memref<1x1x32x512xf32, #tpu.memory_space<hbm>>
    %dma_wait3A_102 = tpu.memref_squeeze %dma_wait3A_101 : memref<1x1x32x512xf32, #tpu.memory_space<hbm>> -> memref<32x512xf32, #tpu.memory_space<hbm>>
    tpu.wait_dma2 semaphore(%arg17 : memref<!tpu.dma_semaphore, #tpu.memory_space<semaphore_mem>>) src(%arg11 : memref<32x512xf32, #tpu.memory_space<vmem>>) dst(%dma_wait3A_102 : memref<32x512xf32, #tpu.memory_space<hbm>>)
    %dma_wait3A_103 = arith.constant 0 : i32
    %dma_wait3A_104 = arith.constant 0 : i32
    %dma_wait3A_105 = arith.constant 0 : i32
    %dma_wait3A_106 = tpu.memref_slice %arg5[%mul3A_2, %dma_wait3A_103, %dma_wait3A_104, %dma_wait3A_105] : memref<64x3x512x512xf32, #tpu.memory_space<hbm>> -> memref<1x1x32x512xf32, #tpu.memory_space<hbm>>
    %dma_wait3A_107 = tpu.memref_squeeze %dma_wait3A_106 : memref<1x1x32x512xf32, #tpu.memory_space<hbm>> -> memref<32x512xf32, #tpu.memory_space<hbm>>
    %dma_wait3A_108 = arith.constant 0 : i32
    %dma_wait3A_109 = arith.constant 0 : i32
    %dma_wait3A_110 = tpu.memref_slice %arg5[%mul3A_2, %dma_wait3A_103, %dma_wait3A_108, %dma_wait3A_109] : memref<64x3x512x512xf32, #tpu.memory_space<hbm>> -> memref<1x1x32x512xf32, #tpu.memory_space<hbm>>
    %dma_wait3A_111 = tpu.memref_squeeze %dma_wait3A_110 : memref<1x1x32x512xf32, #tpu.memory_space<hbm>> -> memref<32x512xf32, #tpu.memory_space<hbm>>
    tpu.wait_dma2 semaphore(%arg18 : memref<!tpu.dma_semaphore, #tpu.memory_space<semaphore_mem>>) src(%arg12 : memref<32x512xf32, #tpu.memory_space<vmem>>) dst(%dma_wait3A_111 : memref<32x512xf32, #tpu.memory_space<hbm>>)
    return
  }
}

</mosaic_0001>

<sc_bundles>
// kernel: kernel.3.cloned.1.call-start
scs
__scs_entry_jumppad:
0x0: {  	(pc) =	sbr.rel $0x88, $3  }
0x1: {  	(tag) =	ssettag $0x0;
	lr =	simm.s32 $0x1  }
0x2: {  	[smem:$0x3F9E] =	sst lr;
	_ =	strace $0xD0000000  }
0x3: {  	_ = 	snop  }
0x4: {  	_ = 	snop  }
0x5: {  	_ = 	snop  }
0x6: {  	_ = 	snop  }
0x7: {  	_ = 	snop  }
__scs_overlays_trampoline_lowered:
0x8: {  	[smem:$0x3FAD] =	sst s0  }
0x9: {  	[smem:$0x3FAE] =	sst s1  }
0xa: {  	[smem:$0x3FAF] =	sst s2  }
0xb: {  	[smem:$0x3FB0] =	sst s3  }
0xc: {  	[smem:$0x3FB1] =	sst s4  }
0xd: {  	[smem:$0x3FB2] =	sst s5  }
0xe: {  	[smem:$0x3FB3] =	sst s6  }
0xf: {  	[smem:$0x3FB4] =	sst s7  }
0x10: {  	[smem:$0x3FB5] =	sst s8  }
0x11: {  	[smem:$0x3FB6] =	sst s9;
	s0 =	simm.s32 @!p0 $0x0  }
0x12: {  	s1 =	sld [smem:$0x3F9C];
	s0 =	simm.s32 @p0 $0x1  }
0x13: {  	[smem:$0x3FB7] =	sst s0;
	s0 =	simm.s32 @!p1 $0x0  }
0x14: {  	s2 =	sld [smem:$0x3F9B];
	s0 =	simm.s32 @p1 $0x1  }
0x15: {  	[smem:$0x3FB8] =	sst s0;
	s0 =	simm.s32 @!p2 $0x0  }
0x16: {  	s3 =	sld [smem:$0x3FDB];
	s0 =	simm.s32 @p2 $0x1  }
0x17: {  	s4 =	simm.s32 $0x1BF5;
	[smem:$0x3FBA] =	sst s0  }
0x18: {  	s0 =	sld [smem:$0x3F9D];
	_ =	swait.ge [sflag:s4], $0x0  }
0x19: {  	s7 =	sld [smem:$0x3F9E]  }
0x1a: {  	s8 =	sadd.s32 $0xFFFFE003, lr  }
0x1b: {  	s9 =	sadd.s32 $0xFFFFFEF7, lr;
	s5 =	simm.s32 $0xFFFFFFFF;
	p2 =	slt.u32 s8, $0xFFFFF086  }
0x1c: {  	p1 =	slt.u32 s9, $0xF7A;
	s5 =	simm.s32 @!p2 $0x0  }
0x1d: {  	s5 =	simm.s32 @p1 $0x1;
	p0 =	seq.s32 s7, s2  }
0x1e: {  	s7 =	smul.u32 @!p0 $0xF7A, s2;
	p2 =	seq.s32 @!p0 s5, $0x0  }
0x1f: {  	s9 =	smul.u32 $0xF7A, s1;
	s8 =	simm.s32 @!p0 $0x1BF5;
	p2 =	por !p2, p0  }
0x20: {  	[sflag:s8] =	ssyncset.s32 @!p0 $0xFFFFF086;
	s6 =	sadd.s32 @!p0 s3, s7;
	s7 =	simm.s32 @!p0 $0x108  }
0x21: {  	s3 =	sadd.s32 s3, s9;
	s6 =	sadd.s32 @!p0 $0x88, s6;
	s7 =	simm.s32 @p2 $0x1082  }
0x22: {  	[simem:s7], [sflag:s8] =	dma.local @!p0 [hbm:s6], $0xF7A  }
0x23: {  	s9 =	sor.u32 $0xD0000000, s2;
	s6 =	simm.s32 $0x108;
	_ =	swait.ge @!p0 [sflag:s8], $0x0  }
0x24: {  	s3 =	sadd.s32 $0x88, s3;
	s6 =	simm.s32 @!p1 $0x1082;
	[sflag:s4] =	ssyncset.s32 $0xFFFFF086  }
0x25: {  	[simem:s6], [sflag:s4] =	dma.local [hbm:s3], $0xF7A  }
0x26: {  	[smem:$0x3F9E] =	sst s1;
	(tag) =	ssettag s2;
	_ =	strace s9  }
0x27: {  	s1 =	sld [smem:$0x3FAE]  }
0x28: {  	s2 =	sld [smem:$0x3FAF]  }
0x29: {  	s4 =	sld [smem:$0x3FB1]  }
0x2a: {  	p0 =	seq.s32 s5, $0x0;
	s5 =	sld [smem:$0x3FB2]  }
0x2b: {  	s6 =	sld [smem:$0x3FB3]  }
0x2c: {  	s7 =	sld [smem:$0x3FB4]  }
0x2d: {  	s3 =	simm.s32 $0x108;
	s8 =	sld [smem:$0x3FB5]  }
0x2e: {  	s3 =	simm.s32 @!p0 $0x1082;
	s9 =	sld [smem:$0x3FB6]  }
0x2f: {  	lr =	sadd.s32 s0, s3;
	s0 =	sld [smem:$0x3FAD]  }
0x30: {  	s3 =	sld [smem:$0x3FB0]  }
0x31: {  	[smem:$0x3FB9] =	sst s10  }
0x32: {  	s10 =	sld [smem:$0x3FB7];
	_ =	sdelay $0x3  }
0x33: {  	p0 =	seq.s32 s10, $0x1;
	s10 =	sld [smem:$0x3FB9];
	_ =	sdelay $0x3  }
0x34: {  	[smem:$0x3FB9] =	sst s10  }
0x35: {  	s10 =	sld [smem:$0x3FB8];
	_ =	sdelay $0x3  }
0x36: {  	p1 =	seq.s32 s10, $0x1;
	s10 =	sld [smem:$0x3FB9];
	_ =	sdelay $0x3  }
0x37: {  	[smem:$0x3FB9] =	sst s10  }
0x38: {  	s10 =	sld [smem:$0x3FBA]  }
0x39: {  	_ = 	snop;
	(pc) =	sbr.ind lr, $3  }
0x3a: {  	_ = 	snop  }
0x3b: {  	_ = 	snop  }
0x3c: {  	p2 =	seq.s32 s10, $0x1;
	s10 =	sld [smem:$0x3FB9]  }
0x3d: {  	_ =	shalt  }
0x3e: {  	_ =	shalt  }
0x3f: {  	_ =	shalt  }
0x40: {  	_ =	shalt  }
0x41: {  	_ =	shalt  }
0x42: {  	_ =	shalt  }
0x43: {  	_ =	shalt  }
0x44: {  	_ =	shalt  }
0x45: {  	_ =	shalt  }
0x46: {  	_ =	shalt  }
0x47: {  	_ =	shalt  }
0x48: {  	_ =	shalt  }
0x49: {  	_ =	shalt  }
0x4a: {  	_ =	shalt  }
0x4b: {  	_ =	shalt  }
0x4c: {  	_ =	shalt  }
0x4d: {  	_ =	shalt  }
0x4e: {  	_ =	shalt  }
0x4f: {  	_ =	shalt  }
0x50: {  	_ =	shalt  }
0x51: {  	_ =	shalt  }
0x52: {  	_ =	shalt  }
0x53: {  	_ =	shalt  }
0x54: {  	_ =	shalt  }
0x55: {  	_ =	shalt  }
0x56: {  	_ =	shalt  }
0x57: {  	_ =	shalt  }
0x58: {  	_ =	shalt  }
0x59: {  	_ =	shalt  }
0x5a: {  	_ =	shalt  }
0x5b: {  	_ =	shalt  }
0x5c: {  	_ =	shalt  }
0x5d: {  	_ =	shalt  }
0x5e: {  	_ =	shalt  }
0x5f: {  	_ =	shalt  }
0x60: {  	_ =	shalt  }
0x61: {  	_ =	shalt  }
0x62: {  	_ =	shalt  }
0x63: {  	_ =	shalt  }
0x64: {  	_ =	shalt  }
0x65: {  	_ =	shalt  }
0x66: {  	_ =	shalt  }
0x67: {  	_ =	shalt  }
0x68: {  	_ =	shalt  }
0x69: {  	_ =	shalt  }
0x6a: {  	_ =	shalt  }
0x6b: {  	_ =	shalt  }
0x6c: {  	_ =	shalt  }
0x6d: {  	_ =	shalt  }
0x6e: {  	_ =	shalt  }
0x6f: {  	_ =	shalt  }
0x70: {  	_ =	shalt  }
0x71: {  	_ =	shalt  }
0x72: {  	_ =	shalt  }
0x73: {  	_ =	shalt  }
0x74: {  	_ =	shalt  }
0x75: {  	_ =	shalt  }
0x76: {  	_ =	shalt  }
0x77: {  	_ =	shalt  }
0x78: {  	_ =	shalt  }
0x79: {  	_ =	shalt  }
0x7a: {  	_ =	shalt  }
0x7b: {  	_ =	shalt  }
0x7c: {  	_ =	shalt  }
0x7d: {  	_ =	shalt  }
0x7e: {  	_ =	shalt  }
0x7f: {  	_ =	shalt  }
0x80: {  	_ =	shalt  }
0x81: {  	_ =	shalt  }
0x82: {  	_ =	shalt  }
0x83: {  	_ =	shalt  }
0x84: {  	_ =	shalt  }
0x85: {  	_ =	shalt  }
0x86: {  	_ =	shalt  }
0x87: {  	_ =	shalt  }
.Lfunc_end0:
.L_simem_size_0:
called_computation_lowered:
.L_overlay_start_0:
0x88: {  	s2 =	sld [smem:$0x3FD9]  }
0x89: {  	s3 =	sld [smem:$0x3FFE];
	_ =	sdelay $0x1  }
0x8a: {  	s1 =	srdreg.scid  }
0x8b: {  	s0 =	sand.u32 $0x1, s1  }
0x8c: {  	s17 =	sshll.u32 s0, $0xA;
	s2 =	sadd.s32 s3, s2  }
0x8d: {  	s2 =	sadd.s32 s2, s17  }
0x8e: {  	[smem:$0x3FC5] =	sst s2  }
0x8f: {  	_ = 	snop  }
0x90: {  	s2 =	sld [smem:$0x3FC9]  }
0x91: {  	s18 =	sld [smem:$0x3FD0];
	(tm) =	ssettm $0x1  }
0x92: {  	s4 =	sld [smem:$0x3FFB];
	_ =	sdelay $0x3  }
0x93: {  	_ =	strace s4  }
0x94: {  	s4 =	sld [smem:$0x3FFC];
	_ =	sdelay $0x3  }
0x95: {  	_ =	strace s4  }
0x96: {  	s4 =	sld [smem:$0x3FFD];
	_ =	sdelay $0x3  }
0x97: {  	_ =	strace s4  }
0x98: {  	_ =	strace $0x8FFFFFFF  }
0x99: {  	s19 =	sld [smem:$0x3FDB];
	_ =	sdelay $0x1  }
0x9a: {  	s5 =	simm.s32 $_scs_section_size  }
0x9b: {  	s6 =	simm.s32 $_size__tile_overlayer_lowered;
	s7 =	simm.s32 $_tile_overlayer_lowered  }
0x9c: {  	s22 =	simm.s32 $0x1BFF;
	s21 =	sshll.u32 s7, $0x1;
	s4 =	sadd.s32 s5, s19  }
0x9d: {  	s8 =	simm.s32 $0x0;
	s20 =	sshll.u32 s6, $0x1;
	s6 =	sadd.s32 s21, s4  }
0x9e: {  	[timem:s8], [sflag:s22] =	dma.local [hbm:s6], s20  }
0x9f: {  	_ =	swait.ge [sflag:s22], s20  }
0xa0: {  	s5 =	ssub.s32 $0x0, s20;
	[sflag:s22] =	ssyncset.done $0x0  }
0xa1: {  	[sflag:s22] =	ssyncadd.s32 s5;
	_ =	sdelay $0x1  }
0xa2: {  	s23 =	simm.s32 $0x1B8B  }
0xa3: {  	_ =	swait.ge [sflag:s23], $0x1  }
0xa4: {  	[sflag:s23] =	ssyncset.done $0x0  }
0xa5: {  	s25 =	simm.s32 $0x1B8E;
	s24 =	sld [smem:$0x3FFE];
	[sflag:s23] =	ssyncadd.s32 $0xFFFFFFFF  }
0xa6: {  	s26 =	simm.s32 $execute0_lowered;
	[smem:$0x3FD2] =	sst s25  }
0xa7: {  	s6 =	sshll.u32 s26, $0x1;
	_ =	strace $0x80000046;
	[dreg:$0x1] =	wrdreg $0xFFFFFFFF  }
0xa8: {  	s28 =	simm.s32 $_size_execute0_lowered;
	s4 =	sadd.s32 s4, s6;
	[dreg:$0x0] =	wrdreg $0x0  }
0xa9: {  	s6 =	sshll.u32 s28, $0x1;
	[dreg:$0x2] =	wrdreg s4  }
0xaa: {  	[dreg:$0x3] =	wrdreg s6  }
0xab: {  	[dreg:$0x4] =	wrdreg $0xC0  }
0xac: {  	_ =	task [dreg:s8], $0x5FFFF  }
0xad: {  	[dreg:$0x1] =	wrdreg $0xFFFFFFFF  }
0xae: {  	[dreg:$0x0] =	wrdreg $0x60  }
0xaf: {  	[dreg:$0x2] =	wrdreg s2  }
0xb0: {  	[dreg:$0x3] =	wrdreg s24  }
0xb1: {  	[dreg:$0x4] =	wrdreg s18  }
0xb2: {  	[dreg:$0x5] =	wrdreg $0x9  }
0xb3: {  	_ =	task.clear_ibuf [dreg:s8], $0x6FFFF;
	_ =	strace $0x90000046  }
0xb4: {  	s29 =	simm.s32 $0x9;
	_ =	strace $0x80000048  }
0xb5: {  	_ =	swait.ge [sflag:s29], $0x1  }
0xb6: {  	[sflag:s29] =	ssyncadd.s32 $0xFFFFFFFF  }
0xb7: {  	_ =	strace $0x90000048  }
0xb8: {  	_ =	sfence  }
0xb9: {  	s30 =	sld [smem:$0x0];
	_ =	sdelay $0x2  }
0xba: {  	s31 =	sshll.u32 s1, $0xD;
	s1 =	sshrl.u32 s1, $0x2  }
0xbb: {  	s3 =	sand.u32 $0x4000, s31;
	s1 =	sadd.s32 s1, s30  }
0xbc: {  	s0 =	sor.u32 s3, s0;
	s1 =	sshll.u32 s1, $0x11  }
0xbd: {  	s0 =	sor.u32 s1, s0  }
0xbe: {  	s0 =	sadd.s32 $0x8F2B, s0  }
0xbf: {  	[sflag:s0] =	ssyncadd.remote.s32 $0x1  }
0xc0: {  	_ =	sfence.sel $0xFFFF  }
0xc1: {  	[dreg:$0x0] =	wrdreg $0xFFFFFFFF;
	(pc) =	sbr.abs _section_cstart, $3  }
0xc2: {  	[dreg:$0x1] =	wrdreg $0xFFFFFFFF  }
0xc3: {  	_ =	task.clear_ibuf [dreg:s8], $0x2FFFF;
	_ =	strace $0x9FFFFFFF  }
0xc4: {  	(tm) =	ssettm $0x7FFFFFFF  }
0xc5: {  	_ =	shalt  }
tec
execute0_lowered:
.L_overlay_start_1:
0x0: {  	(tag) =	ssettag $0x1  }
0x1: {  	s1 =	rddreg [dreg:$0x0]  }
0x2: {  	s0 =	rddreg [dreg:$0x1]  }
0x3: {  	s3 =	rddreg [dreg:$0x2];
	s4 =	simm.s32 $0x0;
	s2 =	srdreg.scid  }
0x4: {  	s5 =	stileid.u32;
	s15 =	simm.s32 $0x8080;
	s16 =	simm.s32 $0x7  }
0x5: {  	s17 =	simm.s32 $0x1;
	s18 =	simm.s32 $0xC080;
	s19 =	simm.s32 $0x2  }
0x6: {  	s20 =	simm.s32 $0x10080;
	s21 =	simm.s32 $0x3;
	s22 =	simm.s32 $0x14080  }
0x7: {  	s23 =	simm.s32 $0x4;
	s24 =	simm.s32 $0x5;
	s25 =	simm.s32 $0x6  }
0x8: {  	[smem:$0x7FF] =	sst s4;
	s2 =	sand.u32 $0x1, s2;
	s5 =	sshll.u32 s5, $0x1  }
0x9: {  	s26 =	simm.s32 $0x0;
	_ =	strace $0x80000047;
	s5 =	sor.u32 s2, s5  }
.Ltmp0:
0xa: {  	s2 =	ssub.s32 $0x2, s2;
	s6 =	sshll.u32 s5, $0x2;
	(pc) =	sbr.rel .LBB2_1-.Ltmp0, $4  }
0xb: {  	s7 =	sshrl.u32 s2, $0x1;
	s8 =	smul.u32 $0x30000, s5;
	s0 =	sadd.s32 s6, s0  }
0xc: {  	s5 =	sshll.u32 s5, $0x1;
	s2 =	ssub.s32 s2, s7;
	s6 =	sadd.s32 $0x400, s0  }
0xd: {  	s7 =	sadd.s32 $0x600, s0;
	s8 =	sadd.s32 s1, s8;
	s11 =	smax.u32 s2, $0x1  }
0xe: {  	[dreg:$0x4] =	wrdreg s6;
	s9 =	sadd.s32 $0x800, s8;
	s10 =	sadd.s32 $0x1000, s8  }
.LBB2_10:
0xf: {  	_ =	swait.ge [sflag:s23], $0x4000  }
0x10: {  	[sflag:s23] =	ssyncset.done $0x0  }
0x11: {  	s26 =	sadd.s32 $0x1, s26;
	[sflag:s23] =	ssyncadd.s32 $0xFFFFC000  }
0x12: {  	p0 =	sne.s32 s26, s11;
	_ =	swait.ge [sflag:s24], $0x4000  }
.Ltmp1:
0x13: {  	[sflag:s24] =	ssyncset.done $0x0;
	(pc) =	sbr.rel @!p0 .LBB2_11-.Ltmp1, $4  }
0x14: {  	[sflag:s24] =	ssyncadd.s32 $0xFFFFC000  }
0x15: {  	_ =	swait.ge [sflag:s25], $0x4000  }
0x16: {  	[sflag:s25] =	ssyncset.done $0x0  }
0x17: {  	[sflag:s25] =	ssyncadd.s32 $0xFFFFC000  }
.LBB2_1:
0x18: {  	s0 =	rddreg [dreg:$0x4]  }
0x19: {  	[tilespmem:s4], [sflag:$0x7] =	stream.linear.gather [hbm4b:s0+s4], $0x20, $0x38;
	[tilespmem:$0x18080] =	vst v63  }
0x1a: {  	s29 =	simm.s32 $0x20  }
0x1b: {  	[tilespmem:s29], [sflag:$0x7] =	stream.linear.gather [hbm4b:s7+s4], $0x20, $0x38;
	[tilespmem:$0x18080] =	vst v63  }
0x1c: {  	s30 =	simm.s32 $0x80  }
0x1d: {  	[tilespmem:s30], [sflag:$0x1] =	stream.linear.gather [hbm4b:s8+s4], $0x4000, $0x38;
	[tilespmem:$0x18080] =	vst v63  }
0x1e: {  	s31 =	simm.s32 $0x4080  }
0x1f: {  	[tilespmem:s31], [sflag:$0x2] =	stream.linear.gather [hbm4b:s9+s4], $0x4000, $0x38;
	[tilespmem:$0x18080] =	vst v63  }
0x20: {  	_ = 	snop  }
0x21: {  	[tilespmem:s15], [sflag:$0x3] =	stream.linear.gather [hbm4b:s10+s4], $0x4000, $0x38;
	[tilespmem:$0x18080] =	vst v63  }
0x22: {  	_ =	swait.ge [sflag:s16], $0x20  }
0x23: {  	[sflag:s16] =	ssyncset.done $0x0  }
0x24: {  	[sflag:s16] =	ssyncadd.s32 $0xFFFFFFE0  }
0x25: {  	_ =	swait.ge [sflag:s16], $0x20  }
0x26: {  	[sflag:s16] =	ssyncset.done $0x0  }
0x27: {  	[sflag:s16] =	ssyncadd.s32 $0xFFFFFFE0  }
0x28: {  	v0 =	vld [tilespmem:$0x0]  }
0x29: {  	v1 =	vld [tilespmem:$0x10]  }
0x2a: {  	v2 =	vld [tilespmem:$0x20]  }
0x2b: {  	v3 =	vld [tilespmem:$0x30];
	_ =	sdelay $0x1  }
0x2c: {  	vm0 =	vlt.f32 v0, $0.0e+00  }
0x2d: {  	vm1 =	vgt.f32 v0, $0.0e+00;
	vm2 =	vlt.f32 v1, $0.0e+00;
	vm3 =	vgt.f32 v1, $0.0e+00  }
0x2e: {  	vm0 =	vmor vm1, vm0;
	vm15 =	vmor vm3, vm2  }
0x2f: {  	s28 =	simm.s32 $0x0;
	v0 =	vnsel vm0, $0x0, v2;
	v1 =	vnsel vm15, $0x0, v3  }
.LBB2_2:
0x30: {  	_ =	swait.ge [sflag:s17], $0x4000  }
0x31: {  	p0 =	seq.s32 s28, $0x0;
	[sflag:s17] =	ssyncset.done $0x0  }
0x32: {  	s0 =	simm.s32 @!p0 $0x4;
	[sflag:s17] =	ssyncadd.s32 $0xFFFFC000  }
0x33: {  	s2 =	simm.s32 $0x0;
	_ =	swait.ge @!p0 [sflag:s0], $0x4000  }
0x34: {  	s6 =	sand.u32 $0x3000, s2;
	s2 =	sand.u32 $0x380, s2;
	[sflag:s0] =	ssyncset.done @!p0 $0x0  }
0x35: {  	s30 =	sor.u32 s2, s6;
	[sflag:s0] =	ssyncadd.s32 @!p0 $0xFFFFC000  }
0x36: {  	v3 =	vld [tilespmem:s30+$0xCF0]  }
0x37: {  	v4 =	vld [tilespmem:s30+$0x80]  }
0x38: {  	v5 =	vld [tilespmem:s30+$0x90]  }
0x39: {  	v6 =	vld [tilespmem:s30+$0xA0]  }
0x3a: {  	v7 =	vld [tilespmem:s30+$0xB0]  }
0x3b: {  	s13 =	sshrl.u32 s28, $0x4;
	v8 =	vld [tilespmem:s30+$0xC0]  }
0x3c: {  	p1 =	seq.s32 s13, $0x0;
	v9 =	vld [tilespmem:s30+$0xD0]  }
0x3d: {  	v2 =	vpsel p1, v0, v1;
	v10 =	vld [tilespmem:s30+$0xE0]  }
0x3e: {  	v3 =	vadd.f32 v3, v2  }
0x3f: {  	v4 =	vadd.f32 v4, v2  }
0x40: {  	[tilespmem:s30+$0xCCF0] =	vst v3;
	v3 =	vadd.f32 v5, v2;
	v5 =	vadd.f32 v6, v2  }
0x41: {  	[tilespmem:s30+$0xC080] =	vst v4;
	v4 =	vld [tilespmem:s30+$0xF0];
	v6 =	vadd.f32 v7, v2;
	v7 =	vadd.f32 v8, v2  }
0x42: {  	v8 =	vadd.f32 v9, v2;
	v9 =	vadd.f32 v10, v2;
	[tilespmem:s30+$0xC090] =	vst v3;
	v3 =	vld [tilespmem:s30+$0x480]  }
0x43: {  	[tilespmem:s30+$0xC0A0] =	vst v5;
	v5 =	vld [tilespmem:s30+$0x490]  }
0x44: {  	[tilespmem:s30+$0xC0E0] =	vst v9;
	v9 =	vld [tilespmem:s30+$0x4D0]  }
0x45: {  	[tilespmem:s30+$0xC0B0] =	vst v6;
	v6 =	vld [tilespmem:s30+$0x4A0]  }
0x46: {  	[tilespmem:s30+$0xC0C0] =	vst v7;
	v7 =	vld [tilespmem:s30+$0x4B0];
	v4 =	vadd.f32 v4, v2  }
0x47: {  	[tilespmem:s30+$0xC0D0] =	vst v8;
	v8 =	vld [tilespmem:s30+$0x4C0];
	v3 =	vadd.f32 v3, v2  }
0x48: {  	[tilespmem:s30+$0xC0F0] =	vst v4;
	v4 =	vld [tilespmem:s30+$0x4E0];
	v5 =	vadd.f32 v5, v2  }
0x49: {  	v9 =	vadd.f32 v9, v2;
	[tilespmem:s30+$0xC480] =	vst v3;
	v3 =	vld [tilespmem:s30+$0x4F0]  }
0x4a: {  	v6 =	vadd.f32 v6, v2;
	[tilespmem:s30+$0xC490] =	vst v5;
	v5 =	vld [tilespmem:s30+$0x880]  }
0x4b: {  	v7 =	vadd.f32 v7, v2;
	[tilespmem:s30+$0xC4D0] =	vst v9;
	v9 =	vld [tilespmem:s30+$0x8C0]  }
0x4c: {  	v8 =	vadd.f32 v8, v2;
	[tilespmem:s30+$0xC4A0] =	vst v6;
	v6 =	vld [tilespmem:s30+$0x890]  }
0x4d: {  	[tilespmem:s30+$0xC4B0] =	vst v7;
	v7 =	vld [tilespmem:s30+$0x8A0];
	v4 =	vadd.f32 v4, v2  }
0x4e: {  	[tilespmem:s30+$0xC4C0] =	vst v8;
	v8 =	vld [tilespmem:s30+$0x8B0];
	v3 =	vadd.f32 v3, v2  }
0x4f: {  	v10 =	vld [tilespmem:s30+$0x8D0];
	[tilespmem:s30+$0xC4E0] =	vst v4;
	v4 =	vadd.f32 v5, v2  }
0x50: {  	v11 =	vld [tilespmem:s30+$0x8E0];
	v5 =	vadd.f32 v9, v2;
	[tilespmem:s30+$0xC4F0] =	vst v3  }
0x51: {  	v3 =	vadd.f32 v6, v2;
	[tilespmem:s30+$0xC880] =	vst v4  }
0x52: {  	v12 =	vld [tilespmem:s30+$0x8F0];
	v4 =	vadd.f32 v7, v2;
	[tilespmem:s30+$0xC8C0] =	vst v5  }
0x53: {  	v7 =	vld [tilespmem:s30+$0xC80];
	[tilespmem:s30+$0xC890] =	vst v3;
	v3 =	vadd.f32 v8, v2  }
0x54: {  	v6 =	vadd.f32 v10, v2;
	[tilespmem:s30+$0xC8A0] =	vst v4;
	v4 =	vld [tilespmem:s30+$0xC90]  }
0x55: {  	s29 =	smul.u32 $0x3, s28;
	v8 =	vadd.f32 v11, v2;
	[tilespmem:s30+$0xC8B0] =	vst v3;
	v3 =	vld [tilespmem:s30+$0xCA0]  }
0x56: {  	s14 =	simm.s32 $0x200;
	s31 =	smul.u32 $0x3FFD0, s13;
	v5 =	vld [tilespmem:s30+$0xCB0];
	[tilespmem:s30+$0xC8D0] =	vst v6  }
0x57: {  	s12 =	simm.s32 $0x80;
	s14 =	sand.u32 $0x3000, s14;
	s2 =	sadd.s32 s5, s13;
	v6 =	vld [tilespmem:s30+$0xCC0];
	[tilespmem:s30+$0xC8E0] =	vst v8;
	v8 =	vadd.f32 v12, v2  }
0x58: {  	s6 =	sand.u32 $0x380, s12;
	s13 =	simm.s32 $0x400;
	s0 =	sadd.s32 s29, s31;
	v9 =	vadd.f32 v7, v2;
	v7 =	vld [tilespmem:s30+$0xCD0]  }
.LBB2_3:
0x59: {  	p1 =	sne.s32 s13, $0x3E00;
	s6 =	sor.u32 s6, s14;
	[tilespmem:s30+$0xC8F0] =	vst v8;
	v4 =	vadd.f32 v4, v2;
	v8 =	vld [tilespmem:s30+$0xCE0]  }
0x5a: {  	v10 =	vld [tilespmem:s6+$0xCF0];
	[tilespmem:s30+$0xCC80] =	vst v9;
	v3 =	vadd.f32 v3, v2  }
0x5b: {  	v9 =	vld [tilespmem:s6+$0x80];
	[tilespmem:s30+$0xCC90] =	vst v4;
	v4 =	vadd.f32 v5, v2  }
0x5c: {  	v5 =	vld [tilespmem:s6+$0x90];
	[tilespmem:s30+$0xCCA0] =	vst v3;
	v3 =	vadd.f32 v6, v2  }
0x5d: {  	v6 =	vld [tilespmem:s6+$0xA0];
	[tilespmem:s30+$0xCCB0] =	vst v4;
	v4 =	vadd.f32 v7, v2  }
0x5e: {  	v7 =	vld [tilespmem:s6+$0xB0];
	[tilespmem:s30+$0xCCC0] =	vst v3;
	v3 =	vadd.f32 v8, v2  }
0x5f: {  	v8 =	vld [tilespmem:s6+$0xC0];
	v10 =	vadd.f32 v10, v2;
	[tilespmem:s30+$0xCCD0] =	vst v4  }
0x60: {  	v4 =	vadd.f32 v9, v2;
	v9 =	vld [tilespmem:s6+$0xD0];
	[tilespmem:s30+$0xCCE0] =	vst v3;
	s30 =	smov.u32 s6  }
0x61: {  	v3 =	vadd.f32 v5, v2;
	v5 =	vld [tilespmem:s30+$0xE0];
	[tilespmem:s30+$0xCCF0] =	vst v10  }
0x62: {  	[tilespmem:s30+$0xC080] =	vst v4;
	v4 =	vadd.f32 v6, v2;
	v6 =	vld [tilespmem:s30+$0xF0]  }
0x63: {  	[tilespmem:s30+$0xC090] =	vst v3;
	v3 =	vadd.f32 v7, v2;
	v7 =	vld [tilespmem:s30+$0x480]  }
0x64: {  	[tilespmem:s30+$0xC0A0] =	vst v4;
	v4 =	vadd.f32 v8, v2;
	v8 =	vld [tilespmem:s30+$0x490]  }
0x65: {  	[tilespmem:s30+$0xC0B0] =	vst v3;
	v3 =	vadd.f32 v9, v2;
	v9 =	vld [tilespmem:s30+$0x4A0]  }
0x66: {  	[tilespmem:s30+$0xC0C0] =	vst v4;
	v4 =	vadd.f32 v5, v2;
	v5 =	vld [tilespmem:s30+$0x4B0]  }
0x67: {  	[tilespmem:s30+$0xC0D0] =	vst v3;
	v3 =	vadd.f32 v6, v2;
	v6 =	vld [tilespmem:s30+$0x4C0]  }
0x68: {  	[tilespmem:s30+$0xC0E0] =	vst v4;
	v4 =	vadd.f32 v7, v2;
	v7 =	vld [tilespmem:s30+$0x4D0]  }
0x69: {  	[tilespmem:s30+$0xC0F0] =	vst v3;
	v3 =	vadd.f32 v8, v2;
	v8 =	vld [tilespmem:s30+$0x4E0]  }
0x6a: {  	[tilespmem:s30+$0xC480] =	vst v4;
	v4 =	vadd.f32 v9, v2;
	v9 =	vld [tilespmem:s30+$0x4F0]  }
0x6b: {  	[tilespmem:s30+$0xC490] =	vst v3;
	v3 =	vadd.f32 v5, v2;
	v5 =	vld [tilespmem:s30+$0x880]  }
0x6c: {  	[tilespmem:s30+$0xC4A0] =	vst v4;
	v4 =	vadd.f32 v6, v2;
	v6 =	vld [tilespmem:s30+$0x890]  }
0x6d: {  	[tilespmem:s30+$0xC4B0] =	vst v3;
	v3 =	vadd.f32 v7, v2;
	v7 =	vld [tilespmem:s30+$0x8A0]  }
0x6e: {  	[tilespmem:s30+$0xC4C0] =	vst v4;
	v4 =	vadd.f32 v8, v2;
	v8 =	vld [tilespmem:s30+$0x8B0]  }
0x6f: {  	[tilespmem:s30+$0xC4D0] =	vst v3;
	v3 =	vadd.f32 v9, v2;
	v9 =	vld [tilespmem:s30+$0x8C0]  }
0x70: {  	[tilespmem:s30+$0xC4E0] =	vst v4;
	v4 =	vadd.f32 v5, v2;
	v5 =	vld [tilespmem:s30+$0x8D0]  }
0x71: {  	[tilespmem:s30+$0xC4F0] =	vst v3;
	v3 =	vadd.f32 v6, v2;
	v6 =	vld [tilespmem:s30+$0x8E0]  }
0x72: {  	[tilespmem:s30+$0xC880] =	vst v4;
	v4 =	vadd.f32 v7, v2;
	v7 =	vld [tilespmem:s30+$0x8F0]  }
0x73: {  	[tilespmem:s30+$0xC890] =	vst v3;
	v3 =	vadd.f32 v8, v2;
	v10 =	vld [tilespmem:s30+$0xC80]  }
.Ltmp2:
0x74: {  	[tilespmem:s30+$0xC8A0] =	vst v4;
	v8 =	vadd.f32 v9, v2;
	v4 =	vld [tilespmem:s30+$0xC90];
	(pc) =	sbr.rel @p1 .LBB2_3-.Ltmp2, $4  }
0x75: {  	[tilespmem:s30+$0xC8B0] =	vst v3;
	v9 =	vadd.f32 v5, v2;
	v3 =	vld [tilespmem:s30+$0xCA0]  }
0x76: {  	[tilespmem:s30+$0xC8C0] =	vst v8;
	v11 =	vadd.f32 v6, v2;
	v5 =	vld [tilespmem:s30+$0xCB0]  }
0x77: {  	s12 =	sadd.s32 $0x80, s12;
	[tilespmem:s30+$0xC8D0] =	vst v9;
	v8 =	vadd.f32 v7, v2;
	v6 =	vld [tilespmem:s30+$0xCC0]  }
0x78: {  	s14 =	sand.u32 $0x3000, s13;
	s13 =	sadd.s32 $0x200, s13;
	s6 =	sand.u32 $0x380, s12;
	[tilespmem:s30+$0xC8E0] =	vst v11;
	v9 =	vadd.f32 v10, v2;
	v7 =	vld [tilespmem:s30+$0xCD0]  }
0x79: {  	[tilespmem:s30+$0xC8F0] =	vst v8;
	s12 =	sor.u32 s6, s14;
	v4 =	vadd.f32 v4, v2;
	v8 =	vld [tilespmem:s30+$0xCE0]  }
0x7a: {  	v10 =	vld [tilespmem:s12+$0xCF0];
	[tilespmem:s30+$0xCC80] =	vst v9;
	v3 =	vadd.f32 v3, v2  }
0x7b: {  	v9 =	vld [tilespmem:s12+$0x80];
	[tilespmem:s30+$0xCC90] =	vst v4;
	v4 =	vadd.f32 v5, v2  }
0x7c: {  	v5 =	vld [tilespmem:s12+$0x90];
	[tilespmem:s30+$0xCCA0] =	vst v3;
	v3 =	vadd.f32 v6, v2  }
0x7d: {  	v6 =	vld [tilespmem:s12+$0xA0];
	[tilespmem:s30+$0xCCB0] =	vst v4;
	v4 =	vadd.f32 v7, v2  }
0x7e: {  	v7 =	vld [tilespmem:s12+$0xB0];
	[tilespmem:s30+$0xCCC0] =	vst v3;
	v3 =	vadd.f32 v8, v2  }
0x7f: {  	v8 =	vld [tilespmem:s12+$0xC0];
	v10 =	vadd.f32 v10, v2;
	[tilespmem:s30+$0xCCD0] =	vst v4  }
0x80: {  	v4 =	vadd.f32 v9, v2;
	v9 =	vld [tilespmem:s12+$0xD0];
	[tilespmem:s30+$0xCCE0] =	vst v3  }
0x81: {  	v3 =	vadd.f32 v5, v2;
	v5 =	vld [tilespmem:s12+$0xE0];
	[tilespmem:s12+$0xCCF0] =	vst v10  }
0x82: {  	[tilespmem:s12+$0xC080] =	vst v4;
	v4 =	vadd.f32 v6, v2;
	v6 =	vld [tilespmem:s12+$0xF0]  }
0x83: {  	[tilespmem:s12+$0xC090] =	vst v3;
	v3 =	vadd.f32 v7, v2;
	v7 =	vld [tilespmem:s12+$0x480]  }
0x84: {  	[tilespmem:s12+$0xC0A0] =	vst v4;
	v4 =	vadd.f32 v8, v2;
	v8 =	vld [tilespmem:s12+$0x490]  }
0x85: {  	[tilespmem:s12+$0xC0B0] =	vst v3;
	v3 =	vadd.f32 v9, v2;
	v9 =	vld [tilespmem:s12+$0x4A0]  }
0x86: {  	[tilespmem:s12+$0xC0C0] =	vst v4;
	v4 =	vadd.f32 v5, v2;
	v5 =	vld [tilespmem:s12+$0x4B0]  }
0x87: {  	[tilespmem:s12+$0xC0D0] =	vst v3;
	v3 =	vadd.f32 v6, v2;
	v6 =	vld [tilespmem:s12+$0x4C0]  }
0x88: {  	[tilespmem:s12+$0xC0E0] =	vst v4;
	v4 =	vadd.f32 v7, v2;
	v7 =	vld [tilespmem:s12+$0x4D0]  }
0x89: {  	[tilespmem:s12+$0xC0F0] =	vst v3;
	v3 =	vadd.f32 v8, v2;
	v8 =	vld [tilespmem:s12+$0x4E0]  }
0x8a: {  	[tilespmem:s12+$0xC480] =	vst v4;
	v4 =	vadd.f32 v9, v2;
	v9 =	vld [tilespmem:s12+$0x4F0]  }
0x8b: {  	[tilespmem:s12+$0xC490] =	vst v3;
	v3 =	vadd.f32 v5, v2;
	v5 =	vld [tilespmem:s12+$0x880]  }
0x8c: {  	[tilespmem:s12+$0xC4A0] =	vst v4;
	v4 =	vadd.f32 v6, v2;
	v6 =	vld [tilespmem:s12+$0x890]  }
0x8d: {  	[tilespmem:s12+$0xC4B0] =	vst v3;
	v3 =	vadd.f32 v7, v2;
	v7 =	vld [tilespmem:s12+$0x8A0]  }
0x8e: {  	[tilespmem:s12+$0xC4C0] =	vst v4;
	v4 =	vadd.f32 v8, v2;
	v8 =	vld [tilespmem:s12+$0x8B0]  }
0x8f: {  	[tilespmem:s12+$0xC4D0] =	vst v3;
	v3 =	vadd.f32 v9, v2;
	v9 =	vld [tilespmem:s12+$0x8C0]  }
0x90: {  	[tilespmem:s12+$0xC4E0] =	vst v4;
	v4 =	vadd.f32 v5, v2;
	v5 =	vld [tilespmem:s12+$0x8D0]  }
0x91: {  	[tilespmem:s12+$0xC4F0] =	vst v3;
	v3 =	vadd.f32 v6, v2;
	v6 =	vld [tilespmem:s12+$0x8E0]  }
0x92: {  	[tilespmem:s12+$0xC880] =	vst v4;
	v4 =	vadd.f32 v7, v2;
	v7 =	vld [tilespmem:s12+$0x8F0]  }
0x93: {  	[tilespmem:s12+$0xC890] =	vst v3;
	v3 =	vadd.f32 v8, v2;
	v8 =	vld [tilespmem:s12+$0xC80]  }
0x94: {  	[tilespmem:s12+$0xC8A0] =	vst v4;
	v4 =	vadd.f32 v9, v2;
	v9 =	vld [tilespmem:s12+$0xC90]  }
0x95: {  	[tilespmem:s12+$0xC8B0] =	vst v3;
	v3 =	vadd.f32 v5, v2;
	v5 =	vld [tilespmem:s12+$0xCA0]  }
0x96: {  	[tilespmem:s12+$0xC8C0] =	vst v4;
	v4 =	vadd.f32 v6, v2;
	v6 =	vld [tilespmem:s12+$0xCB0]  }
0x97: {  	[tilespmem:s12+$0xC8D0] =	vst v3;
	v3 =	vadd.f32 v7, v2;
	v7 =	vld [tilespmem:s12+$0xCC0]  }
0x98: {  	[tilespmem:s12+$0xC8E0] =	vst v4;
	v4 =	vadd.f32 v8, v2;
	v8 =	vld [tilespmem:s12+$0xCD0]  }
0x99: {  	[tilespmem:s12+$0xC8F0] =	vst v3;
	v3 =	vadd.f32 v9, v2;
	v9 =	vld [tilespmem:s12+$0xCE0]  }
0x9a: {  	[tilespmem:s12+$0xCC80] =	vst v4;
	v4 =	vadd.f32 v5, v2  }
0x9b: {  	[tilespmem:s12+$0xCC90] =	vst v3;
	v3 =	vadd.f32 v6, v2  }
0x9c: {  	s30 =	smul.u32 $0xC0000, s2;
	[tilespmem:s12+$0xCCA0] =	vst v4;
	v4 =	vadd.f32 v7, v2  }
0x9d: {  	s0 =	sshll.u32 s0, $0xE;
	[tilespmem:s12+$0xCCB0] =	vst v3;
	v3 =	vadd.f32 v8, v2  }
0x9e: {  	p1 =	seq.s32 s28, $0x1F;
	s0 =	sadd.s32 s30, s0;
	[tilespmem:s12+$0xCCC0] =	vst v4;
	v2 =	vadd.f32 v9, v2  }
0x9f: {  	s2 =	sadd.s32 @!p1 $0x3, s29;
	s0 =	sshrl.u32 s0, $0x3;
	[tilespmem:s12+$0xCCD0] =	vst v3  }
0xa0: {  	s6 =	smulhi.u32 @!p1 $0xAAAAAAAB, s2;
	s0 =	sadd.s32 s3, s0;
	[tilespmem:s12+$0xCCE0] =	vst v2  }
0xa1: {  	[hbm4b:s0+s4] =	stream.linear.scatter [tilespmem:s18], [sflag:$0x4], $0x4000, $0x38;
	[tilespmem:$0x18080] =	vst v63  }
0xa2: {  	s0 =	sshrl.u32 @!p1 s6, $0x5  }
0xa3: {  	s6 =	smul.u32 @!p1 $0x3FFD0, s0  }
0xa4: {  	s0 =	sadd.s32 @!p1 s5, s0  }
0xa5: {  	s0 =	smul.u32 @!p1 $0xC0000, s0;
	s2 =	sadd.s32 @!p1 s2, s6  }
0xa6: {  	s2 =	sshll.u32 @!p1 s2, $0xE  }
0xa7: {  	s0 =	sadd.s32 @!p1 s0, s2  }
0xa8: {  	s0 =	sshrl.u32 @!p1 s0, $0x3  }
0xa9: {  	s6 =	simm.s32 @!p1 $0x80;
	s2 =	simm.s32 @!p1 $0x0;
	s0 =	sadd.s32 @!p1 s1, s0  }
0xaa: {  	[tilespmem:s6], [sflag:$0x1] =	stream.linear.gather @!p1 [hbm4b:s0+s2], $0x4000, $0x38;
	[tilespmem:$0x18080] =	vst v63  }
0xab: {  	_ =	swait.ge [sflag:s19], $0x4000  }
0xac: {  	[sflag:s19] =	ssyncset.done $0x0  }
0xad: {  	s0 =	simm.s32 @!p0 $0x5;
	[sflag:s19] =	ssyncadd.s32 $0xFFFFC000  }
0xae: {  	s12 =	simm.s32 $0x0;
	_ =	swait.ge @!p0 [sflag:s0], $0x4000  }
0xaf: {  	s13 =	sand.u32 $0x3000, s12;
	s2 =	sand.u32 $0x380, s12;
	[sflag:s0] =	ssyncset.done @!p0 $0x0  }
0xb0: {  	s2 =	sor.u32 s2, s13;
	[sflag:s0] =	ssyncadd.s32 @!p0 $0xFFFFC000  }
0xb1: {  	v3 =	vld [tilespmem:s2+$0x4CF0]  }
0xb2: {  	v4 =	vld [tilespmem:s2+$0x4080]  }
0xb3: {  	v5 =	vld [tilespmem:s2+$0x4090]  }
0xb4: {  	p2 =	slt.u32 s28, $0x10;
	v6 =	vld [tilespmem:s2+$0x40A0]  }
0xb5: {  	v2 =	vpsel p2, v0, v1;
	v7 =	vld [tilespmem:s2+$0x40B0]  }
0xb6: {  	v8 =	vld [tilespmem:s2+$0x40C0];
	v3 =	vadd.f32 v3, v2  }
0xb7: {  	v9 =	vld [tilespmem:s2+$0x40D0];
	v4 =	vadd.f32 v4, v2  }
0xb8: {  	v10 =	vld [tilespmem:s2+$0x40E0];
	[tilespmem:s2+$0x10CF0] =	vst v3;
	v3 =	vadd.f32 v5, v2  }
0xb9: {  	[tilespmem:s2+$0x10080] =	vst v4;
	v4 =	vld [tilespmem:s2+$0x40F0];
	v5 =	vadd.f32 v6, v2  }
0xba: {  	v6 =	vadd.f32 v7, v2;
	[tilespmem:s2+$0x10090] =	vst v3;
	v3 =	vld [tilespmem:s2+$0x4480]  }
0xbb: {  	v7 =	vadd.f32 v8, v2;
	[tilespmem:s2+$0x100A0] =	vst v5;
	v5 =	vld [tilespmem:s2+$0x4490]  }
0xbc: {  	v8 =	vadd.f32 v9, v2;
	[tilespmem:s2+$0x100B0] =	vst v6;
	v6 =	vld [tilespmem:s2+$0x44A0]  }
0xbd: {  	v9 =	vadd.f32 v10, v2;
	[tilespmem:s2+$0x100C0] =	vst v7;
	v7 =	vld [tilespmem:s2+$0x44B0]  }
0xbe: {  	[tilespmem:s2+$0x100D0] =	vst v8;
	v8 =	vld [tilespmem:s2+$0x44C0];
	v4 =	vadd.f32 v4, v2  }
0xbf: {  	[tilespmem:s2+$0x100E0] =	vst v9;
	v9 =	vld [tilespmem:s2+$0x44D0];
	v3 =	vadd.f32 v3, v2  }
0xc0: {  	[tilespmem:s2+$0x100F0] =	vst v4;
	v4 =	vld [tilespmem:s2+$0x44E0];
	v5 =	vadd.f32 v5, v2  }
0xc1: {  	v6 =	vadd.f32 v6, v2;
	[tilespmem:s2+$0x10480] =	vst v3;
	v3 =	vld [tilespmem:s2+$0x44F0]  }
0xc2: {  	v7 =	vadd.f32 v7, v2;
	[tilespmem:s2+$0x10490] =	vst v5;
	v5 =	vld [tilespmem:s2+$0x4880]  }
0xc3: {  	v8 =	vadd.f32 v8, v2;
	[tilespmem:s2+$0x104A0] =	vst v6;
	v6 =	vld [tilespmem:s2+$0x4890]  }
0xc4: {  	v9 =	vadd.f32 v9, v2;
	[tilespmem:s2+$0x104B0] =	vst v7;
	v7 =	vld [tilespmem:s2+$0x48A0]  }
0xc5: {  	[tilespmem:s2+$0x104C0] =	vst v8;
	v8 =	vld [tilespmem:s2+$0x48B0];
	v4 =	vadd.f32 v4, v2  }
0xc6: {  	[tilespmem:s2+$0x104D0] =	vst v9;
	v9 =	vld [tilespmem:s2+$0x48C0];
	v3 =	vadd.f32 v3, v2  }
0xc7: {  	[tilespmem:s2+$0x104E0] =	vst v4;
	v4 =	vld [tilespmem:s2+$0x48D0];
	v5 =	vadd.f32 v5, v2  }
0xc8: {  	v10 =	vld [tilespmem:s2+$0x48E0];
	[tilespmem:s2+$0x104F0] =	vst v3;
	v3 =	vadd.f32 v6, v2  }
0xc9: {  	v11 =	vld [tilespmem:s2+$0x48F0];
	[tilespmem:s2+$0x10880] =	vst v5;
	v5 =	vadd.f32 v7, v2  }
0xca: {  	v7 =	vld [tilespmem:s2+$0x4C80];
	[tilespmem:s2+$0x10890] =	vst v3;
	v3 =	vadd.f32 v8, v2  }
0xcb: {  	v6 =	vld [tilespmem:s2+$0x4C90];
	[tilespmem:s2+$0x108A0] =	vst v5;
	v5 =	vadd.f32 v9, v2  }
0xcc: {  	v8 =	vadd.f32 v4, v2;
	[tilespmem:s2+$0x108B0] =	vst v3;
	v3 =	vld [tilespmem:s2+$0x4CA0]  }
0xcd: {  	s14 =	simm.s32 $0x200;
	v9 =	vadd.f32 v10, v2;
	v4 =	vld [tilespmem:s2+$0x4CB0];
	[tilespmem:s2+$0x108C0] =	vst v5  }
0xce: {  	s31 =	sadd.s32 s31, s29;
	s14 =	sand.u32 $0x3000, s14;
	s12 =	simm.s32 $0x80;
	v5 =	vld [tilespmem:s2+$0x4CC0];
	[tilespmem:s2+$0x108D0] =	vst v8;
	v8 =	vadd.f32 v11, v2  }
0xcf: {  	s6 =	sand.u32 $0x380, s12;
	s13 =	simm.s32 $0x400;
	s0 =	sadd.s32 $0x1, s31;
	[tilespmem:s2+$0x108E0] =	vst v9;
	v9 =	vadd.f32 v7, v2;
	v7 =	vld [tilespmem:s2+$0x4CD0]  }
.LBB2_5:
0xd0: {  	p2 =	sne.s32 s13, $0x3E00;
	s6 =	sor.u32 s6, s14;
	[tilespmem:s2+$0x108F0] =	vst v8;
	v6 =	vadd.f32 v6, v2;
	v8 =	vld [tilespmem:s2+$0x4CE0]  }
0xd1: {  	v10 =	vld [tilespmem:s6+$0x4CF0];
	[tilespmem:s2+$0x10C80] =	vst v9;
	v3 =	vadd.f32 v3, v2  }
0xd2: {  	v9 =	vld [tilespmem:s6+$0x4080];
	[tilespmem:s2+$0x10C90] =	vst v6;
	v4 =	vadd.f32 v4, v2  }
0xd3: {  	v6 =	vld [tilespmem:s6+$0x4090];
	[tilespmem:s2+$0x10CA0] =	vst v3;
	v3 =	vadd.f32 v5, v2  }
0xd4: {  	v5 =	vld [tilespmem:s6+$0x40A0];
	[tilespmem:s2+$0x10CB0] =	vst v4;
	v4 =	vadd.f32 v7, v2  }
0xd5: {  	v7 =	vld [tilespmem:s6+$0x40B0];
	[tilespmem:s2+$0x10CC0] =	vst v3;
	v3 =	vadd.f32 v8, v2  }
0xd6: {  	v8 =	vld [tilespmem:s6+$0x40C0];
	v10 =	vadd.f32 v10, v2;
	[tilespmem:s2+$0x10CD0] =	vst v4  }
0xd7: {  	v4 =	vadd.f32 v9, v2;
	v9 =	vld [tilespmem:s6+$0x40D0];
	[tilespmem:s2+$0x10CE0] =	vst v3;
	s2 =	smov.u32 s6  }
0xd8: {  	v3 =	vadd.f32 v6, v2;
	v6 =	vld [tilespmem:s2+$0x40E0];
	[tilespmem:s2+$0x10CF0] =	vst v10  }
0xd9: {  	[tilespmem:s2+$0x10080] =	vst v4;
	v4 =	vadd.f32 v5, v2;
	v5 =	vld [tilespmem:s2+$0x40F0]  }
0xda: {  	[tilespmem:s2+$0x10090] =	vst v3;
	v3 =	vadd.f32 v7, v2;
	v7 =	vld [tilespmem:s2+$0x4480]  }
0xdb: {  	[tilespmem:s2+$0x100A0] =	vst v4;
	v4 =	vadd.f32 v8, v2;
	v8 =	vld [tilespmem:s2+$0x4490]  }
0xdc: {  	[tilespmem:s2+$0x100B0] =	vst v3;
	v3 =	vadd.f32 v9, v2;
	v9 =	vld [tilespmem:s2+$0x44A0]  }
0xdd: {  	[tilespmem:s2+$0x100C0] =	vst v4;
	v4 =	vadd.f32 v6, v2;
	v6 =	vld [tilespmem:s2+$0x44B0]  }
0xde: {  	[tilespmem:s2+$0x100D0] =	vst v3;
	v3 =	vadd.f32 v5, v2;
	v5 =	vld [tilespmem:s2+$0x44C0]  }
0xdf: {  	[tilespmem:s2+$0x100E0] =	vst v4;
	v4 =	vadd.f32 v7, v2;
	v7 =	vld [tilespmem:s2+$0x44D0]  }
0xe0: {  	[tilespmem:s2+$0x100F0] =	vst v3;
	v3 =	vadd.f32 v8, v2;
	v8 =	vld [tilespmem:s2+$0x44E0]  }
0xe1: {  	[tilespmem:s2+$0x10480] =	vst v4;
	v4 =	vadd.f32 v9, v2;
	v9 =	vld [tilespmem:s2+$0x44F0]  }
0xe2: {  	[tilespmem:s2+$0x10490] =	vst v3;
	v3 =	vadd.f32 v6, v2;
	v6 =	vld [tilespmem:s2+$0x4880]  }
0xe3: {  	[tilespmem:s2+$0x104A0] =	vst v4;
	v4 =	vadd.f32 v5, v2;
	v5 =	vld [tilespmem:s2+$0x4890]  }
0xe4: {  	[tilespmem:s2+$0x104B0] =	vst v3;
	v3 =	vadd.f32 v7, v2;
	v7 =	vld [tilespmem:s2+$0x48A0]  }
0xe5: {  	[tilespmem:s2+$0x104C0] =	vst v4;
	v4 =	vadd.f32 v8, v2;
	v8 =	vld [tilespmem:s2+$0x48B0]  }
0xe6: {  	[tilespmem:s2+$0x104D0] =	vst v3;
	v3 =	vadd.f32 v9, v2;
	v9 =	vld [tilespmem:s2+$0x48C0]  }
0xe7: {  	[tilespmem:s2+$0x104E0] =	vst v4;
	v4 =	vadd.f32 v6, v2;
	v10 =	vld [tilespmem:s2+$0x48D0]  }
0xe8: {  	[tilespmem:s2+$0x104F0] =	vst v3;
	v3 =	vadd.f32 v5, v2;
	v5 =	vld [tilespmem:s2+$0x48E0]  }
0xe9: {  	[tilespmem:s2+$0x10880] =	vst v4;
	v4 =	vadd.f32 v7, v2;
	v7 =	vld [tilespmem:s2+$0x48F0]  }
0xea: {  	[tilespmem:s2+$0x10890] =	vst v3;
	v3 =	vadd.f32 v8, v2;
	v11 =	vld [tilespmem:s2+$0x4C80]  }
.Ltmp3:
0xeb: {  	[tilespmem:s2+$0x108A0] =	vst v4;
	v4 =	vadd.f32 v9, v2;
	v6 =	vld [tilespmem:s2+$0x4C90];
	(pc) =	sbr.rel @p2 .LBB2_5-.Ltmp3, $4  }
0xec: {  	[tilespmem:s2+$0x108B0] =	vst v3;
	v8 =	vadd.f32 v10, v2;
	v3 =	vld [tilespmem:s2+$0x4CA0]  }
0xed: {  	[tilespmem:s2+$0x108C0] =	vst v4;
	v9 =	vadd.f32 v5, v2;
	v4 =	vld [tilespmem:s2+$0x4CB0]  }
0xee: {  	s12 =	sadd.s32 $0x80, s12;
	[tilespmem:s2+$0x108D0] =	vst v8;
	v8 =	vadd.f32 v7, v2;
	v5 =	vld [tilespmem:s2+$0x4CC0]  }
0xef: {  	s14 =	sand.u32 $0x3000, s13;
	s13 =	sadd.s32 $0x200, s13;
	s6 =	sand.u32 $0x380, s12;
	[tilespmem:s2+$0x108E0] =	vst v9;
	v9 =	vadd.f32 v11, v2;
	v7 =	vld [tilespmem:s2+$0x4CD0]  }
0xf0: {  	[tilespmem:s2+$0x108F0] =	vst v8;
	s12 =	sor.u32 s6, s14;
	v6 =	vadd.f32 v6, v2;
	v8 =	vld [tilespmem:s2+$0x4CE0]  }
0xf1: {  	v10 =	vld [tilespmem:s12+$0x4CF0];
	[tilespmem:s2+$0x10C80] =	vst v9;
	v3 =	vadd.f32 v3, v2  }
0xf2: {  	v9 =	vld [tilespmem:s12+$0x4080];
	[tilespmem:s2+$0x10C90] =	vst v6;
	v4 =	vadd.f32 v4, v2  }
0xf3: {  	v6 =	vld [tilespmem:s12+$0x4090];
	[tilespmem:s2+$0x10CA0] =	vst v3;
	v3 =	vadd.f32 v5, v2  }
0xf4: {  	v5 =	vld [tilespmem:s12+$0x40A0];
	[tilespmem:s2+$0x10CB0] =	vst v4;
	v4 =	vadd.f32 v7, v2  }
0xf5: {  	v7 =	vld [tilespmem:s12+$0x40B0];
	[tilespmem:s2+$0x10CC0] =	vst v3;
	v3 =	vadd.f32 v8, v2  }
0xf6: {  	v8 =	vld [tilespmem:s12+$0x40C0];
	v10 =	vadd.f32 v10, v2;
	[tilespmem:s2+$0x10CD0] =	vst v4  }
0xf7: {  	v4 =	vadd.f32 v9, v2;
	v9 =	vld [tilespmem:s12+$0x40D0];
	[tilespmem:s2+$0x10CE0] =	vst v3  }
0xf8: {  	v3 =	vadd.f32 v6, v2;
	v6 =	vld [tilespmem:s12+$0x40E0];
	[tilespmem:s12+$0x10CF0] =	vst v10  }
0xf9: {  	[tilespmem:s12+$0x10080] =	vst v4;
	v4 =	vadd.f32 v5, v2;
	v5 =	vld [tilespmem:s12+$0x40F0]  }
0xfa: {  	[tilespmem:s12+$0x10090] =	vst v3;
	v3 =	vadd.f32 v7, v2;
	v7 =	vld [tilespmem:s12+$0x4480]  }
0xfb: {  	[tilespmem:s12+$0x100A0] =	vst v4;
	v4 =	vadd.f32 v8, v2;
	v8 =	vld [tilespmem:s12+$0x4490]  }
0xfc: {  	[tilespmem:s12+$0x100B0] =	vst v3;
	v3 =	vadd.f32 v9, v2;
	v9 =	vld [tilespmem:s12+$0x44A0]  }
0xfd: {  	[tilespmem:s12+$0x100C0] =	vst v4;
	v4 =	vadd.f32 v6, v2;
	v6 =	vld [tilespmem:s12+$0x44B0]  }
0xfe: {  	[tilespmem:s12+$0x100D0] =	vst v3;
	v3 =	vadd.f32 v5, v2;
	v5 =	vld [tilespmem:s12+$0x44C0]  }
0xff: {  	[tilespmem:s12+$0x100E0] =	vst v4;
	v4 =	vadd.f32 v7, v2;
	v7 =	vld [tilespmem:s12+$0x44D0]  }
0x100: {  	[tilespmem:s12+$0x100F0] =	vst v3;
	v3 =	vadd.f32 v8, v2;
	v8 =	vld [tilespmem:s12+$0x44E0]  }
0x101: {  	[tilespmem:s12+$0x10480] =	vst v4;
	v4 =	vadd.f32 v9, v2;
	v9 =	vld [tilespmem:s12+$0x44F0]  }
0x102: {  	[tilespmem:s12+$0x10490] =	vst v3;
	v3 =	vadd.f32 v6, v2;
	v6 =	vld [tilespmem:s12+$0x4880]  }
0x103: {  	[tilespmem:s12+$0x104A0] =	vst v4;
	v4 =	vadd.f32 v5, v2;
	v5 =	vld [tilespmem:s12+$0x4890]  }
0x104: {  	[tilespmem:s12+$0x104B0] =	vst v3;
	v3 =	vadd.f32 v7, v2;
	v7 =	vld [tilespmem:s12+$0x48A0]  }
0x105: {  	[tilespmem:s12+$0x104C0] =	vst v4;
	v4 =	vadd.f32 v8, v2;
	v8 =	vld [tilespmem:s12+$0x48B0]  }
0x106: {  	[tilespmem:s12+$0x104D0] =	vst v3;
	v3 =	vadd.f32 v9, v2;
	v9 =	vld [tilespmem:s12+$0x48C0]  }
0x107: {  	[tilespmem:s12+$0x104E0] =	vst v4;
	v4 =	vadd.f32 v6, v2;
	v6 =	vld [tilespmem:s12+$0x48D0]  }
0x108: {  	[tilespmem:s12+$0x104F0] =	vst v3;
	v3 =	vadd.f32 v5, v2;
	v5 =	vld [tilespmem:s12+$0x48E0]  }
0x109: {  	[tilespmem:s12+$0x10880] =	vst v4;
	v4 =	vadd.f32 v7, v2;
	v7 =	vld [tilespmem:s12+$0x48F0]  }
0x10a: {  	[tilespmem:s12+$0x10890] =	vst v3;
	v3 =	vadd.f32 v8, v2;
	v8 =	vld [tilespmem:s12+$0x4C80]  }
0x10b: {  	[tilespmem:s12+$0x108A0] =	vst v4;
	v4 =	vadd.f32 v9, v2;
	v9 =	vld [tilespmem:s12+$0x4C90]  }
0x10c: {  	[tilespmem:s12+$0x108B0] =	vst v3;
	v3 =	vadd.f32 v6, v2;
	v6 =	vld [tilespmem:s12+$0x4CA0]  }
0x10d: {  	[tilespmem:s12+$0x108C0] =	vst v4;
	v4 =	vadd.f32 v5, v2;
	v5 =	vld [tilespmem:s12+$0x4CB0]  }
0x10e: {  	[tilespmem:s12+$0x108D0] =	vst v3;
	v3 =	vadd.f32 v7, v2;
	v7 =	vld [tilespmem:s12+$0x4CC0]  }
0x10f: {  	[tilespmem:s12+$0x108E0] =	vst v4;
	v4 =	vadd.f32 v8, v2;
	v8 =	vld [tilespmem:s12+$0x4CD0]  }
0x110: {  	[tilespmem:s12+$0x108F0] =	vst v3;
	v3 =	vadd.f32 v9, v2;
	v9 =	vld [tilespmem:s12+$0x4CE0]  }
0x111: {  	[tilespmem:s12+$0x10C80] =	vst v4;
	v4 =	vadd.f32 v6, v2  }
0x112: {  	[tilespmem:s12+$0x10C90] =	vst v3;
	v3 =	vadd.f32 v5, v2  }
0x113: {  	[tilespmem:s12+$0x10CA0] =	vst v4;
	v4 =	vadd.f32 v7, v2  }
0x114: {  	s0 =	sshll.u32 s0, $0xE;
	[tilespmem:s12+$0x10CB0] =	vst v3;
	v3 =	vadd.f32 v8, v2  }
0x115: {  	s0 =	sadd.s32 s30, s0;
	[tilespmem:s12+$0x10CC0] =	vst v4;
	v4 =	vadd.f32 v9, v2  }
0x116: {  	s0 =	sshrl.u32 s0, $0x3;
	s2 =	sadd.s32 @!p1 $0x4, s29;
	[tilespmem:s12+$0x10CD0] =	vst v3  }
0x117: {  	s0 =	sadd.s32 s3, s0;
	s6 =	smulhi.u32 @!p1 $0xAAAAAAAB, s2;
	[tilespmem:s12+$0x10CE0] =	vst v4  }
0x118: {  	[hbm4b:s0+s4] =	stream.linear.scatter [tilespmem:s20], [sflag:$0x5], $0x4000, $0x38;
	[tilespmem:$0x18080] =	vst v63  }
0x119: {  	s0 =	sshrl.u32 @!p1 s6, $0x5  }
0x11a: {  	s6 =	smul.u32 @!p1 $0x3FFD0, s0  }
0x11b: {  	s0 =	sadd.s32 @!p1 s5, s0  }
0x11c: {  	s0 =	smul.u32 @!p1 $0xC0000, s0;
	s2 =	sadd.s32 @!p1 s2, s6  }
0x11d: {  	s2 =	sshll.u32 @!p1 s2, $0xE  }
0x11e: {  	s0 =	sadd.s32 @!p1 s0, s2  }
0x11f: {  	s0 =	sshrl.u32 @!p1 s0, $0x3  }
0x120: {  	s6 =	simm.s32 @!p1 $0x4080;
	s2 =	simm.s32 @!p1 $0x0;
	s0 =	sadd.s32 @!p1 s1, s0  }
0x121: {  	[tilespmem:s6], [sflag:$0x2] =	stream.linear.gather @!p1 [hbm4b:s0+s2], $0x4000, $0x38;
	[tilespmem:$0x18080] =	vst v63  }
0x122: {  	_ =	swait.ge [sflag:s21], $0x4000  }
0x123: {  	[sflag:s21] =	ssyncset.done $0x0  }
0x124: {  	s0 =	simm.s32 @!p0 $0x6;
	[sflag:s21] =	ssyncadd.s32 $0xFFFFC000  }
0x125: {  	s13 =	simm.s32 $0x0;
	_ =	swait.ge @!p0 [sflag:s0], $0x4000  }
0x126: {  	s14 =	sand.u32 $0x3000, s13;
	s2 =	sand.u32 $0x380, s13;
	[sflag:s0] =	ssyncset.done @!p0 $0x0  }
0x127: {  	s2 =	sor.u32 s2, s14;
	[sflag:s0] =	ssyncadd.s32 @!p0 $0xFFFFC000  }
0x128: {  	v3 =	vld [tilespmem:s2+$0x8CF0]  }
0x129: {  	v4 =	vld [tilespmem:s2+$0x8080]  }
0x12a: {  	v5 =	vld [tilespmem:s2+$0x8090]  }
0x12b: {  	v6 =	vld [tilespmem:s2+$0x80A0]  }
0x12c: {  	v7 =	vld [tilespmem:s2+$0x80B0]  }
0x12d: {  	v8 =	vld [tilespmem:s2+$0x80C0];
	v3 =	vadd.f32 v3, v2  }
0x12e: {  	v9 =	vld [tilespmem:s2+$0x80D0];
	v4 =	vadd.f32 v4, v2  }
0x12f: {  	v10 =	vld [tilespmem:s2+$0x80E0];
	[tilespmem:s2+$0x14CF0] =	vst v3;
	v3 =	vadd.f32 v5, v2  }
0x130: {  	[tilespmem:s2+$0x14080] =	vst v4;
	v4 =	vld [tilespmem:s2+$0x80F0];
	v5 =	vadd.f32 v6, v2  }
0x131: {  	v6 =	vadd.f32 v7, v2;
	[tilespmem:s2+$0x14090] =	vst v3;
	v3 =	vld [tilespmem:s2+$0x8480]  }
0x132: {  	v7 =	vadd.f32 v8, v2;
	[tilespmem:s2+$0x140A0] =	vst v5;
	v5 =	vld [tilespmem:s2+$0x8490]  }
0x133: {  	v8 =	vadd.f32 v9, v2;
	[tilespmem:s2+$0x140B0] =	vst v6;
	v6 =	vld [tilespmem:s2+$0x84A0]  }
0x134: {  	v9 =	vadd.f32 v10, v2;
	[tilespmem:s2+$0x140C0] =	vst v7;
	v7 =	vld [tilespmem:s2+$0x84B0]  }
0x135: {  	[tilespmem:s2+$0x140D0] =	vst v8;
	v8 =	vld [tilespmem:s2+$0x84C0];
	v4 =	vadd.f32 v4, v2  }
0x136: {  	[tilespmem:s2+$0x140E0] =	vst v9;
	v9 =	vld [tilespmem:s2+$0x84D0];
	v3 =	vadd.f32 v3, v2  }
0x137: {  	[tilespmem:s2+$0x140F0] =	vst v4;
	v4 =	vld [tilespmem:s2+$0x84E0];
	v5 =	vadd.f32 v5, v2  }
0x138: {  	v6 =	vadd.f32 v6, v2;
	[tilespmem:s2+$0x14480] =	vst v3;
	v3 =	vld [tilespmem:s2+$0x84F0]  }
0x139: {  	v7 =	vadd.f32 v7, v2;
	[tilespmem:s2+$0x14490] =	vst v5;
	v5 =	vld [tilespmem:s2+$0x8880]  }
0x13a: {  	v8 =	vadd.f32 v8, v2;
	[tilespmem:s2+$0x144A0] =	vst v6;
	v6 =	vld [tilespmem:s2+$0x8890]  }
0x13b: {  	v9 =	vadd.f32 v9, v2;
	[tilespmem:s2+$0x144B0] =	vst v7;
	v7 =	vld [tilespmem:s2+$0x88A0]  }
0x13c: {  	[tilespmem:s2+$0x144C0] =	vst v8;
	v8 =	vld [tilespmem:s2+$0x88B0];
	v4 =	vadd.f32 v4, v2  }
0x13d: {  	[tilespmem:s2+$0x144D0] =	vst v9;
	v9 =	vld [tilespmem:s2+$0x88C0];
	v3 =	vadd.f32 v3, v2  }
0x13e: {  	[tilespmem:s2+$0x144E0] =	vst v4;
	v4 =	vld [tilespmem:s2+$0x88D0];
	v5 =	vadd.f32 v5, v2  }
0x13f: {  	v10 =	vld [tilespmem:s2+$0x88E0];
	[tilespmem:s2+$0x144F0] =	vst v3;
	v3 =	vadd.f32 v6, v2  }
0x140: {  	v11 =	vld [tilespmem:s2+$0x88F0];
	[tilespmem:s2+$0x14880] =	vst v5;
	v5 =	vadd.f32 v7, v2  }
0x141: {  	v7 =	vld [tilespmem:s2+$0x8C80];
	[tilespmem:s2+$0x14890] =	vst v3;
	v3 =	vadd.f32 v8, v2  }
0x142: {  	v6 =	vld [tilespmem:s2+$0x8C90];
	[tilespmem:s2+$0x148A0] =	vst v5;
	v5 =	vadd.f32 v9, v2  }
0x143: {  	v8 =	vadd.f32 v4, v2;
	[tilespmem:s2+$0x148B0] =	vst v3;
	v3 =	vld [tilespmem:s2+$0x8CA0]  }
0x144: {  	v9 =	vadd.f32 v10, v2;
	v4 =	vld [tilespmem:s2+$0x8CB0];
	[tilespmem:s2+$0x148C0] =	vst v5  }
0x145: {  	s12 =	simm.s32 $0x80;
	s0 =	sadd.s32 $0x2, s31;
	s31 =	simm.s32 $0x200;
	v5 =	vld [tilespmem:s2+$0x8CC0];
	[tilespmem:s2+$0x148D0] =	vst v8;
	v8 =	vadd.f32 v11, v2  }
0x146: {  	s6 =	sand.u32 $0x380, s12;
	s13 =	simm.s32 $0x400;
	s14 =	sand.u32 $0x3000, s31;
	[tilespmem:s2+$0x148E0] =	vst v9;
	v9 =	vadd.f32 v7, v2;
	v7 =	vld [tilespmem:s2+$0x8CD0]  }
.LBB2_7:
0x147: {  	p0 =	sne.s32 s13, $0x3E00;
	s6 =	sor.u32 s6, s14;
	[tilespmem:s2+$0x148F0] =	vst v8;
	v6 =	vadd.f32 v6, v2;
	v8 =	vld [tilespmem:s2+$0x8CE0]  }
0x148: {  	v10 =	vld [tilespmem:s6+$0x8CF0];
	[tilespmem:s2+$0x14C80] =	vst v9;
	v3 =	vadd.f32 v3, v2  }
0x149: {  	v9 =	vld [tilespmem:s6+$0x8080];
	[tilespmem:s2+$0x14C90] =	vst v6;
	v4 =	vadd.f32 v4, v2  }
0x14a: {  	v6 =	vld [tilespmem:s6+$0x8090];
	[tilespmem:s2+$0x14CA0] =	vst v3;
	v3 =	vadd.f32 v5, v2  }
0x14b: {  	v5 =	vld [tilespmem:s6+$0x80A0];
	[tilespmem:s2+$0x14CB0] =	vst v4;
	v4 =	vadd.f32 v7, v2  }
0x14c: {  	v7 =	vld [tilespmem:s6+$0x80B0];
	[tilespmem:s2+$0x14CC0] =	vst v3;
	v3 =	vadd.f32 v8, v2  }
0x14d: {  	v8 =	vld [tilespmem:s6+$0x80C0];
	v10 =	vadd.f32 v10, v2;
	[tilespmem:s2+$0x14CD0] =	vst v4  }
0x14e: {  	v4 =	vadd.f32 v9, v2;
	v9 =	vld [tilespmem:s6+$0x80D0];
	[tilespmem:s2+$0x14CE0] =	vst v3;
	s2 =	smov.u32 s6  }
0x14f: {  	v3 =	vadd.f32 v6, v2;
	v6 =	vld [tilespmem:s2+$0x80E0];
	[tilespmem:s2+$0x14CF0] =	vst v10  }
0x150: {  	[tilespmem:s2+$0x14080] =	vst v4;
	v4 =	vadd.f32 v5, v2;
	v5 =	vld [tilespmem:s2+$0x80F0]  }
0x151: {  	[tilespmem:s2+$0x14090] =	vst v3;
	v3 =	vadd.f32 v7, v2;
	v7 =	vld [tilespmem:s2+$0x8480]  }
0x152: {  	[tilespmem:s2+$0x140A0] =	vst v4;
	v4 =	vadd.f32 v8, v2;
	v8 =	vld [tilespmem:s2+$0x8490]  }
0x153: {  	[tilespmem:s2+$0x140B0] =	vst v3;
	v3 =	vadd.f32 v9, v2;
	v9 =	vld [tilespmem:s2+$0x84A0]  }
0x154: {  	[tilespmem:s2+$0x140C0] =	vst v4;
	v4 =	vadd.f32 v6, v2;
	v6 =	vld [tilespmem:s2+$0x84B0]  }
0x155: {  	[tilespmem:s2+$0x140D0] =	vst v3;
	v3 =	vadd.f32 v5, v2;
	v5 =	vld [tilespmem:s2+$0x84C0]  }
0x156: {  	[tilespmem:s2+$0x140E0] =	vst v4;
	v4 =	vadd.f32 v7, v2;
	v7 =	vld [tilespmem:s2+$0x84D0]  }
0x157: {  	[tilespmem:s2+$0x140F0] =	vst v3;
	v3 =	vadd.f32 v8, v2;
	v8 =	vld [tilespmem:s2+$0x84E0]  }
0x158: {  	[tilespmem:s2+$0x14480] =	vst v4;
	v4 =	vadd.f32 v9, v2;
	v9 =	vld [tilespmem:s2+$0x84F0]  }
0x159: {  	[tilespmem:s2+$0x14490] =	vst v3;
	v3 =	vadd.f32 v6, v2;
	v6 =	vld [tilespmem:s2+$0x8880]  }
0x15a: {  	[tilespmem:s2+$0x144A0] =	vst v4;
	v4 =	vadd.f32 v5, v2;
	v5 =	vld [tilespmem:s2+$0x8890]  }
0x15b: {  	[tilespmem:s2+$0x144B0] =	vst v3;
	v3 =	vadd.f32 v7, v2;
	v7 =	vld [tilespmem:s2+$0x88A0]  }
0x15c: {  	[tilespmem:s2+$0x144C0] =	vst v4;
	v4 =	vadd.f32 v8, v2;
	v8 =	vld [tilespmem:s2+$0x88B0]  }
0x15d: {  	[tilespmem:s2+$0x144D0] =	vst v3;
	v3 =	vadd.f32 v9, v2;
	v9 =	vld [tilespmem:s2+$0x88C0]  }
0x15e: {  	[tilespmem:s2+$0x144E0] =	vst v4;
	v4 =	vadd.f32 v6, v2;
	v10 =	vld [tilespmem:s2+$0x88D0]  }
0x15f: {  	[tilespmem:s2+$0x144F0] =	vst v3;
	v3 =	vadd.f32 v5, v2;
	v5 =	vld [tilespmem:s2+$0x88E0]  }
0x160: {  	[tilespmem:s2+$0x14880] =	vst v4;
	v4 =	vadd.f32 v7, v2;
	v7 =	vld [tilespmem:s2+$0x88F0]  }
0x161: {  	[tilespmem:s2+$0x14890] =	vst v3;
	v3 =	vadd.f32 v8, v2;
	v11 =	vld [tilespmem:s2+$0x8C80]  }
.Ltmp4:
0x162: {  	[tilespmem:s2+$0x148A0] =	vst v4;
	v4 =	vadd.f32 v9, v2;
	v6 =	vld [tilespmem:s2+$0x8C90];
	(pc) =	sbr.rel @p0 .LBB2_7-.Ltmp4, $4  }
0x163: {  	[tilespmem:s2+$0x148B0] =	vst v3;
	v8 =	vadd.f32 v10, v2;
	v3 =	vld [tilespmem:s2+$0x8CA0]  }
0x164: {  	[tilespmem:s2+$0x148C0] =	vst v4;
	v9 =	vadd.f32 v5, v2;
	v4 =	vld [tilespmem:s2+$0x8CB0]  }
0x165: {  	s12 =	sadd.s32 $0x80, s12;
	[tilespmem:s2+$0x148D0] =	vst v8;
	v8 =	vadd.f32 v7, v2;
	v5 =	vld [tilespmem:s2+$0x8CC0]  }
0x166: {  	s14 =	sand.u32 $0x3000, s13;
	s13 =	sadd.s32 $0x200, s13;
	s6 =	sand.u32 $0x380, s12;
	[tilespmem:s2+$0x148E0] =	vst v9;
	v9 =	vadd.f32 v11, v2;
	v7 =	vld [tilespmem:s2+$0x8CD0]  }
0x167: {  	[tilespmem:s2+$0x148F0] =	vst v8;
	s12 =	sor.u32 s6, s14;
	v6 =	vadd.f32 v6, v2;
	v16 =	vld [tilespmem:s2+$0x8CE0]  }
0x168: {  	v10 =	vld [tilespmem:s12+$0x8CF0];
	[tilespmem:s2+$0x14C80] =	vst v9;
	v3 =	vadd.f32 v3, v2  }
0x169: {  	v17 =	vld [tilespmem:s12+$0x8080];
	[tilespmem:s2+$0x14C90] =	vst v6;
	v4 =	vadd.f32 v4, v2  }
0x16a: {  	v18 =	vld [tilespmem:s12+$0x8090];
	[tilespmem:s2+$0x14CA0] =	vst v3;
	v3 =	vadd.f32 v5, v2  }
0x16b: {  	v19 =	vld [tilespmem:s12+$0x80A0];
	[tilespmem:s2+$0x14CB0] =	vst v4;
	v20 =	vadd.f32 v7, v2  }
0x16c: {  	v21 =	vld [tilespmem:s12+$0x80B0];
	[tilespmem:s2+$0x14CC0] =	vst v3;
	v3 =	vadd.f32 v16, v2  }
0x16d: {  	v22 =	vld [tilespmem:s12+$0x80C0];
	v10 =	vadd.f32 v10, v2;
	[tilespmem:s2+$0x14CD0] =	vst v20  }
0x16e: {  	v24 =	vld [tilespmem:s12+$0x80D0];
	v23 =	vadd.f32 v17, v2;
	[tilespmem:s2+$0x14CE0] =	vst v3  }
0x16f: {  	v25 =	vld [tilespmem:s12+$0x80E0];
	v3 =	vadd.f32 v18, v2;
	[tilespmem:s12+$0x14CF0] =	vst v10  }
0x170: {  	v27 =	vld [tilespmem:s12+$0x80F0];
	v26 =	vadd.f32 v19, v2;
	[tilespmem:s12+$0x14080] =	vst v23  }
0x171: {  	v28 =	vld [tilespmem:s12+$0x8480];
	[tilespmem:s12+$0x14090] =	vst v3;
	v3 =	vadd.f32 v21, v2  }
0x172: {  	v30 =	vld [tilespmem:s12+$0x8490];
	v29 =	vadd.f32 v22, v2;
	[tilespmem:s12+$0x140A0] =	vst v26  }
0x173: {  	v31 =	vld [tilespmem:s12+$0x84A0];
	[tilespmem:s12+$0x140B0] =	vst v3;
	v3 =	vadd.f32 v24, v2  }
0x174: {  	v33 =	vld [tilespmem:s12+$0x84B0];
	v32 =	vadd.f32 v25, v2;
	[tilespmem:s12+$0x140C0] =	vst v29  }
0x175: {  	v34 =	vld [tilespmem:s12+$0x84C0];
	[tilespmem:s12+$0x140D0] =	vst v3;
	v3 =	vadd.f32 v27, v2  }
0x176: {  	v36 =	vld [tilespmem:s12+$0x84D0];
	v35 =	vadd.f32 v28, v2;
	[tilespmem:s12+$0x140E0] =	vst v32  }
0x177: {  	v37 =	vld [tilespmem:s12+$0x84E0];
	[tilespmem:s12+$0x140F0] =	vst v3;
	v3 =	vadd.f32 v30, v2  }
0x178: {  	v39 =	vld [tilespmem:s12+$0x84F0];
	v38 =	vadd.f32 v31, v2;
	[tilespmem:s12+$0x14480] =	vst v35  }
0x179: {  	v40 =	vld [tilespmem:s12+$0x8880];
	[tilespmem:s12+$0x14490] =	vst v3;
	v3 =	vadd.f32 v33, v2  }
0x17a: {  	v42 =	vld [tilespmem:s12+$0x8890];
	v41 =	vadd.f32 v34, v2;
	[tilespmem:s12+$0x144A0] =	vst v38  }
0x17b: {  	v43 =	vld [tilespmem:s12+$0x88A0];
	[tilespmem:s12+$0x144B0] =	vst v3;
	v3 =	vadd.f32 v36, v2  }
0x17c: {  	v45 =	vld [tilespmem:s12+$0x88B0];
	v44 =	vadd.f32 v37, v2;
	[tilespmem:s12+$0x144C0] =	vst v41  }
0x17d: {  	v46 =	vld [tilespmem:s12+$0x88C0];
	[tilespmem:s12+$0x144D0] =	vst v3;
	v3 =	vadd.f32 v39, v2  }
0x17e: {  	v48 =	vld [tilespmem:s12+$0x88D0];
	v47 =	vadd.f32 v40, v2;
	[tilespmem:s12+$0x144E0] =	vst v44  }
0x17f: {  	v49 =	vld [tilespmem:s12+$0x88E0];
	[tilespmem:s12+$0x144F0] =	vst v3;
	v3 =	vadd.f32 v42, v2  }
0x180: {  	v51 =	vld [tilespmem:s12+$0x88F0];
	v50 =	vadd.f32 v43, v2;
	[tilespmem:s12+$0x14880] =	vst v47  }
0x181: {  	v52 =	vld [tilespmem:s12+$0x8C80];
	[tilespmem:s12+$0x14890] =	vst v3;
	v3 =	vadd.f32 v45, v2  }
0x182: {  	v54 =	vld [tilespmem:s12+$0x8C90];
	v53 =	vadd.f32 v46, v2;
	[tilespmem:s12+$0x148A0] =	vst v50  }
0x183: {  	v55 =	vld [tilespmem:s12+$0x8CA0];
	[tilespmem:s12+$0x148B0] =	vst v3;
	v3 =	vadd.f32 v48, v2  }
0x184: {  	v57 =	vld [tilespmem:s12+$0x8CB0];
	v56 =	vadd.f32 v49, v2;
	[tilespmem:s12+$0x148C0] =	vst v53  }
0x185: {  	v58 =	vld [tilespmem:s12+$0x8CC0];
	[tilespmem:s12+$0x148D0] =	vst v3;
	v3 =	vadd.f32 v51, v2  }
0x186: {  	v60 =	vld [tilespmem:s12+$0x8CD0];
	v59 =	vadd.f32 v52, v2;
	[tilespmem:s12+$0x148E0] =	vst v56  }
0x187: {  	v61 =	vld [tilespmem:s12+$0x8CE0];
	[tilespmem:s12+$0x148F0] =	vst v3;
	v3 =	vadd.f32 v54, v2  }
0x188: {  	v62 =	vadd.f32 v55, v2;
	[tilespmem:s12+$0x14C80] =	vst v59  }
0x189: {  	[tilespmem:s12+$0x14C90] =	vst v3;
	v3 =	vadd.f32 v57, v2  }
0x18a: {  	v63 =	vadd.f32 v58, v2;
	[tilespmem:s12+$0x14CA0] =	vst v62  }
.Ltmp5:
0x18b: {  	s0 =	sshll.u32 s0, $0xE;
	[tilespmem:s12+$0x14CB0] =	vst v3;
	v3 =	vadd.f32 v60, v2;
	(pc) =	sbr.rel @p1 .LBB2_10-.Ltmp5, $4  }
0x18c: {  	s0 =	sadd.s32 s30, s0;
	[tilespmem:s12+$0x14CC0] =	vst v63;
	v2 =	vadd.f32 v61, v2  }
0x18d: {  	s0 =	sshrl.u32 s0, $0x3;
	[tilespmem:s12+$0x14CD0] =	vst v3  }
0x18e: {  	s0 =	sadd.s32 s3, s0;
	[tilespmem:s12+$0x14CE0] =	vst v2  }
0x18f: {  	[hbm4b:s0+s4] =	stream.linear.scatter [tilespmem:s22], [sflag:$0x6], $0x4000, $0x38;
	[tilespmem:$0x18080] =	vst v63  }
0x190: {  	s0 =	sadd.s32 $0x5, s29  }
0x191: {  	s2 =	smulhi.u32 $0xAAAAAAAB, s0;
	_ =	sdelay $0x1  }
0x192: {  	s2 =	sshrl.u32 s2, $0x5  }
0x193: {  	s6 =	smul.u32 $0x3FFD0, s2  }
0x194: {  	s2 =	sadd.s32 s5, s2  }
0x195: {  	s2 =	smul.u32 $0xC0000, s2;
	s0 =	sadd.s32 s0, s6  }
.Ltmp6:
0x196: {  	s0 =	sshll.u32 s0, $0xE;
	(pc) =	sbr.rel .LBB2_2-.Ltmp6, $4  }
0x197: {  	s0 =	sadd.s32 s2, s0  }
0x198: {  	s0 =	sshrl.u32 s0, $0x3  }
0x199: {  	s28 =	sadd.s32 $0x1, s28;
	s0 =	sadd.s32 s1, s0  }
0x19a: {  	[tilespmem:s15], [sflag:$0x3] =	stream.linear.gather [hbm4b:s0+s4], $0x4000, $0x38;
	[tilespmem:$0x18080] =	vst v63  }
.LBB2_11:
0x19b: {  	_ =	sfence.sel $0x180000  }
0x19c: {  	[bflag:$0x0] =	sbarrier.arrive $0xFFFF  }
0x19d: {  	_ =	strace $0x90000047  }
0x19e: {  	s0 =	stileid.u32;
	[bflag:$0x2] =	sbarrier.arrive $0xFFFF  }
0x19f: {  	p0 =	sne.s32 s0, $0x0;
	s0 =	rddreg [dreg:$0x3]  }
0x1a0: {  	s0 =	sadd.s32 @!p0 $0x100000, s0  }
0x1a1: {  	[sflag:s0] =	ssyncadd.tile.s32 @!p0 $0x1;
	_ =	shalt  }
.Lfunc_end2:
_tile_overlayer_lowered:
.L_overlay_start_2:
0x1a2: {  	(tag) =	ssettag $0x2  }
0x1a3: {  	s0 =	rddreg [dreg:$0x0];
	s2 =	stileid.u32  }
0x1a4: {  	s1 =	rddreg [dreg:$0x1];
	p0 =	sne.s32 s2, $0x0  }
0x1a5: {  	s3 =	rddreg [dreg:$0x2];
	[bflag:$0x3] =	sbarrier.arrive $0xFFFF;
	s2 =	simm.s32 @!p0 $0x1C08  }
0x1a6: {  	[timem:s3], [sflag:s2] =	dma.local @!p0 [hbm:s0], s1  }
0x1a7: {  	s0 =	simm.s32 @!p0 $0x8  }
0x1a8: {  	_ =	swait.ge @!p0 [sflag:s0], s1  }
0x1a9: {  	s1 =	ssub.s32 @!p0 $0x0, s1;
	[sflag:s0] =	ssyncset.done @!p0 $0x0  }
0x1aa: {  	[sflag:s0] =	ssyncadd.s32 @!p0 s1  }
0x1ab: {  	[bflag:$0x3] =	sbarrier.arrive $0xFFFF  }
0x1ac: {  	_ =	shalt  }

</sc_bundles>
